<compile_context>
chip_gen: v7x
topology: tpu7x:2x2x1
jax: 0.10.2.dev20260603
libtpu: 0.0.44.dev20260713+nightly
codegen_flags: <defaults>
</compile_context>

<pallas_src>
import functools

import jax
import jax.numpy as jnp
from jax import lax
from jax.experimental import pallas as pl
from jax.experimental.pallas import tpu as pltpu
from jax.experimental.pallas import tpu_sc as plsc


def _silu(x):
    return x * jax.nn.sigmoid(x)


def _emb_body(x_ref, w_ref, b_ref, s2s_ref, dst_ref):
    x = x_ref[...]
    for branch, out_ref in ((0, s2s_ref), (1, dst_ref)):
        h = x
        for layer in range(2):
            w = w_ref[branch, layer]
            b = b_ref[branch, layer]
            h = _silu(jnp.dot(h, w, preferred_element_type=jnp.float32) + b)
        out_ref[...] = h


def _emb_mlps(x, emb_W, emb_b):
    n, h = x.shape
    bn = 1000
    return pl.pallas_call(
        _emb_body,
        grid=(n // bn,),
        in_specs=[
            pl.BlockSpec((bn, h), lambda i: (i, 0)),
            pl.BlockSpec((2, 2, h, h), lambda i: (0, 0, 0, 0)),
            pl.BlockSpec((2, 2, h), lambda i: (0, 0, 0)),
        ],
        out_specs=[
            pl.BlockSpec((bn, h), lambda i: (i, 0)),
            pl.BlockSpec((bn, h), lambda i: (i, 0)),
        ],
        out_shape=[
            jax.ShapeDtypeStruct((n, h), jnp.float32),
            jax.ShapeDtypeStruct((n, h), jnp.float32),
        ],
    )(x, emb_W, emb_b)


def _efproj_body(e_ref, wlo_ref, whi_ref, o_ref):
    x = e_ref[...]
    lo = jnp.dot(x, wlo_ref[...], preferred_element_type=jnp.float32)
    hi = jnp.dot(x, whi_ref[...], preferred_element_type=jnp.float32)
    lob = jax.lax.bitcast_convert_type(
        lo.astype(jnp.bfloat16).astype(jnp.float32), jnp.uint32)
    hib = jax.lax.bitcast_convert_type(
        hi.astype(jnp.bfloat16).astype(jnp.float32), jnp.uint32)
    w = (lob >> 16) | (hib & jnp.uint32(0xFFFF0000))
    o_ref[...] = jax.lax.bitcast_convert_type(w, jnp.int32)


def _ef_proj(e, We_lo, We_hi):
    E, f = e.shape
    h2 = We_lo.shape[1]
    be = 8000
    return pl.pallas_call(
        _efproj_body,
        grid=(E // be,),
        in_specs=[
            pl.BlockSpec((be, f), lambda i: (i, 0)),
            pl.BlockSpec((f, h2), lambda i: (0, 0)),
            pl.BlockSpec((f, h2), lambda i: (0, 0)),
        ],
        out_specs=pl.BlockSpec((be, h2), lambda i: (i, 0)),
        out_shape=jax.ShapeDtypeStruct((E, h2), jnp.int32),
    )(e, We_lo, We_hi)


def _sc_aggregate(dst, efp, col, row):
    N, H = dst.shape
    E = col.shape[0]
    NC, NS = 2, 16
    NW = NC * NS
    CH = 80
    EPW = E // NW
    NCHUNK = EPW // CH
    ZR = CH
    NZCH = N // ZR
    ZITER = (NZCH + NS - 1) // NS
    NV = H // 16

    mesh = plsc.VectorSubcoreMesh(core_axis_name="c", subcore_axis_name="s")

    @functools.partial(
        pl.kernel,
        out_type=jax.ShapeDtypeStruct((NC, N, H), jnp.float32),
        mesh=mesh,
        scratch_types=[
            pltpu.VMEM((2, CH), jnp.int32),
            pltpu.VMEM((2, CH), jnp.int32),
            pltpu.VMEM((2, CH, H), jnp.float32),
            pltpu.VMEM((2, CH, H // 2), jnp.int32),
            pltpu.VMEM_SHARED((N, H), jnp.float32),
            pltpu.SemaphoreType.DMA,
            pltpu.SemaphoreType.DMA,
            pltpu.SemaphoreType.DMA,
            pltpu.SemaphoreType.DMA,
            pltpu.SemaphoreType.DMA,
            pltpu.SemaphoreType.DMA,
        ],
    )
    def sc_kernel(dst_hbm, efp_hbm, col_hbm, row_hbm, out_hbm,
                  colv, rowv, rows, efpv, acc,
                  si0, si1, sg0, sg1, se0, se1):
        cid = lax.axis_index("c")
        sid = lax.axis_index("s")
        wid = cid * NS + sid
        base = wid * EPW

        zero = jnp.zeros((16,), jnp.float32)

        def zbody(i, _):
            for j in range(NV):
                rows[0, i, pl.ds(j * 16, 16)] = zero
            return 0

        lax.fori_loop(0, ZR, zbody, 0)
        for k in range(ZITER):
            ch = sid + NS * k

            @pl.when(ch < NZCH)
            def _():
                pltpu.sync_copy(rows.at[0], acc.at[pl.ds(ch * ZR, ZR)])

        plsc.subcore_barrier()

        si = (si0, si1)
        sg = (sg0, sg1)
        se = (se0, se1)

        def issue_col(c, b):
            pltpu.async_copy(col_hbm.at[pl.ds(base + c * CH, CH)], colv.at[b], si[b])

        def issue_row(c, b):
            pltpu.async_copy(row_hbm.at[pl.ds(base + c * CH, CH)], rowv.at[b], si[b])

        def wait_idx(c, b):
            pltpu.make_async_copy(col_hbm.at[pl.ds(base + c * CH, CH)], colv.at[b], si[b]).wait()
            pltpu.make_async_copy(row_hbm.at[pl.ds(base + c * CH, CH)], rowv.at[b], si[b]).wait()

        def issue_data(c, b):
            pltpu.async_copy(efp_hbm.at[pl.ds(base + c * CH, CH)], efpv.at[b], se[b])
            pltpu.async_copy(dst_hbm.at[colv.at[b]], rows.at[b], sg[b])

        def wait_data(c, b):
            pltpu.make_async_copy(efp_hbm.at[pl.ds(base + c * CH, CH)], efpv.at[b], se[b]).wait()
            pltpu.make_async_copy(dst_hbm.at[colv.at[b]], rows.at[b], sg[b]).wait()

        def half(c, s):
            @pl.when(c + 1 < NCHUNK)
            def _():
                wait_idx(c + 1, 1 - s)
                issue_data(c + 1, 1 - s)

            wait_data(c, s)

            @pl.when(c + 2 < NCHUNK)
            def _():
                issue_col(c + 2, s)

            def mul(i, _):
                for j in range(NV // 2):
                    w = efpv[s, i, pl.ds(j * 16, 16)]
                    lo = jax.lax.bitcast_convert_type(w << 16, jnp.float32)
                    hi = jax.lax.bitcast_convert_type(w & jnp.int32(-65536), jnp.float32)
                    sl0 = pl.ds(j * 32, 16)
                    sl1 = pl.ds(j * 32 + 16, 16)
                    rows[s, i, sl0] = rows[s, i, sl0] * lo
                    rows[s, i, sl1] = rows[s, i, sl1] * hi
                return 0

            def mulp(i):
                mul(i, 0)

            plsc.parallel_loop(0, CH, 1, unroll=2)(mulp)
            pltpu.sync_copy(rows.at[s], acc.at[rowv.at[s]], add=True)

            @pl.when(c + 2 < NCHUNK)
            def _():
                issue_row(c + 2, s)

        issue_col(0, 0)
        issue_row(0, 0)
        issue_col(1, 1)
        issue_row(1, 1)
        wait_idx(0, 0)
        issue_data(0, 0)

        def pair(k, _):
            a = 2 * k
            half(a, 0)

            @pl.when(a + 1 < NCHUNK)
            def _():
                half(a + 1, 1)

            return 0

        lax.fori_loop(0, (NCHUNK + 1) // 2, pair, 0)
        plsc.subcore_barrier()

        for k in range(ZITER):
            ch = sid + NS * k

            @pl.when(ch < NZCH)
            def _():
                sl = pl.ds(ch * ZR, ZR)
                pltpu.sync_copy(acc.at[sl], rows.at[0])
                pltpu.sync_copy(rows.at[0], out_hbm.at[cid, sl])

    return sc_kernel(dst, efp, col, row)


def _combine_body(p_ref, s2s_ref, c_ref, cw_ref, cb_ref, ow_ref, ob_ref, o_ref):
    conv = (p_ref[0] + p_ref[1]) * c_ref[0]
    for r in range(2):
        h = conv
        for layer in range(2):
            w = cw_ref[2 * r + layer]
            b = cb_ref[2 * r + layer]
            h = _silu(jnp.dot(h, w, preferred_element_type=jnp.float32) + b)
        conv = conv + h
    s = s2s_ref[...] * conv
    h = s
    for layer in range(2):
        w = ow_ref[layer]
        b = ob_ref[layer]
        h = _silu(jnp.dot(h, w, preferred_element_type=jnp.float32) + b)
    o_ref[...] = s + h


def _combine(partials, s2s, C, conv_W, conv_b, out_W, out_b):
    n, h = s2s.shape
    bn = 1000
    return pl.pallas_call(
        _combine_body,
        grid=(n // bn,),
        in_specs=[
            pl.BlockSpec((2, bn, h), lambda i: (0, i, 0)),
            pl.BlockSpec((bn, h), lambda i: (i, 0)),
            pl.BlockSpec(memory_space=pltpu.MemorySpace.SMEM),
            pl.BlockSpec((4, h, h), lambda i: (0, 0, 0)),
            pl.BlockSpec((4, h), lambda i: (0, 0)),
            pl.BlockSpec((2, h, h), lambda i: (0, 0, 0)),
            pl.BlockSpec((2, h), lambda i: (0, 0)),
        ],
        out_specs=pl.BlockSpec((bn, h), lambda i: (i, 0)),
        out_shape=jax.ShapeDtypeStruct((n, h), jnp.float32),
    )(partials, s2s, C, conv_W, conv_b, out_W, out_b)


def kernel(scalar, ef, edge_index, C, emb_W, emb_b, We, conv_W, conv_b, out_W, out_b):
    x = scalar[0]
    e = ef[0]
    row = edge_index[0, 0].astype(jnp.int32)
    col = edge_index[0, 1].astype(jnp.int32)
    s2s, dst = _emb_mlps(x, emb_W, emb_b)
    m = jnp.arange(We.shape[1] // 2)
    perm_lo = 32 * (m // 16) + m % 16
    efp = _ef_proj(e, We[:, perm_lo], We[:, perm_lo + 16])
    partials = _sc_aggregate(dst, efp, col, row)
    out = _combine(partials, s2s, C, conv_W, conv_b, out_W, out_b)
    return out[None]

# --- scband reference (transcript-rebuilt; emitter-appended) ---
"""Pipeline reference for scband-vd-conv-67534065762904 (READ-ONLY COPY).

The authoritative reference and input builder live on the scoring server;
editing this copy changes nothing except your own understanding.
"""

import jax, jax.numpy as jnp
import numpy as np

B, N, E, HID, EF = 1, 10000, 320000, 128, 16


def silu(x):
    return x * jax.nn.sigmoid(x)


def dense(x, W, b):
    return silu(x @ W + b)


def two_dense(x, Ws, bs):
    return dense(dense(x, Ws[0], bs[0]), Ws[1], bs[1])


def residual(x, Ws, bs):
    return x + two_dense(x, Ws, bs)


def setup_inputs(seed: int = 0):
    key = jax.random.key(seed)
    ks = jax.random.split(key, 16)
    s = 0.05
    inp = {}
    inp['scalar'] = jax.random.normal(ks[0], (B, N, HID), jnp.float32)
    inp['ef'] = jax.random.normal(ks[1], (B, E, EF), jnp.float32)
    inp['edge_index'] = jax.random.randint(ks[2], (B, 2, E), 0, N)
    inp['C'] = jnp.ones((1,), jnp.float32)
    # emb_mlp: 2 used branches (of 3 constructed), each = 2 Dense layers
    inp['emb_W'] = jax.random.normal(ks[3], (2, 2, HID, HID), jnp.float32) * s
    inp['emb_b'] = jax.random.normal(ks[4], (2, 2, HID), jnp.float32) * s
    inp['We'] = jax.random.normal(ks[5], (EF, HID), jnp.float32) * s  # e_linear, no bias
    # conv_mlp: 2 Residuals x 2 Dense = 4 layers
    inp['conv_W'] = jax.random.normal(ks[6], (4, HID, HID), jnp.float32) * s
    inp['conv_b'] = jax.random.normal(ks[7], (4, HID), jnp.float32) * s
    # output_mlp: 1 Residual (2 Dense)
    inp['out_W'] = jax.random.normal(ks[8], (2, HID, HID), jnp.float32) * s
    inp['out_b'] = jax.random.normal(ks[9], (2, HID), jnp.float32) * s
    return inp


def reference(scalar, ef, edge_index, C, emb_W, emb_b, We, conv_W, conv_b, out_W, out_b):
    row = edge_index[:, 0]  # [B, E] destination for scatter
    col = edge_index[:, 1]  # [B, E] source node gather index
    s2s = two_dense(scalar, emb_W[0], emb_b[0])         # [B, N, HID]
    scalar_dst = two_dense(scalar, emb_W[1], emb_b[1])  # [B, N, HID]
    ef_proj = ef @ We                                   # [B, E, HID]
    # gather per batch element: scalar_dst[i][col[i]]
    scalar_edge = jax.vmap(lambda s, c: jnp.take(s, c, axis=0))(scalar_dst, col) * ef_proj
    # scatter-add per batch element over row with dim_size N
    conv = jax.vmap(lambda se, r: jax.ops.segment_sum(se, r, num_segments=N))(scalar_edge, row) * C
    conv = residual(residual(conv, conv_W[:2], conv_b[:2]), conv_W[2:], conv_b[2:])
    scalar = s2s * conv
    scalar = residual(scalar, out_W, out_b)
    return scalar

if __name__ == "__main__":
    import jax
    _d = setup_inputs()
    print(jax.jit(kernel)(*tuple(_d.values())))

</pallas_src>

<mosaic_0001>
#map = affine_map<(d0, d1) -> (0, 0)>
#map1 = affine_map<(d0, d1) -> (0)>
#map2 = affine_map<(d0, d1) -> (0, 0, 0)>
module attributes {stable_mosaic.version = 14 : i64} {
  func.func @sc_kernel(%arg0: i32, %arg1: i32, %arg2: memref<10000x128xf32, #tpu.memory_space<hbm>>, %arg3: memref<320000x64xi32, #tpu.memory_space<hbm>>, %arg4: memref<320000xi32, #tpu.memory_space<hbm>>, %arg5: memref<320000xi32, #tpu.memory_space<hbm>>, %arg6: memref<2x10000x128xf32, #tpu.memory_space<hbm>>, %arg7: memref<2x80xi32, #tpu.memory_space<vmem>>, %arg8: memref<2x80xi32, #tpu.memory_space<vmem>>, %arg9: memref<2x80x128xf32, #tpu.memory_space<vmem>>, %arg10: memref<2x80x64xi32, #tpu.memory_space<vmem>>, %arg11: memref<10000x128xf32, #tpu.memory_space<vmem_shared>>, %arg12: memref<!tpu.dma_semaphore, #tpu.memory_space<semaphore_mem>>, %arg13: memref<!tpu.dma_semaphore, #tpu.memory_space<semaphore_mem>>, %arg14: memref<!tpu.dma_semaphore, #tpu.memory_space<semaphore_mem>>, %arg15: memref<!tpu.dma_semaphore, #tpu.memory_space<semaphore_mem>>, %arg16: memref<!tpu.dma_semaphore, #tpu.memory_space<semaphore_mem>>, %arg17: memref<!tpu.dma_semaphore, #tpu.memory_space<semaphore_mem>>) attributes {dimension_semantics = [#tpu.dimension_semantics<core_parallel>, #tpu.dimension_semantics<subcore_parallel>], iteration_bounds = array<i64: 2, 16>, scalar_prefetch = 0 : i64, scratch_operands = 11 : i64, tpu.core_type = #tpu.core_type<sc_vector_subcore>, window_params = [{transform_indices = #map}, {transform_indices = #map}, {transform_indices = #map1}, {transform_indices = #map1}, {transform_indices = #map2}]} {
    %mul3A = arith.constant 16 : i32
    %mul3A_0 = arith.muli %arg0, %mul3A : i32
    %add3A = arith.addi %mul3A_0, %arg1 : i32
    %mul3A_1 = arith.constant 10000 : i32
    %mul3A_2 = arith.muli %add3A, %mul3A_1 : i32
    %broadcast_in_dim3A = arith.constant 0.000000e+00 : f32
    %broadcast_in_dim3A_3 = vector.broadcast %broadcast_in_dim3A : f32 to vector<16xf32>
    %scan3A = arith.constant 0 : i32
    %scan3A_4 = arith.constant 0 : i32
    %scan3A_5 = arith.constant 80 : i32
    %scan3A_6 = arith.addi %scan3A_4, %scan3A_5 : i32
    %scan3A_7 = arith.constant 1 : i32
    %scan3A_8 = scf.for %scan3A_218 = %scan3A_4 to %scan3A_6 step %scan3A_7 iter_args(%scan3A_219 = %scan3A) -> (i32)  : i32 {
      %swap3A = arith.constant 0 : i32
      %swap3A_220 = arith.index_cast %swap3A : i32 to index
      %swap3A_221 = arith.index_cast %scan3A_218 : i32 to index
      %swap3A_222 = arith.constant 0 : index
      %swap3A_223 = tpu.vector_load %arg9[%swap3A_220, %swap3A_221, %swap3A_222] {strides = array<i32>} : memref<2x80x128xf32, #tpu.memory_space<vmem>>, vector<1x1x16xf32>,
      %swap3A_224 = vector.shape_cast %swap3A_223 : vector<1x1x16xf32> to vector<16xf32>
      %swap3A_225 = vector.shape_cast %broadcast_in_dim3A_3 : vector<16xf32> to vector<1x1x16xf32>
      tpu.vector_store %arg9[%swap3A_220, %swap3A_221, %swap3A_222], %swap3A_225 {strides = array<i32>} : memref<2x80x128xf32, #tpu.memory_space<vmem>>, vector<1x1x16xf32>,
      %swap3A_226 = arith.constant 0 : i32
      %swap3A_227 = arith.index_cast %swap3A_226 : i32 to index
      %swap3A_228 = arith.index_cast %scan3A_218 : i32 to index
      %swap3A_229 = arith.constant 16 : index
      %swap3A_230 = tpu.vector_load %arg9[%swap3A_227, %swap3A_228, %swap3A_229] {strides = array<i32>} : memref<2x80x128xf32, #tpu.memory_space<vmem>>, vector<1x1x16xf32>,
      %swap3A_231 = vector.shape_cast %swap3A_230 : vector<1x1x16xf32> to vector<16xf32>
      %swap3A_232 = vector.shape_cast %broadcast_in_dim3A_3 : vector<16xf32> to vector<1x1x16xf32>
      tpu.vector_store %arg9[%swap3A_227, %swap3A_228, %swap3A_229], %swap3A_232 {strides = array<i32>} : memref<2x80x128xf32, #tpu.memory_space<vmem>>, vector<1x1x16xf32>,
      %swap3A_233 = arith.constant 0 : i32
      %swap3A_234 = arith.index_cast %swap3A_233 : i32 to index
      %swap3A_235 = arith.index_cast %scan3A_218 : i32 to index
      %swap3A_236 = arith.constant 32 : index
      %swap3A_237 = tpu.vector_load %arg9[%swap3A_234, %swap3A_235, %swap3A_236] {strides = array<i32>} : memref<2x80x128xf32, #tpu.memory_space<vmem>>, vector<1x1x16xf32>,
      %swap3A_238 = vector.shape_cast %swap3A_237 : vector<1x1x16xf32> to vector<16xf32>
      %swap3A_239 = vector.shape_cast %broadcast_in_dim3A_3 : vector<16xf32> to vector<1x1x16xf32>
      tpu.vector_store %arg9[%swap3A_234, %swap3A_235, %swap3A_236], %swap3A_239 {strides = array<i32>} : memref<2x80x128xf32, #tpu.memory_space<vmem>>, vector<1x1x16xf32>,
      %swap3A_240 = arith.constant 0 : i32
      %swap3A_241 = arith.index_cast %swap3A_240 : i32 to index
      %swap3A_242 = arith.index_cast %scan3A_218 : i32 to index
      %swap3A_243 = arith.constant 48 : index
      %swap3A_244 = tpu.vector_load %arg9[%swap3A_241, %swap3A_242, %swap3A_243] {strides = array<i32>} : memref<2x80x128xf32, #tpu.memory_space<vmem>>, vector<1x1x16xf32>,
      %swap3A_245 = vector.shape_cast %swap3A_244 : vector<1x1x16xf32> to vector<16xf32>
      %swap3A_246 = vector.shape_cast %broadcast_in_dim3A_3 : vector<16xf32> to vector<1x1x16xf32>
      tpu.vector_store %arg9[%swap3A_241, %swap3A_242, %swap3A_243], %swap3A_246 {strides = array<i32>} : memref<2x80x128xf32, #tpu.memory_space<vmem>>, vector<1x1x16xf32>,
      %swap3A_247 = arith.constant 0 : i32
      %swap3A_248 = arith.index_cast %swap3A_247 : i32 to index
      %swap3A_249 = arith.index_cast %scan3A_218 : i32 to index
      %swap3A_250 = arith.constant 64 : index
      %swap3A_251 = tpu.vector_load %arg9[%swap3A_248, %swap3A_249, %swap3A_250] {strides = array<i32>} : memref<2x80x128xf32, #tpu.memory_space<vmem>>, vector<1x1x16xf32>,
      %swap3A_252 = vector.shape_cast %swap3A_251 : vector<1x1x16xf32> to vector<16xf32>
      %swap3A_253 = vector.shape_cast %broadcast_in_dim3A_3 : vector<16xf32> to vector<1x1x16xf32>
      tpu.vector_store %arg9[%swap3A_248, %swap3A_249, %swap3A_250], %swap3A_253 {strides = array<i32>} : memref<2x80x128xf32, #tpu.memory_space<vmem>>, vector<1x1x16xf32>,
      %swap3A_254 = arith.constant 0 : i32
      %swap3A_255 = arith.index_cast %swap3A_254 : i32 to index
      %swap3A_256 = arith.index_cast %scan3A_218 : i32 to index
      %swap3A_257 = arith.constant 80 : index
      %swap3A_258 = tpu.vector_load %arg9[%swap3A_255, %swap3A_256, %swap3A_257] {strides = array<i32>} : memref<2x80x128xf32, #tpu.memory_space<vmem>>, vector<1x1x16xf32>,
      %swap3A_259 = vector.shape_cast %swap3A_258 : vector<1x1x16xf32> to vector<16xf32>
      %swap3A_260 = vector.shape_cast %broadcast_in_dim3A_3 : vector<16xf32> to vector<1x1x16xf32>
      tpu.vector_store %arg9[%swap3A_255, %swap3A_256, %swap3A_257], %swap3A_260 {strides = array<i32>} : memref<2x80x128xf32, #tpu.memory_space<vmem>>, vector<1x1x16xf32>,
      %swap3A_261 = arith.constant 0 : i32
      %swap3A_262 = arith.index_cast %swap3A_261 : i32 to index
      %swap3A_263 = arith.index_cast %scan3A_218 : i32 to index
      %swap3A_264 = arith.constant 96 : index
      %swap3A_265 = tpu.vector_load %arg9[%swap3A_262, %swap3A_263, %swap3A_264] {strides = array<i32>} : memref<2x80x128xf32, #tpu.memory_space<vmem>>, vector<1x1x16xf32>,
      %swap3A_266 = vector.shape_cast %swap3A_265 : vector<1x1x16xf32> to vector<16xf32>
      %swap3A_267 = vector.shape_cast %broadcast_in_dim3A_3 : vector<16xf32> to vector<1x1x16xf32>
      tpu.vector_store %arg9[%swap3A_262, %swap3A_263, %swap3A_264], %swap3A_267 {strides = array<i32>} : memref<2x80x128xf32, #tpu.memory_space<vmem>>, vector<1x1x16xf32>,
      %swap3A_268 = arith.constant 0 : i32
      %swap3A_269 = arith.index_cast %swap3A_268 : i32 to index
      %swap3A_270 = arith.index_cast %scan3A_218 : i32 to index
      %swap3A_271 = arith.constant 112 : index
      %swap3A_272 = tpu.vector_load %arg9[%swap3A_269, %swap3A_270, %swap3A_271] {strides = array<i32>} : memref<2x80x128xf32, #tpu.memory_space<vmem>>, vector<1x1x16xf32>,
      %swap3A_273 = vector.shape_cast %swap3A_272 : vector<1x1x16xf32> to vector<16xf32>
      %swap3A_274 = vector.shape_cast %broadcast_in_dim3A_3 : vector<16xf32> to vector<1x1x16xf32>
      tpu.vector_store %arg9[%swap3A_269, %swap3A_270, %swap3A_271], %swap3A_274 {strides = array<i32>} : memref<2x80x128xf32, #tpu.memory_space<vmem>>, vector<1x1x16xf32>,
      %scan3A_275 = arith.constant 0 : i32
      scf.yield %scan3A_275 : i32
    }
    %scan3A_9 = arith.constant 80 : i32
    %add3A_10 = arith.constant 0 : i32
    %add3A_11 = arith.addi %arg1, %add3A_10 : i32
    %lt3A = arith.constant 125 : i32
    %lt3A_12 = arith.cmpi slt, %add3A_11, %lt3A : i32
    %convert_element_type3A = arith.extui %lt3A_12 : i1 to i32
    %cond3A = arith.constant 0 : i32
    %cond3A_13 = arith.cmpi ne, %convert_element_type3A, %cond3A : i32
    scf.if %cond3A_13 {
      %mul3A_218 = arith.constant 80 : i32
      %mul3A_219 = arith.muli %add3A_11, %mul3A_218 : i32
      %run_scoped3A = arith.constant 0 : i32
      "tpu.region"() ({
        %run_scoped3A_220 = tpu.sem_alloc : memref<!tpu.dma_semaphore, #tpu.memory_space<semaphore_mem>>
        %dma_start3A_221 = arith.constant 0 : i32
        %dma_start3A_222 = arith.constant 0 : i32
        %dma_start3A_223 = tpu.memref_slice %arg9[%run_scoped3A, %dma_start3A_221, %dma_start3A_222] : memref<2x80x128xf32, #tpu.memory_space<vmem>> -> memref<1x80x128xf32, #tpu.memory_space<vmem>>
        %dma_start3A_224 = tpu.memref_squeeze %dma_start3A_223 : memref<1x80x128xf32, #tpu.memory_space<vmem>> -> memref<80x128xf32, #tpu.memory_space<vmem>>
        %dma_start3A_225 = arith.constant 0 : i32
        %dma_start3A_226 = tpu.memref_slice %arg11[%mul3A_219, %dma_start3A_225] : memref<10000x128xf32, #tpu.memory_space<vmem_shared>> -> memref<80x128xf32, #tpu.memory_space<vmem_shared>>
        %dma_start3A_227 = arith.constant 0 : i32
        %dma_start3A_228 = tpu.memref_slice %arg11[%mul3A_219, %dma_start3A_227] : memref<10000x128xf32, #tpu.memory_space<vmem_shared>> -> memref<80x128xf32, #tpu.memory_space<vmem_shared>>
        %dma_start3A_229 = arith.constant 0 : i32
        %dma_start3A_230 = arith.constant 0 : i32
        %dma_start3A_231 = tpu.memref_slice %arg9[%run_scoped3A, %dma_start3A_229, %dma_start3A_230] : memref<2x80x128xf32, #tpu.memory_space<vmem>> -> memref<1x80x128xf32, #tpu.memory_space<vmem>>
        %dma_start3A_232 = tpu.memref_squeeze %dma_start3A_231 : memref<1x80x128xf32, #tpu.memory_space<vmem>> -> memref<80x128xf32, #tpu.memory_space<vmem>>
        tpu.enqueue_dma source(%dma_start3A_232 : memref<80x128xf32, #tpu.memory_space<vmem>>) target(%dma_start3A_228 : memref<80x128xf32, #tpu.memory_space<vmem_shared>>) target_semaphore(%run_scoped3A_220 : memref<!tpu.dma_semaphore, #tpu.memory_space<semaphore_mem>>)
        %dma_wait3A_233 = arith.constant 0 : i32
        %dma_wait3A_234 = arith.constant 0 : i32
        %dma_wait3A_235 = tpu.memref_slice %arg9[%run_scoped3A, %dma_wait3A_233, %dma_wait3A_234] : memref<2x80x128xf32, #tpu.memory_space<vmem>> -> memref<1x80x128xf32, #tpu.memory_space<vmem>>
        %dma_wait3A_236 = tpu.memref_squeeze %dma_wait3A_235 : memref<1x80x128xf32, #tpu.memory_space<vmem>> -> memref<80x128xf32, #tpu.memory_space<vmem>>
        %dma_wait3A_237 = arith.constant 0 : i32
        %dma_wait3A_238 = tpu.memref_slice %arg11[%mul3A_219, %dma_wait3A_237] : memref<10000x128xf32, #tpu.memory_space<vmem_shared>> -> memref<80x128xf32, #tpu.memory_space<vmem_shared>>
        %dma_wait3A_239 = arith.constant 0 : i32
        %dma_wait3A_240 = tpu.memref_slice %arg11[%mul3A_219, %dma_wait3A_239] : memref<10000x128xf32, #tpu.memory_space<vmem_shared>> -> memref<80x128xf32, #tpu.memory_space<vmem_shared>>
        %dma_wait3A_241 = arith.constant 0 : i32
        %dma_wait3A_242 = arith.constant 0 : i32
        %dma_wait3A_243 = tpu.memref_slice %arg9[%run_scoped3A, %dma_wait3A_241, %dma_wait3A_242] : memref<2x80x128xf32, #tpu.memory_space<vmem>> -> memref<1x80x128xf32, #tpu.memory_space<vmem>>
        %dma_wait3A_244 = tpu.memref_squeeze %dma_wait3A_243 : memref<1x80x128xf32, #tpu.memory_space<vmem>> -> memref<80x128xf32, #tpu.memory_space<vmem>>
        tpu.wait_dma2 semaphore(%run_scoped3A_220 : memref<!tpu.dma_semaphore, #tpu.memory_space<semaphore_mem>>) src(%dma_wait3A_244 : memref<80x128xf32, #tpu.memory_space<vmem>>) dst(%dma_wait3A_240 : memref<80x128xf32, #tpu.memory_space<vmem_shared>>)
        tpu.yield
      }) : () -> ()
    } else {
    }
    %add3A_14 = arith.constant 16 : i32
    %add3A_15 = arith.addi %arg1, %add3A_14 : i32
    %lt3A_16 = arith.constant 125 : i32
    %lt3A_17 = arith.cmpi slt, %add3A_15, %lt3A_16 : i32
    %convert_element_type3A_18 = arith.extui %lt3A_17 : i1 to i32
    %cond3A_19 = arith.constant 0 : i32
    %cond3A_20 = arith.cmpi ne, %convert_element_type3A_18, %cond3A_19 : i32
    scf.if %cond3A_20 {
      %mul3A_218 = arith.constant 80 : i32
      %mul3A_219 = arith.muli %add3A_15, %mul3A_218 : i32
      %run_scoped3A = arith.constant 0 : i32
      "tpu.region"() ({
        %run_scoped3A_220 = tpu.sem_alloc : memref<!tpu.dma_semaphore, #tpu.memory_space<semaphore_mem>>
        %dma_start3A_221 = arith.constant 0 : i32
        %dma_start3A_222 = arith.constant 0 : i32
        %dma_start3A_223 = tpu.memref_slice %arg9[%run_scoped3A, %dma_start3A_221, %dma_start3A_222] : memref<2x80x128xf32, #tpu.memory_space<vmem>> -> memref<1x80x128xf32, #tpu.memory_space<vmem>>
        %dma_start3A_224 = tpu.memref_squeeze %dma_start3A_223 : memref<1x80x128xf32, #tpu.memory_space<vmem>> -> memref<80x128xf32, #tpu.memory_space<vmem>>
        %dma_start3A_225 = arith.constant 0 : i32
        %dma_start3A_226 = tpu.memref_slice %arg11[%mul3A_219, %dma_start3A_225] : memref<10000x128xf32, #tpu.memory_space<vmem_shared>> -> memref<80x128xf32, #tpu.memory_space<vmem_shared>>
        %dma_start3A_227 = arith.constant 0 : i32
        %dma_start3A_228 = tpu.memref_slice %arg11[%mul3A_219, %dma_start3A_227] : memref<10000x128xf32, #tpu.memory_space<vmem_shared>> -> memref<80x128xf32, #tpu.memory_space<vmem_shared>>
        %dma_start3A_229 = arith.constant 0 : i32
        %dma_start3A_230 = arith.constant 0 : i32
        %dma_start3A_231 = tpu.memref_slice %arg9[%run_scoped3A, %dma_start3A_229, %dma_start3A_230] : memref<2x80x128xf32, #tpu.memory_space<vmem>> -> memref<1x80x128xf32, #tpu.memory_space<vmem>>
        %dma_start3A_232 = tpu.memref_squeeze %dma_start3A_231 : memref<1x80x128xf32, #tpu.memory_space<vmem>> -> memref<80x128xf32, #tpu.memory_space<vmem>>
        tpu.enqueue_dma source(%dma_start3A_232 : memref<80x128xf32, #tpu.memory_space<vmem>>) target(%dma_start3A_228 : memref<80x128xf32, #tpu.memory_space<vmem_shared>>) target_semaphore(%run_scoped3A_220 : memref<!tpu.dma_semaphore, #tpu.memory_space<semaphore_mem>>)
        %dma_wait3A_233 = arith.constant 0 : i32
        %dma_wait3A_234 = arith.constant 0 : i32
        %dma_wait3A_235 = tpu.memref_slice %arg9[%run_scoped3A, %dma_wait3A_233, %dma_wait3A_234] : memref<2x80x128xf32, #tpu.memory_space<vmem>> -> memref<1x80x128xf32, #tpu.memory_space<vmem>>
        %dma_wait3A_236 = tpu.memref_squeeze %dma_wait3A_235 : memref<1x80x128xf32, #tpu.memory_space<vmem>> -> memref<80x128xf32, #tpu.memory_space<vmem>>
        %dma_wait3A_237 = arith.constant 0 : i32
        %dma_wait3A_238 = tpu.memref_slice %arg11[%mul3A_219, %dma_wait3A_237] : memref<10000x128xf32, #tpu.memory_space<vmem_shared>> -> memref<80x128xf32, #tpu.memory_space<vmem_shared>>
        %dma_wait3A_239 = arith.constant 0 : i32
        %dma_wait3A_240 = tpu.memref_slice %arg11[%mul3A_219, %dma_wait3A_239] : memref<10000x128xf32, #tpu.memory_space<vmem_shared>> -> memref<80x128xf32, #tpu.memory_space<vmem_shared>>
        %dma_wait3A_241 = arith.constant 0 : i32
        %dma_wait3A_242 = arith.constant 0 : i32
        %dma_wait3A_243 = tpu.memref_slice %arg9[%run_scoped3A, %dma_wait3A_241, %dma_wait3A_242] : memref<2x80x128xf32, #tpu.memory_space<vmem>> -> memref<1x80x128xf32, #tpu.memory_space<vmem>>
        %dma_wait3A_244 = tpu.memref_squeeze %dma_wait3A_243 : memref<1x80x128xf32, #tpu.memory_space<vmem>> -> memref<80x128xf32, #tpu.memory_space<vmem>>
        tpu.wait_dma2 semaphore(%run_scoped3A_220 : memref<!tpu.dma_semaphore, #tpu.memory_space<semaphore_mem>>) src(%dma_wait3A_244 : memref<80x128xf32, #tpu.memory_space<vmem>>) dst(%dma_wait3A_240 : memref<80x128xf32, #tpu.memory_space<vmem_shared>>)
        tpu.yield
      }) : () -> ()
    } else {
    }
    %add3A_21 = arith.constant 32 : i32
    %add3A_22 = arith.addi %arg1, %add3A_21 : i32
    %lt3A_23 = arith.constant 125 : i32
    %lt3A_24 = arith.cmpi slt, %add3A_22, %lt3A_23 : i32
    %convert_element_type3A_25 = arith.extui %lt3A_24 : i1 to i32
    %cond3A_26 = arith.constant 0 : i32
    %cond3A_27 = arith.cmpi ne, %convert_element_type3A_25, %cond3A_26 : i32
    scf.if %cond3A_27 {
      %mul3A_218 = arith.constant 80 : i32
      %mul3A_219 = arith.muli %add3A_22, %mul3A_218 : i32
      %run_scoped3A = arith.constant 0 : i32
      "tpu.region"() ({
        %run_scoped3A_220 = tpu.sem_alloc : memref<!tpu.dma_semaphore, #tpu.memory_space<semaphore_mem>>
        %dma_start3A_221 = arith.constant 0 : i32
        %dma_start3A_222 = arith.constant 0 : i32
        %dma_start3A_223 = tpu.memref_slice %arg9[%run_scoped3A, %dma_start3A_221, %dma_start3A_222] : memref<2x80x128xf32, #tpu.memory_space<vmem>> -> memref<1x80x128xf32, #tpu.memory_space<vmem>>
        %dma_start3A_224 = tpu.memref_squeeze %dma_start3A_223 : memref<1x80x128xf32, #tpu.memory_space<vmem>> -> memref<80x128xf32, #tpu.memory_space<vmem>>
        %dma_start3A_225 = arith.constant 0 : i32
        %dma_start3A_226 = tpu.memref_slice %arg11[%mul3A_219, %dma_start3A_225] : memref<10000x128xf32, #tpu.memory_space<vmem_shared>> -> memref<80x128xf32, #tpu.memory_space<vmem_shared>>
        %dma_start3A_227 = arith.constant 0 : i32
        %dma_start3A_228 = tpu.memref_slice %arg11[%mul3A_219, %dma_start3A_227] : memref<10000x128xf32, #tpu.memory_space<vmem_shared>> -> memref<80x128xf32, #tpu.memory_space<vmem_shared>>
        %dma_start3A_229 = arith.constant 0 : i32
        %dma_start3A_230 = arith.constant 0 : i32
        %dma_start3A_231 = tpu.memref_slice %arg9[%run_scoped3A, %dma_start3A_229, %dma_start3A_230] : memref<2x80x128xf32, #tpu.memory_space<vmem>> -> memref<1x80x128xf32, #tpu.memory_space<vmem>>
        %dma_start3A_232 = tpu.memref_squeeze %dma_start3A_231 : memref<1x80x128xf32, #tpu.memory_space<vmem>> -> memref<80x128xf32, #tpu.memory_space<vmem>>
        tpu.enqueue_dma source(%dma_start3A_232 : memref<80x128xf32, #tpu.memory_space<vmem>>) target(%dma_start3A_228 : memref<80x128xf32, #tpu.memory_space<vmem_shared>>) target_semaphore(%run_scoped3A_220 : memref<!tpu.dma_semaphore, #tpu.memory_space<semaphore_mem>>)
        %dma_wait3A_233 = arith.constant 0 : i32
        %dma_wait3A_234 = arith.constant 0 : i32
        %dma_wait3A_235 = tpu.memref_slice %arg9[%run_scoped3A, %dma_wait3A_233, %dma_wait3A_234] : memref<2x80x128xf32, #tpu.memory_space<vmem>> -> memref<1x80x128xf32, #tpu.memory_space<vmem>>
        %dma_wait3A_236 = tpu.memref_squeeze %dma_wait3A_235 : memref<1x80x128xf32, #tpu.memory_space<vmem>> -> memref<80x128xf32, #tpu.memory_space<vmem>>
        %dma_wait3A_237 = arith.constant 0 : i32
        %dma_wait3A_238 = tpu.memref_slice %arg11[%mul3A_219, %dma_wait3A_237] : memref<10000x128xf32, #tpu.memory_space<vmem_shared>> -> memref<80x128xf32, #tpu.memory_space<vmem_shared>>
        %dma_wait3A_239 = arith.constant 0 : i32
        %dma_wait3A_240 = tpu.memref_slice %arg11[%mul3A_219, %dma_wait3A_239] : memref<10000x128xf32, #tpu.memory_space<vmem_shared>> -> memref<80x128xf32, #tpu.memory_space<vmem_shared>>
        %dma_wait3A_241 = arith.constant 0 : i32
        %dma_wait3A_242 = arith.constant 0 : i32
        %dma_wait3A_243 = tpu.memref_slice %arg9[%run_scoped3A, %dma_wait3A_241, %dma_wait3A_242] : memref<2x80x128xf32, #tpu.memory_space<vmem>> -> memref<1x80x128xf32, #tpu.memory_space<vmem>>
        %dma_wait3A_244 = tpu.memref_squeeze %dma_wait3A_243 : memref<1x80x128xf32, #tpu.memory_space<vmem>> -> memref<80x128xf32, #tpu.memory_space<vmem>>
        tpu.wait_dma2 semaphore(%run_scoped3A_220 : memref<!tpu.dma_semaphore, #tpu.memory_space<semaphore_mem>>) src(%dma_wait3A_244 : memref<80x128xf32, #tpu.memory_space<vmem>>) dst(%dma_wait3A_240 : memref<80x128xf32, #tpu.memory_space<vmem_shared>>)
        tpu.yield
      }) : () -> ()
    } else {
    }
    %add3A_28 = arith.constant 48 : i32
    %add3A_29 = arith.addi %arg1, %add3A_28 : i32
    %lt3A_30 = arith.constant 125 : i32
    %lt3A_31 = arith.cmpi slt, %add3A_29, %lt3A_30 : i32
    %convert_element_type3A_32 = arith.extui %lt3A_31 : i1 to i32
    %cond3A_33 = arith.constant 0 : i32
    %cond3A_34 = arith.cmpi ne, %convert_element_type3A_32, %cond3A_33 : i32
    scf.if %cond3A_34 {
      %mul3A_218 = arith.constant 80 : i32
      %mul3A_219 = arith.muli %add3A_29, %mul3A_218 : i32
      %run_scoped3A = arith.constant 0 : i32
      "tpu.region"() ({
        %run_scoped3A_220 = tpu.sem_alloc : memref<!tpu.dma_semaphore, #tpu.memory_space<semaphore_mem>>
        %dma_start3A_221 = arith.constant 0 : i32
        %dma_start3A_222 = arith.constant 0 : i32
        %dma_start3A_223 = tpu.memref_slice %arg9[%run_scoped3A, %dma_start3A_221, %dma_start3A_222] : memref<2x80x128xf32, #tpu.memory_space<vmem>> -> memref<1x80x128xf32, #tpu.memory_space<vmem>>
        %dma_start3A_224 = tpu.memref_squeeze %dma_start3A_223 : memref<1x80x128xf32, #tpu.memory_space<vmem>> -> memref<80x128xf32, #tpu.memory_space<vmem>>
        %dma_start3A_225 = arith.constant 0 : i32
        %dma_start3A_226 = tpu.memref_slice %arg11[%mul3A_219, %dma_start3A_225] : memref<10000x128xf32, #tpu.memory_space<vmem_shared>> -> memref<80x128xf32, #tpu.memory_space<vmem_shared>>
        %dma_start3A_227 = arith.constant 0 : i32
        %dma_start3A_228 = tpu.memref_slice %arg11[%mul3A_219, %dma_start3A_227] : memref<10000x128xf32, #tpu.memory_space<vmem_shared>> -> memref<80x128xf32, #tpu.memory_space<vmem_shared>>
        %dma_start3A_229 = arith.constant 0 : i32
        %dma_start3A_230 = arith.constant 0 : i32
        %dma_start3A_231 = tpu.memref_slice %arg9[%run_scoped3A, %dma_start3A_229, %dma_start3A_230] : memref<2x80x128xf32, #tpu.memory_space<vmem>> -> memref<1x80x128xf32, #tpu.memory_space<vmem>>
        %dma_start3A_232 = tpu.memref_squeeze %dma_start3A_231 : memref<1x80x128xf32, #tpu.memory_space<vmem>> -> memref<80x128xf32, #tpu.memory_space<vmem>>
        tpu.enqueue_dma source(%dma_start3A_232 : memref<80x128xf32, #tpu.memory_space<vmem>>) target(%dma_start3A_228 : memref<80x128xf32, #tpu.memory_space<vmem_shared>>) target_semaphore(%run_scoped3A_220 : memref<!tpu.dma_semaphore, #tpu.memory_space<semaphore_mem>>)
        %dma_wait3A_233 = arith.constant 0 : i32
        %dma_wait3A_234 = arith.constant 0 : i32
        %dma_wait3A_235 = tpu.memref_slice %arg9[%run_scoped3A, %dma_wait3A_233, %dma_wait3A_234] : memref<2x80x128xf32, #tpu.memory_space<vmem>> -> memref<1x80x128xf32, #tpu.memory_space<vmem>>
        %dma_wait3A_236 = tpu.memref_squeeze %dma_wait3A_235 : memref<1x80x128xf32, #tpu.memory_space<vmem>> -> memref<80x128xf32, #tpu.memory_space<vmem>>
        %dma_wait3A_237 = arith.constant 0 : i32
        %dma_wait3A_238 = tpu.memref_slice %arg11[%mul3A_219, %dma_wait3A_237] : memref<10000x128xf32, #tpu.memory_space<vmem_shared>> -> memref<80x128xf32, #tpu.memory_space<vmem_shared>>
        %dma_wait3A_239 = arith.constant 0 : i32
        %dma_wait3A_240 = tpu.memref_slice %arg11[%mul3A_219, %dma_wait3A_239] : memref<10000x128xf32, #tpu.memory_space<vmem_shared>> -> memref<80x128xf32, #tpu.memory_space<vmem_shared>>
        %dma_wait3A_241 = arith.constant 0 : i32
        %dma_wait3A_242 = arith.constant 0 : i32
        %dma_wait3A_243 = tpu.memref_slice %arg9[%run_scoped3A, %dma_wait3A_241, %dma_wait3A_242] : memref<2x80x128xf32, #tpu.memory_space<vmem>> -> memref<1x80x128xf32, #tpu.memory_space<vmem>>
        %dma_wait3A_244 = tpu.memref_squeeze %dma_wait3A_243 : memref<1x80x128xf32, #tpu.memory_space<vmem>> -> memref<80x128xf32, #tpu.memory_space<vmem>>
        tpu.wait_dma2 semaphore(%run_scoped3A_220 : memref<!tpu.dma_semaphore, #tpu.memory_space<semaphore_mem>>) src(%dma_wait3A_244 : memref<80x128xf32, #tpu.memory_space<vmem>>) dst(%dma_wait3A_240 : memref<80x128xf32, #tpu.memory_space<vmem_shared>>)
        tpu.yield
      }) : () -> ()
    } else {
    }
    %add3A_35 = arith.constant 64 : i32
    %add3A_36 = arith.addi %arg1, %add3A_35 : i32
    %lt3A_37 = arith.constant 125 : i32
    %lt3A_38 = arith.cmpi slt, %add3A_36, %lt3A_37 : i32
    %convert_element_type3A_39 = arith.extui %lt3A_38 : i1 to i32
    %cond3A_40 = arith.constant 0 : i32
    %cond3A_41 = arith.cmpi ne, %convert_element_type3A_39, %cond3A_40 : i32
    scf.if %cond3A_41 {
      %mul3A_218 = arith.constant 80 : i32
      %mul3A_219 = arith.muli %add3A_36, %mul3A_218 : i32
      %run_scoped3A = arith.constant 0 : i32
      "tpu.region"() ({
        %run_scoped3A_220 = tpu.sem_alloc : memref<!tpu.dma_semaphore, #tpu.memory_space<semaphore_mem>>
        %dma_start3A_221 = arith.constant 0 : i32
        %dma_start3A_222 = arith.constant 0 : i32
        %dma_start3A_223 = tpu.memref_slice %arg9[%run_scoped3A, %dma_start3A_221, %dma_start3A_222] : memref<2x80x128xf32, #tpu.memory_space<vmem>> -> memref<1x80x128xf32, #tpu.memory_space<vmem>>
        %dma_start3A_224 = tpu.memref_squeeze %dma_start3A_223 : memref<1x80x128xf32, #tpu.memory_space<vmem>> -> memref<80x128xf32, #tpu.memory_space<vmem>>
        %dma_start3A_225 = arith.constant 0 : i32
        %dma_start3A_226 = tpu.memref_slice %arg11[%mul3A_219, %dma_start3A_225] : memref<10000x128xf32, #tpu.memory_space<vmem_shared>> -> memref<80x128xf32, #tpu.memory_space<vmem_shared>>
        %dma_start3A_227 = arith.constant 0 : i32
        %dma_start3A_228 = tpu.memref_slice %arg11[%mul3A_219, %dma_start3A_227] : memref<10000x128xf32, #tpu.memory_space<vmem_shared>> -> memref<80x128xf32, #tpu.memory_space<vmem_shared>>
        %dma_start3A_229 = arith.constant 0 : i32
        %dma_start3A_230 = arith.constant 0 : i32
        %dma_start3A_231 = tpu.memref_slice %arg9[%run_scoped3A, %dma_start3A_229, %dma_start3A_230] : memref<2x80x128xf32, #tpu.memory_space<vmem>> -> memref<1x80x128xf32, #tpu.memory_space<vmem>>
        %dma_start3A_232 = tpu.memref_squeeze %dma_start3A_231 : memref<1x80x128xf32, #tpu.memory_space<vmem>> -> memref<80x128xf32, #tpu.memory_space<vmem>>
        tpu.enqueue_dma source(%dma_start3A_232 : memref<80x128xf32, #tpu.memory_space<vmem>>) target(%dma_start3A_228 : memref<80x128xf32, #tpu.memory_space<vmem_shared>>) target_semaphore(%run_scoped3A_220 : memref<!tpu.dma_semaphore, #tpu.memory_space<semaphore_mem>>)
        %dma_wait3A_233 = arith.constant 0 : i32
        %dma_wait3A_234 = arith.constant 0 : i32
        %dma_wait3A_235 = tpu.memref_slice %arg9[%run_scoped3A, %dma_wait3A_233, %dma_wait3A_234] : memref<2x80x128xf32, #tpu.memory_space<vmem>> -> memref<1x80x128xf32, #tpu.memory_space<vmem>>
        %dma_wait3A_236 = tpu.memref_squeeze %dma_wait3A_235 : memref<1x80x128xf32, #tpu.memory_space<vmem>> -> memref<80x128xf32, #tpu.memory_space<vmem>>
        %dma_wait3A_237 = arith.constant 0 : i32
        %dma_wait3A_238 = tpu.memref_slice %arg11[%mul3A_219, %dma_wait3A_237] : memref<10000x128xf32, #tpu.memory_space<vmem_shared>> -> memref<80x128xf32, #tpu.memory_space<vmem_shared>>
        %dma_wait3A_239 = arith.constant 0 : i32
        %dma_wait3A_240 = tpu.memref_slice %arg11[%mul3A_219, %dma_wait3A_239] : memref<10000x128xf32, #tpu.memory_space<vmem_shared>> -> memref<80x128xf32, #tpu.memory_space<vmem_shared>>
        %dma_wait3A_241 = arith.constant 0 : i32
        %dma_wait3A_242 = arith.constant 0 : i32
        %dma_wait3A_243 = tpu.memref_slice %arg9[%run_scoped3A, %dma_wait3A_241, %dma_wait3A_242] : memref<2x80x128xf32, #tpu.memory_space<vmem>> -> memref<1x80x128xf32, #tpu.memory_space<vmem>>
        %dma_wait3A_244 = tpu.memref_squeeze %dma_wait3A_243 : memref<1x80x128xf32, #tpu.memory_space<vmem>> -> memref<80x128xf32, #tpu.memory_space<vmem>>
        tpu.wait_dma2 semaphore(%run_scoped3A_220 : memref<!tpu.dma_semaphore, #tpu.memory_space<semaphore_mem>>) src(%dma_wait3A_244 : memref<80x128xf32, #tpu.memory_space<vmem>>) dst(%dma_wait3A_240 : memref<80x128xf32, #tpu.memory_space<vmem_shared>>)
        tpu.yield
      }) : () -> ()
    } else {
    }
    %add3A_42 = arith.constant 80 : i32
    %add3A_43 = arith.addi %arg1, %add3A_42 : i32
    %lt3A_44 = arith.constant 125 : i32
    %lt3A_45 = arith.cmpi slt, %add3A_43, %lt3A_44 : i32
    %convert_element_type3A_46 = arith.extui %lt3A_45 : i1 to i32
    %cond3A_47 = arith.constant 0 : i32
    %cond3A_48 = arith.cmpi ne, %convert_element_type3A_46, %cond3A_47 : i32
    scf.if %cond3A_48 {
      %mul3A_218 = arith.constant 80 : i32
      %mul3A_219 = arith.muli %add3A_43, %mul3A_218 : i32
      %run_scoped3A = arith.constant 0 : i32
      "tpu.region"() ({
        %run_scoped3A_220 = tpu.sem_alloc : memref<!tpu.dma_semaphore, #tpu.memory_space<semaphore_mem>>
        %dma_start3A_221 = arith.constant 0 : i32
        %dma_start3A_222 = arith.constant 0 : i32
        %dma_start3A_223 = tpu.memref_slice %arg9[%run_scoped3A, %dma_start3A_221, %dma_start3A_222] : memref<2x80x128xf32, #tpu.memory_space<vmem>> -> memref<1x80x128xf32, #tpu.memory_space<vmem>>
        %dma_start3A_224 = tpu.memref_squeeze %dma_start3A_223 : memref<1x80x128xf32, #tpu.memory_space<vmem>> -> memref<80x128xf32, #tpu.memory_space<vmem>>
        %dma_start3A_225 = arith.constant 0 : i32
        %dma_start3A_226 = tpu.memref_slice %arg11[%mul3A_219, %dma_start3A_225] : memref<10000x128xf32, #tpu.memory_space<vmem_shared>> -> memref<80x128xf32, #tpu.memory_space<vmem_shared>>
        %dma_start3A_227 = arith.constant 0 : i32
        %dma_start3A_228 = tpu.memref_slice %arg11[%mul3A_219, %dma_start3A_227] : memref<10000x128xf32, #tpu.memory_space<vmem_shared>> -> memref<80x128xf32, #tpu.memory_space<vmem_shared>>
        %dma_start3A_229 = arith.constant 0 : i32
        %dma_start3A_230 = arith.constant 0 : i32
        %dma_start3A_231 = tpu.memref_slice %arg9[%run_scoped3A, %dma_start3A_229, %dma_start3A_230] : memref<2x80x128xf32, #tpu.memory_space<vmem>> -> memref<1x80x128xf32, #tpu.memory_space<vmem>>
        %dma_start3A_232 = tpu.memref_squeeze %dma_start3A_231 : memref<1x80x128xf32, #tpu.memory_space<vmem>> -> memref<80x128xf32, #tpu.memory_space<vmem>>
        tpu.enqueue_dma source(%dma_start3A_232 : memref<80x128xf32, #tpu.memory_space<vmem>>) target(%dma_start3A_228 : memref<80x128xf32, #tpu.memory_space<vmem_shared>>) target_semaphore(%run_scoped3A_220 : memref<!tpu.dma_semaphore, #tpu.memory_space<semaphore_mem>>)
        %dma_wait3A_233 = arith.constant 0 : i32
        %dma_wait3A_234 = arith.constant 0 : i32
        %dma_wait3A_235 = tpu.memref_slice %arg9[%run_scoped3A, %dma_wait3A_233, %dma_wait3A_234] : memref<2x80x128xf32, #tpu.memory_space<vmem>> -> memref<1x80x128xf32, #tpu.memory_space<vmem>>
        %dma_wait3A_236 = tpu.memref_squeeze %dma_wait3A_235 : memref<1x80x128xf32, #tpu.memory_space<vmem>> -> memref<80x128xf32, #tpu.memory_space<vmem>>
        %dma_wait3A_237 = arith.constant 0 : i32
        %dma_wait3A_238 = tpu.memref_slice %arg11[%mul3A_219, %dma_wait3A_237] : memref<10000x128xf32, #tpu.memory_space<vmem_shared>> -> memref<80x128xf32, #tpu.memory_space<vmem_shared>>
        %dma_wait3A_239 = arith.constant 0 : i32
        %dma_wait3A_240 = tpu.memref_slice %arg11[%mul3A_219, %dma_wait3A_239] : memref<10000x128xf32, #tpu.memory_space<vmem_shared>> -> memref<80x128xf32, #tpu.memory_space<vmem_shared>>
        %dma_wait3A_241 = arith.constant 0 : i32
        %dma_wait3A_242 = arith.constant 0 : i32
        %dma_wait3A_243 = tpu.memref_slice %arg9[%run_scoped3A, %dma_wait3A_241, %dma_wait3A_242] : memref<2x80x128xf32, #tpu.memory_space<vmem>> -> memref<1x80x128xf32, #tpu.memory_space<vmem>>
        %dma_wait3A_244 = tpu.memref_squeeze %dma_wait3A_243 : memref<1x80x128xf32, #tpu.memory_space<vmem>> -> memref<80x128xf32, #tpu.memory_space<vmem>>
        tpu.wait_dma2 semaphore(%run_scoped3A_220 : memref<!tpu.dma_semaphore, #tpu.memory_space<semaphore_mem>>) src(%dma_wait3A_244 : memref<80x128xf32, #tpu.memory_space<vmem>>) dst(%dma_wait3A_240 : memref<80x128xf32, #tpu.memory_space<vmem_shared>>)
        tpu.yield
      }) : () -> ()
    } else {
    }
    %add3A_49 = arith.constant 96 : i32
    %add3A_50 = arith.addi %arg1, %add3A_49 : i32
    %lt3A_51 = arith.constant 125 : i32
    %lt3A_52 = arith.cmpi slt, %add3A_50, %lt3A_51 : i32
    %convert_element_type3A_53 = arith.extui %lt3A_52 : i1 to i32
    %cond3A_54 = arith.constant 0 : i32
    %cond3A_55 = arith.cmpi ne, %convert_element_type3A_53, %cond3A_54 : i32
    scf.if %cond3A_55 {
      %mul3A_218 = arith.constant 80 : i32
      %mul3A_219 = arith.muli %add3A_50, %mul3A_218 : i32
      %run_scoped3A = arith.constant 0 : i32
      "tpu.region"() ({
        %run_scoped3A_220 = tpu.sem_alloc : memref<!tpu.dma_semaphore, #tpu.memory_space<semaphore_mem>>
        %dma_start3A_221 = arith.constant 0 : i32
        %dma_start3A_222 = arith.constant 0 : i32
        %dma_start3A_223 = tpu.memref_slice %arg9[%run_scoped3A, %dma_start3A_221, %dma_start3A_222] : memref<2x80x128xf32, #tpu.memory_space<vmem>> -> memref<1x80x128xf32, #tpu.memory_space<vmem>>
        %dma_start3A_224 = tpu.memref_squeeze %dma_start3A_223 : memref<1x80x128xf32, #tpu.memory_space<vmem>> -> memref<80x128xf32, #tpu.memory_space<vmem>>
        %dma_start3A_225 = arith.constant 0 : i32
        %dma_start3A_226 = tpu.memref_slice %arg11[%mul3A_219, %dma_start3A_225] : memref<10000x128xf32, #tpu.memory_space<vmem_shared>> -> memref<80x128xf32, #tpu.memory_space<vmem_shared>>
        %dma_start3A_227 = arith.constant 0 : i32
        %dma_start3A_228 = tpu.memref_slice %arg11[%mul3A_219, %dma_start3A_227] : memref<10000x128xf32, #tpu.memory_space<vmem_shared>> -> memref<80x128xf32, #tpu.memory_space<vmem_shared>>
        %dma_start3A_229 = arith.constant 0 : i32
        %dma_start3A_230 = arith.constant 0 : i32
        %dma_start3A_231 = tpu.memref_slice %arg9[%run_scoped3A, %dma_start3A_229, %dma_start3A_230] : memref<2x80x128xf32, #tpu.memory_space<vmem>> -> memref<1x80x128xf32, #tpu.memory_space<vmem>>
        %dma_start3A_232 = tpu.memref_squeeze %dma_start3A_231 : memref<1x80x128xf32, #tpu.memory_space<vmem>> -> memref<80x128xf32, #tpu.memory_space<vmem>>
        tpu.enqueue_dma source(%dma_start3A_232 : memref<80x128xf32, #tpu.memory_space<vmem>>) target(%dma_start3A_228 : memref<80x128xf32, #tpu.memory_space<vmem_shared>>) target_semaphore(%run_scoped3A_220 : memref<!tpu.dma_semaphore, #tpu.memory_space<semaphore_mem>>)
        %dma_wait3A_233 = arith.constant 0 : i32
        %dma_wait3A_234 = arith.constant 0 : i32
        %dma_wait3A_235 = tpu.memref_slice %arg9[%run_scoped3A, %dma_wait3A_233, %dma_wait3A_234] : memref<2x80x128xf32, #tpu.memory_space<vmem>> -> memref<1x80x128xf32, #tpu.memory_space<vmem>>
        %dma_wait3A_236 = tpu.memref_squeeze %dma_wait3A_235 : memref<1x80x128xf32, #tpu.memory_space<vmem>> -> memref<80x128xf32, #tpu.memory_space<vmem>>
        %dma_wait3A_237 = arith.constant 0 : i32
        %dma_wait3A_238 = tpu.memref_slice %arg11[%mul3A_219, %dma_wait3A_237] : memref<10000x128xf32, #tpu.memory_space<vmem_shared>> -> memref<80x128xf32, #tpu.memory_space<vmem_shared>>
        %dma_wait3A_239 = arith.constant 0 : i32
        %dma_wait3A_240 = tpu.memref_slice %arg11[%mul3A_219, %dma_wait3A_239] : memref<10000x128xf32, #tpu.memory_space<vmem_shared>> -> memref<80x128xf32, #tpu.memory_space<vmem_shared>>
        %dma_wait3A_241 = arith.constant 0 : i32
        %dma_wait3A_242 = arith.constant 0 : i32
        %dma_wait3A_243 = tpu.memref_slice %arg9[%run_scoped3A, %dma_wait3A_241, %dma_wait3A_242] : memref<2x80x128xf32, #tpu.memory_space<vmem>> -> memref<1x80x128xf32, #tpu.memory_space<vmem>>
        %dma_wait3A_244 = tpu.memref_squeeze %dma_wait3A_243 : memref<1x80x128xf32, #tpu.memory_space<vmem>> -> memref<80x128xf32, #tpu.memory_space<vmem>>
        tpu.wait_dma2 semaphore(%run_scoped3A_220 : memref<!tpu.dma_semaphore, #tpu.memory_space<semaphore_mem>>) src(%dma_wait3A_244 : memref<80x128xf32, #tpu.memory_space<vmem>>) dst(%dma_wait3A_240 : memref<80x128xf32, #tpu.memory_space<vmem_shared>>)
        tpu.yield
      }) : () -> ()
    } else {
    }
    %add3A_56 = arith.constant 112 : i32
    %add3A_57 = arith.addi %arg1, %add3A_56 : i32
    %lt3A_58 = arith.constant 125 : i32
    %lt3A_59 = arith.cmpi slt, %add3A_57, %lt3A_58 : i32
    %convert_element_type3A_60 = arith.extui %lt3A_59 : i1 to i32
    %cond3A_61 = arith.constant 0 : i32
    %cond3A_62 = arith.cmpi ne, %convert_element_type3A_60, %cond3A_61 : i32
    scf.if %cond3A_62 {
      %mul3A_218 = arith.constant 80 : i32
      %mul3A_219 = arith.muli %add3A_57, %mul3A_218 : i32
      %run_scoped3A = arith.constant 0 : i32
      "tpu.region"() ({
        %run_scoped3A_220 = tpu.sem_alloc : memref<!tpu.dma_semaphore, #tpu.memory_space<semaphore_mem>>
        %dma_start3A_221 = arith.constant 0 : i32
        %dma_start3A_222 = arith.constant 0 : i32
        %dma_start3A_223 = tpu.memref_slice %arg9[%run_scoped3A, %dma_start3A_221, %dma_start3A_222] : memref<2x80x128xf32, #tpu.memory_space<vmem>> -> memref<1x80x128xf32, #tpu.memory_space<vmem>>
        %dma_start3A_224 = tpu.memref_squeeze %dma_start3A_223 : memref<1x80x128xf32, #tpu.memory_space<vmem>> -> memref<80x128xf32, #tpu.memory_space<vmem>>
        %dma_start3A_225 = arith.constant 0 : i32
        %dma_start3A_226 = tpu.memref_slice %arg11[%mul3A_219, %dma_start3A_225] : memref<10000x128xf32, #tpu.memory_space<vmem_shared>> -> memref<80x128xf32, #tpu.memory_space<vmem_shared>>
        %dma_start3A_227 = arith.constant 0 : i32
        %dma_start3A_228 = tpu.memref_slice %arg11[%mul3A_219, %dma_start3A_227] : memref<10000x128xf32, #tpu.memory_space<vmem_shared>> -> memref<80x128xf32, #tpu.memory_space<vmem_shared>>
        %dma_start3A_229 = arith.constant 0 : i32
        %dma_start3A_230 = arith.constant 0 : i32
        %dma_start3A_231 = tpu.memref_slice %arg9[%run_scoped3A, %dma_start3A_229, %dma_start3A_230] : memref<2x80x128xf32, #tpu.memory_space<vmem>> -> memref<1x80x128xf32, #tpu.memory_space<vmem>>
        %dma_start3A_232 = tpu.memref_squeeze %dma_start3A_231 : memref<1x80x128xf32, #tpu.memory_space<vmem>> -> memref<80x128xf32, #tpu.memory_space<vmem>>
        tpu.enqueue_dma source(%dma_start3A_232 : memref<80x128xf32, #tpu.memory_space<vmem>>) target(%dma_start3A_228 : memref<80x128xf32, #tpu.memory_space<vmem_shared>>) target_semaphore(%run_scoped3A_220 : memref<!tpu.dma_semaphore, #tpu.memory_space<semaphore_mem>>)
        %dma_wait3A_233 = arith.constant 0 : i32
        %dma_wait3A_234 = arith.constant 0 : i32
        %dma_wait3A_235 = tpu.memref_slice %arg9[%run_scoped3A, %dma_wait3A_233, %dma_wait3A_234] : memref<2x80x128xf32, #tpu.memory_space<vmem>> -> memref<1x80x128xf32, #tpu.memory_space<vmem>>
        %dma_wait3A_236 = tpu.memref_squeeze %dma_wait3A_235 : memref<1x80x128xf32, #tpu.memory_space<vmem>> -> memref<80x128xf32, #tpu.memory_space<vmem>>
        %dma_wait3A_237 = arith.constant 0 : i32
        %dma_wait3A_238 = tpu.memref_slice %arg11[%mul3A_219, %dma_wait3A_237] : memref<10000x128xf32, #tpu.memory_space<vmem_shared>> -> memref<80x128xf32, #tpu.memory_space<vmem_shared>>
        %dma_wait3A_239 = arith.constant 0 : i32
        %dma_wait3A_240 = tpu.memref_slice %arg11[%mul3A_219, %dma_wait3A_239] : memref<10000x128xf32, #tpu.memory_space<vmem_shared>> -> memref<80x128xf32, #tpu.memory_space<vmem_shared>>
        %dma_wait3A_241 = arith.constant 0 : i32
        %dma_wait3A_242 = arith.constant 0 : i32
        %dma_wait3A_243 = tpu.memref_slice %arg9[%run_scoped3A, %dma_wait3A_241, %dma_wait3A_242] : memref<2x80x128xf32, #tpu.memory_space<vmem>> -> memref<1x80x128xf32, #tpu.memory_space<vmem>>
        %dma_wait3A_244 = tpu.memref_squeeze %dma_wait3A_243 : memref<1x80x128xf32, #tpu.memory_space<vmem>> -> memref<80x128xf32, #tpu.memory_space<vmem>>
        tpu.wait_dma2 semaphore(%run_scoped3A_220 : memref<!tpu.dma_semaphore, #tpu.memory_space<semaphore_mem>>) src(%dma_wait3A_244 : memref<80x128xf32, #tpu.memory_space<vmem>>) dst(%dma_wait3A_240 : memref<80x128xf32, #tpu.memory_space<vmem_shared>>)
        tpu.yield
      }) : () -> ()
    } else {
    }
    %barrier3A = arith.constant 0 : index
    tpu.barrier barrier_id(%barrier3A)
    %add3A_63 = arith.constant 0 : i32
    %add3A_64 = arith.addi %mul3A_2, %add3A_63 : i32
    %dma_start3A = arith.constant 0 : i32
    %dma_start3A_65 = arith.constant 0 : i32
    %dma_start3A_66 = tpu.memref_slice %arg7[%dma_start3A, %dma_start3A_65] : memref<2x80xi32, #tpu.memory_space<vmem>> -> memref<1x80xi32, #tpu.memory_space<vmem>>
    %dma_start3A_67 = tpu.memref_squeeze %dma_start3A_66 : memref<1x80xi32, #tpu.memory_space<vmem>> -> memref<80xi32, #tpu.memory_space<vmem>>
    %dma_start3A_68 = tpu.memref_slice %arg4[%add3A_64] : memref<320000xi32, #tpu.memory_space<hbm>> -> memref<80xi32, #tpu.memory_space<hbm>>
    %dma_start3A_69 = arith.constant 0 : i32
    %dma_start3A_70 = tpu.memref_slice %arg7[%dma_start3A, %dma_start3A_69] : memref<2x80xi32, #tpu.memory_space<vmem>> -> memref<1x80xi32, #tpu.memory_space<vmem>>
    %dma_start3A_71 = tpu.memref_squeeze %dma_start3A_70 : memref<1x80xi32, #tpu.memory_space<vmem>> -> memref<80xi32, #tpu.memory_space<vmem>>
    %dma_start3A_72 = tpu.memref_slice %arg4[%add3A_64] : memref<320000xi32, #tpu.memory_space<hbm>> -> memref<80xi32, #tpu.memory_space<hbm>>
    tpu.enqueue_dma source(%dma_start3A_72 : memref<80xi32, #tpu.memory_space<hbm>>) target(%dma_start3A_71 : memref<80xi32, #tpu.memory_space<vmem>>) target_semaphore(%arg12 : memref<!tpu.dma_semaphore, #tpu.memory_space<semaphore_mem>>)
    %add3A_73 = arith.constant 0 : i32
    %add3A_74 = arith.addi %mul3A_2, %add3A_73 : i32
    %dma_start3A_75 = arith.constant 0 : i32
    %dma_start3A_76 = arith.constant 0 : i32
    %dma_start3A_77 = tpu.memref_slice %arg8[%dma_start3A_75, %dma_start3A_76] : memref<2x80xi32, #tpu.memory_space<vmem>> -> memref<1x80xi32, #tpu.memory_space<vmem>>
    %dma_start3A_78 = tpu.memref_squeeze %dma_start3A_77 : memref<1x80xi32, #tpu.memory_space<vmem>> -> memref<80xi32, #tpu.memory_space<vmem>>
    %dma_start3A_79 = tpu.memref_slice %arg5[%add3A_74] : memref<320000xi32, #tpu.memory_space<hbm>> -> memref<80xi32, #tpu.memory_space<hbm>>
    %dma_start3A_80 = arith.constant 0 : i32
    %dma_start3A_81 = tpu.memref_slice %arg8[%dma_start3A_75, %dma_start3A_80] : memref<2x80xi32, #tpu.memory_space<vmem>> -> memref<1x80xi32, #tpu.memory_space<vmem>>
    %dma_start3A_82 = tpu.memref_squeeze %dma_start3A_81 : memref<1x80xi32, #tpu.memory_space<vmem>> -> memref<80xi32, #tpu.memory_space<vmem>>
    %dma_start3A_83 = tpu.memref_slice %arg5[%add3A_74] : memref<320000xi32, #tpu.memory_space<hbm>> -> memref<80xi32, #tpu.memory_space<hbm>>
    tpu.enqueue_dma source(%dma_start3A_83 : memref<80xi32, #tpu.memory_space<hbm>>) target(%dma_start3A_82 : memref<80xi32, #tpu.memory_space<vmem>>) target_semaphore(%arg12 : memref<!tpu.dma_semaphore, #tpu.memory_space<semaphore_mem>>)
    %add3A_84 = arith.constant 80 : i32
    %add3A_85 = arith.addi %mul3A_2, %add3A_84 : i32
    %dma_start3A_86 = arith.constant 1 : i32
    %dma_start3A_87 = arith.constant 0 : i32
    %dma_start3A_88 = tpu.memref_slice %arg7[%dma_start3A_86, %dma_start3A_87] : memref<2x80xi32, #tpu.memory_space<vmem>> -> memref<1x80xi32, #tpu.memory_space<vmem>>
    %dma_start3A_89 = tpu.memref_squeeze %dma_start3A_88 : memref<1x80xi32, #tpu.memory_space<vmem>> -> memref<80xi32, #tpu.memory_space<vmem>>
    %dma_start3A_90 = tpu.memref_slice %arg4[%add3A_85] : memref<320000xi32, #tpu.memory_space<hbm>> -> memref<80xi32, #tpu.memory_space<hbm>>
    %dma_start3A_91 = arith.constant 0 : i32
    %dma_start3A_92 = tpu.memref_slice %arg7[%dma_start3A_86, %dma_start3A_91] : memref<2x80xi32, #tpu.memory_space<vmem>> -> memref<1x80xi32, #tpu.memory_space<vmem>>
    %dma_start3A_93 = tpu.memref_squeeze %dma_start3A_92 : memref<1x80xi32, #tpu.memory_space<vmem>> -> memref<80xi32, #tpu.memory_space<vmem>>
    %dma_start3A_94 = tpu.memref_slice %arg4[%add3A_85] : memref<320000xi32, #tpu.memory_space<hbm>> -> memref<80xi32, #tpu.memory_space<hbm>>
    tpu.enqueue_dma source(%dma_start3A_94 : memref<80xi32, #tpu.memory_space<hbm>>) target(%dma_start3A_93 : memref<80xi32, #tpu.memory_space<vmem>>) target_semaphore(%arg13 : memref<!tpu.dma_semaphore, #tpu.memory_space<semaphore_mem>>)
    %add3A_95 = arith.constant 80 : i32
    %add3A_96 = arith.addi %mul3A_2, %add3A_95 : i32
    %dma_start3A_97 = arith.constant 1 : i32
    %dma_start3A_98 = arith.constant 0 : i32
    %dma_start3A_99 = tpu.memref_slice %arg8[%dma_start3A_97, %dma_start3A_98] : memref<2x80xi32, #tpu.memory_space<vmem>> -> memref<1x80xi32, #tpu.memory_space<vmem>>
    %dma_start3A_100 = tpu.memref_squeeze %dma_start3A_99 : memref<1x80xi32, #tpu.memory_space<vmem>> -> memref<80xi32, #tpu.memory_space<vmem>>
    %dma_start3A_101 = tpu.memref_slice %arg5[%add3A_96] : memref<320000xi32, #tpu.memory_space<hbm>> -> memref<80xi32, #tpu.memory_space<hbm>>
    %dma_start3A_102 = arith.constant 0 : i32
    %dma_start3A_103 = tpu.memref_slice %arg8[%dma_start3A_97, %dma_start3A_102] : memref<2x80xi32, #tpu.memory_space<vmem>> -> memref<1x80xi32, #tpu.memory_space<vmem>>
    %dma_start3A_104 = tpu.memref_squeeze %dma_start3A_103 : memref<1x80xi32, #tpu.memory_space<vmem>> -> memref<80xi32, #tpu.memory_space<vmem>>
    %dma_start3A_105 = tpu.memref_slice %arg5[%add3A_96] : memref<320000xi32, #tpu.memory_space<hbm>> -> memref<80xi32, #tpu.memory_space<hbm>>
    tpu.enqueue_dma source(%dma_start3A_105 : memref<80xi32, #tpu.memory_space<hbm>>) target(%dma_start3A_104 : memref<80xi32, #tpu.memory_space<vmem>>) target_semaphore(%arg13 : memref<!tpu.dma_semaphore, #tpu.memory_space<semaphore_mem>>)
    %add3A_106 = arith.constant 0 : i32
    %add3A_107 = arith.addi %mul3A_2, %add3A_106 : i32
    %dma_wait3A = arith.constant 0 : i32
    %dma_wait3A_108 = arith.constant 0 : i32
    %dma_wait3A_109 = tpu.memref_slice %arg7[%dma_wait3A, %dma_wait3A_108] : memref<2x80xi32, #tpu.memory_space<vmem>> -> memref<1x80xi32, #tpu.memory_space<vmem>>
    %dma_wait3A_110 = tpu.memref_squeeze %dma_wait3A_109 : memref<1x80xi32, #tpu.memory_space<vmem>> -> memref<80xi32, #tpu.memory_space<vmem>>
    %dma_wait3A_111 = tpu.memref_slice %arg4[%add3A_107] : memref<320000xi32, #tpu.memory_space<hbm>> -> memref<80xi32, #tpu.memory_space<hbm>>
    %dma_wait3A_112 = arith.constant 0 : i32
    %dma_wait3A_113 = tpu.memref_slice %arg7[%dma_wait3A, %dma_wait3A_112] : memref<2x80xi32, #tpu.memory_space<vmem>> -> memref<1x80xi32, #tpu.memory_space<vmem>>
    %dma_wait3A_114 = tpu.memref_squeeze %dma_wait3A_113 : memref<1x80xi32, #tpu.memory_space<vmem>> -> memref<80xi32, #tpu.memory_space<vmem>>
    %dma_wait3A_115 = tpu.memref_slice %arg4[%add3A_107] : memref<320000xi32, #tpu.memory_space<hbm>> -> memref<80xi32, #tpu.memory_space<hbm>>
    tpu.wait_dma2 semaphore(%arg12 : memref<!tpu.dma_semaphore, #tpu.memory_space<semaphore_mem>>) src(%dma_wait3A_115 : memref<80xi32, #tpu.memory_space<hbm>>) dst(%dma_wait3A_114 : memref<80xi32, #tpu.memory_space<vmem>>)
    %add3A_116 = arith.constant 0 : i32
    %add3A_117 = arith.addi %mul3A_2, %add3A_116 : i32
    %dma_wait3A_118 = arith.constant 0 : i32
    %dma_wait3A_119 = arith.constant 0 : i32
    %dma_wait3A_120 = tpu.memref_slice %arg8[%dma_wait3A_118, %dma_wait3A_119] : memref<2x80xi32, #tpu.memory_space<vmem>> -> memref<1x80xi32, #tpu.memory_space<vmem>>
    %dma_wait3A_121 = tpu.memref_squeeze %dma_wait3A_120 : memref<1x80xi32, #tpu.memory_space<vmem>> -> memref<80xi32, #tpu.memory_space<vmem>>
    %dma_wait3A_122 = tpu.memref_slice %arg5[%add3A_117] : memref<320000xi32, #tpu.memory_space<hbm>> -> memref<80xi32, #tpu.memory_space<hbm>>
    %dma_wait3A_123 = arith.constant 0 : i32
    %dma_wait3A_124 = tpu.memref_slice %arg8[%dma_wait3A_118, %dma_wait3A_123] : memref<2x80xi32, #tpu.memory_space<vmem>> -> memref<1x80xi32, #tpu.memory_space<vmem>>
    %dma_wait3A_125 = tpu.memref_squeeze %dma_wait3A_124 : memref<1x80xi32, #tpu.memory_space<vmem>> -> memref<80xi32, #tpu.memory_space<vmem>>
    %dma_wait3A_126 = tpu.memref_slice %arg5[%add3A_117] : memref<320000xi32, #tpu.memory_space<hbm>> -> memref<80xi32, #tpu.memory_space<hbm>>
    tpu.wait_dma2 semaphore(%arg12 : memref<!tpu.dma_semaphore, #tpu.memory_space<semaphore_mem>>) src(%dma_wait3A_126 : memref<80xi32, #tpu.memory_space<hbm>>) dst(%dma_wait3A_125 : memref<80xi32, #tpu.memory_space<vmem>>)
    %add3A_127 = arith.constant 0 : i32
    %add3A_128 = arith.addi %mul3A_2, %add3A_127 : i32
    %dma_start3A_129 = arith.constant 0 : i32
    %dma_start3A_130 = arith.constant 0 : i32
    %dma_start3A_131 = arith.constant 0 : i32
    %dma_start3A_132 = tpu.memref_slice %arg10[%dma_start3A_129, %dma_start3A_130, %dma_start3A_131] : memref<2x80x64xi32, #tpu.memory_space<vmem>> -> memref<1x80x64xi32, #tpu.memory_space<vmem>>
    %dma_start3A_133 = tpu.memref_squeeze %dma_start3A_132 : memref<1x80x64xi32, #tpu.memory_space<vmem>> -> memref<80x64xi32, #tpu.memory_space<vmem>>
    %dma_start3A_134 = arith.constant 0 : i32
    %dma_start3A_135 = tpu.memref_slice %arg3[%add3A_128, %dma_start3A_134] : memref<320000x64xi32, #tpu.memory_space<hbm>> -> memref<80x64xi32, #tpu.memory_space<hbm>>
    %dma_start3A_136 = arith.constant 0 : i32
    %dma_start3A_137 = arith.constant 0 : i32
    %dma_start3A_138 = tpu.memref_slice %arg10[%dma_start3A_129, %dma_start3A_136, %dma_start3A_137] : memref<2x80x64xi32, #tpu.memory_space<vmem>> -> memref<1x80x64xi32, #tpu.memory_space<vmem>>
    %dma_start3A_139 = tpu.memref_squeeze %dma_start3A_138 : memref<1x80x64xi32, #tpu.memory_space<vmem>> -> memref<80x64xi32, #tpu.memory_space<vmem>>
    %dma_start3A_140 = arith.constant 0 : i32
    %dma_start3A_141 = tpu.memref_slice %arg3[%add3A_128, %dma_start3A_140] : memref<320000x64xi32, #tpu.memory_space<hbm>> -> memref<80x64xi32, #tpu.memory_space<hbm>>
    tpu.enqueue_dma source(%dma_start3A_141 : memref<80x64xi32, #tpu.memory_space<hbm>>) target(%dma_start3A_139 : memref<80x64xi32, #tpu.memory_space<vmem>>) target_semaphore(%arg16 : memref<!tpu.dma_semaphore, #tpu.memory_space<semaphore_mem>>)
    %dma_start3A_142 = arith.constant 0 : i32
    %dma_start3A_143 = arith.constant 0 : i32
    %dma_start3A_144 = arith.constant 0 : i32
    %dma_start3A_145 = arith.constant 0 : i32
    %dma_start3A_146 = tpu.memref_slice %arg9[%dma_start3A_143, %dma_start3A_144, %dma_start3A_145] : memref<2x80x128xf32, #tpu.memory_space<vmem>> -> memref<1x80x128xf32, #tpu.memory_space<vmem>>
    %dma_start3A_147 = tpu.memref_squeeze %dma_start3A_146 : memref<1x80x128xf32, #tpu.memory_space<vmem>> -> memref<80x128xf32, #tpu.memory_space<vmem>>
    %dma_start3A_148 = arith.constant 0 : i32
    %dma_start3A_149 = tpu.memref_slice %arg7[%dma_start3A_142, %dma_start3A_148] : memref<2x80xi32, #tpu.memory_space<vmem>> -> memref<1x80xi32, #tpu.memory_space<vmem>>
    %dma_start3A_150 = tpu.memref_squeeze %dma_start3A_149 : memref<1x80xi32, #tpu.memory_space<vmem>> -> memref<80xi32, #tpu.memory_space<vmem>>
    %dma_start3A_151 = arith.constant 0 : i32
    %dma_start3A_152 = arith.constant 0 : i32
    %dma_start3A_153 = tpu.memref_slice %arg2[%dma_start3A_151, %dma_start3A_152] : memref<10000x128xf32, #tpu.memory_space<hbm>> -> memref<10000x128xf32, #tpu.memory_space<hbm>>
    tpu.enqueue_indirect_dma source(%dma_start3A_153 : memref<10000x128xf32, #tpu.memory_space<hbm>>) target(%dma_start3A_147 : memref<80x128xf32, #tpu.memory_space<vmem>>) offsets(%dma_start3A_150 : memref<80xi32, #tpu.memory_space<vmem>>) semaphore(%arg14 : memref<!tpu.dma_semaphore, #tpu.memory_space<semaphore_mem>>)
    %scan3A_154 = arith.constant 0 : i32
    %scan3A_155 = arith.constant 0 : i32
    %scan3A_156 = arith.constant 63 : i32
    %scan3A_157 = arith.addi %scan3A_155, %scan3A_156 : i32
    %scan3A_158 = arith.constant 1 : i32
    %scan3A_159 = scf.for %scan3A_218 = %scan3A_155 to %scan3A_157 step %scan3A_158 iter_args(%scan3A_219 = %scan3A_154) -> (i32)  : i32 {
      %mul3A_220 = arith.constant 2 : i32
      %mul3A_221 = arith.muli %mul3A_220, %scan3A_218 : i32
      %add3A_222 = arith.constant 1 : i32
      %add3A_223 = arith.addi %mul3A_221, %add3A_222 : i32
      %lt3A_224 = arith.constant 125 : i32
      %lt3A_225 = arith.cmpi slt, %add3A_223, %lt3A_224 : i32
      %convert_element_type3A_226 = arith.extui %lt3A_225 : i1 to i32
      %cond3A_227 = arith.constant 0 : i32
      %cond3A_228 = arith.cmpi ne, %convert_element_type3A_226, %cond3A_227 : i32
      scf.if %cond3A_228 {
        %add3A_282 = arith.constant 1 : i32
        %add3A_283 = arith.addi %mul3A_221, %add3A_282 : i32
        %mul3A_284 = arith.constant 80 : i32
        %mul3A_285 = arith.muli %add3A_283, %mul3A_284 : i32
        %add3A_286 = arith.addi %mul3A_2, %mul3A_285 : i32
        %dma_wait3A_287 = arith.constant 1 : i32
        %dma_wait3A_288 = arith.constant 0 : i32
        %dma_wait3A_289 = tpu.memref_slice %arg7[%dma_wait3A_287, %dma_wait3A_288] : memref<2x80xi32, #tpu.memory_space<vmem>> -> memref<1x80xi32, #tpu.memory_space<vmem>>
        %dma_wait3A_290 = tpu.memref_squeeze %dma_wait3A_289 : memref<1x80xi32, #tpu.memory_space<vmem>> -> memref<80xi32, #tpu.memory_space<vmem>>
        %dma_wait3A_291 = tpu.memref_slice %arg4[%add3A_286] : memref<320000xi32, #tpu.memory_space<hbm>> -> memref<80xi32, #tpu.memory_space<hbm>>
        %dma_wait3A_292 = arith.constant 0 : i32
        %dma_wait3A_293 = tpu.memref_slice %arg7[%dma_wait3A_287, %dma_wait3A_292] : memref<2x80xi32, #tpu.memory_space<vmem>> -> memref<1x80xi32, #tpu.memory_space<vmem>>
        %dma_wait3A_294 = tpu.memref_squeeze %dma_wait3A_293 : memref<1x80xi32, #tpu.memory_space<vmem>> -> memref<80xi32, #tpu.memory_space<vmem>>
        %dma_wait3A_295 = tpu.memref_slice %arg4[%add3A_286] : memref<320000xi32, #tpu.memory_space<hbm>> -> memref<80xi32, #tpu.memory_space<hbm>>
        tpu.wait_dma2 semaphore(%arg13 : memref<!tpu.dma_semaphore, #tpu.memory_space<semaphore_mem>>) src(%dma_wait3A_295 : memref<80xi32, #tpu.memory_space<hbm>>) dst(%dma_wait3A_294 : memref<80xi32, #tpu.memory_space<vmem>>)
        %mul3A_296 = arith.constant 80 : i32
        %mul3A_297 = arith.muli %add3A_283, %mul3A_296 : i32
        %add3A_298 = arith.addi %mul3A_2, %mul3A_297 : i32
        %dma_wait3A_299 = arith.constant 1 : i32
        %dma_wait3A_300 = arith.constant 0 : i32
        %dma_wait3A_301 = tpu.memref_slice %arg8[%dma_wait3A_299, %dma_wait3A_300] : memref<2x80xi32, #tpu.memory_space<vmem>> -> memref<1x80xi32, #tpu.memory_space<vmem>>
        %dma_wait3A_302 = tpu.memref_squeeze %dma_wait3A_301 : memref<1x80xi32, #tpu.memory_space<vmem>> -> memref<80xi32, #tpu.memory_space<vmem>>
        %dma_wait3A_303 = tpu.memref_slice %arg5[%add3A_298] : memref<320000xi32, #tpu.memory_space<hbm>> -> memref<80xi32, #tpu.memory_space<hbm>>
        %dma_wait3A_304 = arith.constant 0 : i32
        %dma_wait3A_305 = tpu.memref_slice %arg8[%dma_wait3A_299, %dma_wait3A_304] : memref<2x80xi32, #tpu.memory_space<vmem>> -> memref<1x80xi32, #tpu.memory_space<vmem>>
        %dma_wait3A_306 = tpu.memref_squeeze %dma_wait3A_305 : memref<1x80xi32, #tpu.memory_space<vmem>> -> memref<80xi32, #tpu.memory_space<vmem>>
        %dma_wait3A_307 = tpu.memref_slice %arg5[%add3A_298] : memref<320000xi32, #tpu.memory_space<hbm>> -> memref<80xi32, #tpu.memory_space<hbm>>
        tpu.wait_dma2 semaphore(%arg13 : memref<!tpu.dma_semaphore, #tpu.memory_space<semaphore_mem>>) src(%dma_wait3A_307 : memref<80xi32, #tpu.memory_space<hbm>>) dst(%dma_wait3A_306 : memref<80xi32, #tpu.memory_space<vmem>>)
        %add3A_308 = arith.constant 1 : i32
        %add3A_309 = arith.addi %mul3A_221, %add3A_308 : i32
        %mul3A_310 = arith.constant 80 : i32
        %mul3A_311 = arith.muli %add3A_309, %mul3A_310 : i32
        %add3A_312 = arith.addi %mul3A_2, %mul3A_311 : i32
        %dma_start3A_313 = arith.constant 1 : i32
        %dma_start3A_314 = arith.constant 0 : i32
        %dma_start3A_315 = arith.constant 0 : i32
        %dma_start3A_316 = tpu.memref_slice %arg10[%dma_start3A_313, %dma_start3A_314, %dma_start3A_315] : memref<2x80x64xi32, #tpu.memory_space<vmem>> -> memref<1x80x64xi32, #tpu.memory_space<vmem>>
        %dma_start3A_317 = tpu.memref_squeeze %dma_start3A_316 : memref<1x80x64xi32, #tpu.memory_space<vmem>> -> memref<80x64xi32, #tpu.memory_space<vmem>>
        %dma_start3A_318 = arith.constant 0 : i32
        %dma_start3A_319 = tpu.memref_slice %arg3[%add3A_312, %dma_start3A_318] : memref<320000x64xi32, #tpu.memory_space<hbm>> -> memref<80x64xi32, #tpu.memory_space<hbm>>
        %dma_start3A_320 = arith.constant 0 : i32
        %dma_start3A_321 = arith.constant 0 : i32
        %dma_start3A_322 = tpu.memref_slice %arg10[%dma_start3A_313, %dma_start3A_320, %dma_start3A_321] : memref<2x80x64xi32, #tpu.memory_space<vmem>> -> memref<1x80x64xi32, #tpu.memory_space<vmem>>
        %dma_start3A_323 = tpu.memref_squeeze %dma_start3A_322 : memref<1x80x64xi32, #tpu.memory_space<vmem>> -> memref<80x64xi32, #tpu.memory_space<vmem>>
        %dma_start3A_324 = arith.constant 0 : i32
        %dma_start3A_325 = tpu.memref_slice %arg3[%add3A_312, %dma_start3A_324] : memref<320000x64xi32, #tpu.memory_space<hbm>> -> memref<80x64xi32, #tpu.memory_space<hbm>>
        tpu.enqueue_dma source(%dma_start3A_325 : memref<80x64xi32, #tpu.memory_space<hbm>>) target(%dma_start3A_323 : memref<80x64xi32, #tpu.memory_space<vmem>>) target_semaphore(%arg17 : memref<!tpu.dma_semaphore, #tpu.memory_space<semaphore_mem>>)
        %dma_start3A_326 = arith.constant 1 : i32
        %dma_start3A_327 = arith.constant 1 : i32
        %dma_start3A_328 = arith.constant 0 : i32
        %dma_start3A_329 = arith.constant 0 : i32
        %dma_start3A_330 = tpu.memref_slice %arg9[%dma_start3A_327, %dma_start3A_328, %dma_start3A_329] : memref<2x80x128xf32, #tpu.memory_space<vmem>> -> memref<1x80x128xf32, #tpu.memory_space<vmem>>
        %dma_start3A_331 = tpu.memref_squeeze %dma_start3A_330 : memref<1x80x128xf32, #tpu.memory_space<vmem>> -> memref<80x128xf32, #tpu.memory_space<vmem>>
        %dma_start3A_332 = arith.constant 0 : i32
        %dma_start3A_333 = tpu.memref_slice %arg7[%dma_start3A_326, %dma_start3A_332] : memref<2x80xi32, #tpu.memory_space<vmem>> -> memref<1x80xi32, #tpu.memory_space<vmem>>
        %dma_start3A_334 = tpu.memref_squeeze %dma_start3A_333 : memref<1x80xi32, #tpu.memory_space<vmem>> -> memref<80xi32, #tpu.memory_space<vmem>>
        %dma_start3A_335 = arith.constant 0 : i32
        %dma_start3A_336 = arith.constant 0 : i32
        %dma_start3A_337 = tpu.memref_slice %arg2[%dma_start3A_335, %dma_start3A_336] : memref<10000x128xf32, #tpu.memory_space<hbm>> -> memref<10000x128xf32, #tpu.memory_space<hbm>>
        tpu.enqueue_indirect_dma source(%dma_start3A_337 : memref<10000x128xf32, #tpu.memory_space<hbm>>) target(%dma_start3A_331 : memref<80x128xf32, #tpu.memory_space<vmem>>) offsets(%dma_start3A_334 : memref<80xi32, #tpu.memory_space<vmem>>) semaphore(%arg15 : memref<!tpu.dma_semaphore, #tpu.memory_space<semaphore_mem>>)
      } else {
      }
      %mul3A_229 = arith.constant 80 : i32
      %mul3A_230 = arith.muli %mul3A_221, %mul3A_229 : i32
      %add3A_231 = arith.addi %mul3A_2, %mul3A_230 : i32
      %dma_wait3A_232 = arith.constant 0 : i32
      %dma_wait3A_233 = arith.constant 0 : i32
      %dma_wait3A_234 = arith.constant 0 : i32
      %dma_wait3A_235 = tpu.memref_slice %arg10[%dma_wait3A_232, %dma_wait3A_233, %dma_wait3A_234] : memref<2x80x64xi32, #tpu.memory_space<vmem>> -> memref<1x80x64xi32, #tpu.memory_space<vmem>>
      %dma_wait3A_236 = tpu.memref_squeeze %dma_wait3A_235 : memref<1x80x64xi32, #tpu.memory_space<vmem>> -> memref<80x64xi32, #tpu.memory_space<vmem>>
      %dma_wait3A_237 = arith.constant 0 : i32
      %dma_wait3A_238 = tpu.memref_slice %arg3[%add3A_231, %dma_wait3A_237] : memref<320000x64xi32, #tpu.memory_space<hbm>> -> memref<80x64xi32, #tpu.memory_space<hbm>>
      %dma_wait3A_239 = arith.constant 0 : i32
      %dma_wait3A_240 = arith.constant 0 : i32
      %dma_wait3A_241 = tpu.memref_slice %arg10[%dma_wait3A_232, %dma_wait3A_239, %dma_wait3A_240] : memref<2x80x64xi32, #tpu.memory_space<vmem>> -> memref<1x80x64xi32, #tpu.memory_space<vmem>>
      %dma_wait3A_242 = tpu.memref_squeeze %dma_wait3A_241 : memref<1x80x64xi32, #tpu.memory_space<vmem>> -> memref<80x64xi32, #tpu.memory_space<vmem>>
      %dma_wait3A_243 = arith.constant 0 : i32
      %dma_wait3A_244 = tpu.memref_slice %arg3[%add3A_231, %dma_wait3A_243] : memref<320000x64xi32, #tpu.memory_space<hbm>> -> memref<80x64xi32, #tpu.memory_space<hbm>>
      tpu.wait_dma2 semaphore(%arg16 : memref<!tpu.dma_semaphore, #tpu.memory_space<semaphore_mem>>) src(%dma_wait3A_244 : memref<80x64xi32, #tpu.memory_space<hbm>>) dst(%dma_wait3A_242 : memref<80x64xi32, #tpu.memory_space<vmem>>)
      %dma_wait3A_245 = arith.constant 0 : i32
      %dma_wait3A_246 = arith.constant 0 : i32
      %dma_wait3A_247 = arith.constant 0 : i32
      %dma_wait3A_248 = arith.constant 0 : i32
      %dma_wait3A_249 = tpu.memref_slice %arg9[%dma_wait3A_246, %dma_wait3A_247, %dma_wait3A_248] : memref<2x80x128xf32, #tpu.memory_space<vmem>> -> memref<1x80x128xf32, #tpu.memory_space<vmem>>
      %dma_wait3A_250 = tpu.memref_squeeze %dma_wait3A_249 : memref<1x80x128xf32, #tpu.memory_space<vmem>> -> memref<80x128xf32, #tpu.memory_space<vmem>>
      %dma_wait3A_251 = arith.constant 0 : i32
      %dma_wait3A_252 = tpu.memref_slice %arg7[%dma_wait3A_245, %dma_wait3A_251] : memref<2x80xi32, #tpu.memory_space<vmem>> -> memref<1x80xi32, #tpu.memory_space<vmem>>
      %dma_wait3A_253 = tpu.memref_squeeze %dma_wait3A_252 : memref<1x80xi32, #tpu.memory_space<vmem>> -> memref<80xi32, #tpu.memory_space<vmem>>
      %dma_wait3A_254 = arith.constant 0 : i32
      %dma_wait3A_255 = arith.constant 0 : i32
      %dma_wait3A_256 = tpu.memref_slice %arg2[%dma_wait3A_254, %dma_wait3A_255] : memref<10000x128xf32, #tpu.memory_space<hbm>> -> memref<10000x128xf32, #tpu.memory_space<hbm>>
      tpu.wait_indirect_dma semaphore(%arg14 : memref<!tpu.dma_semaphore, #tpu.memory_space<semaphore_mem>>) src(%dma_wait3A_256 : memref<10000x128xf32, #tpu.memory_space<hbm>>) dst(%dma_wait3A_250 : memref<80x128xf32, #tpu.memory_space<vmem>>)
      %add3A_257 = arith.constant 2 : i32
      %add3A_258 = arith.addi %mul3A_221, %add3A_257 : i32
      %lt3A_259 = arith.constant 125 : i32
      %lt3A_260 = arith.cmpi slt, %add3A_258, %lt3A_259 : i32
      %convert_element_type3A_261 = arith.extui %lt3A_260 : i1 to i32
      %cond3A_262 = arith.constant 0 : i32
      %cond3A_263 = arith.cmpi ne, %convert_element_type3A_261, %cond3A_262 : i32
      scf.if %cond3A_263 {
        %add3A_282 = arith.constant 2 : i32
        %add3A_283 = arith.addi %mul3A_221, %add3A_282 : i32
        %mul3A_284 = arith.constant 80 : i32
        %mul3A_285 = arith.muli %add3A_283, %mul3A_284 : i32
        %add3A_286 = arith.addi %mul3A_2, %mul3A_285 : i32
        %dma_start3A_287 = arith.constant 0 : i32
        %dma_start3A_288 = arith.constant 0 : i32
        %dma_start3A_289 = tpu.memref_slice %arg7[%dma_start3A_287, %dma_start3A_288] : memref<2x80xi32, #tpu.memory_space<vmem>> -> memref<1x80xi32, #tpu.memory_space<vmem>>
        %dma_start3A_290 = tpu.memref_squeeze %dma_start3A_289 : memref<1x80xi32, #tpu.memory_space<vmem>> -> memref<80xi32, #tpu.memory_space<vmem>>
        %dma_start3A_291 = tpu.memref_slice %arg4[%add3A_286] : memref<320000xi32, #tpu.memory_space<hbm>> -> memref<80xi32, #tpu.memory_space<hbm>>
        %dma_start3A_292 = arith.constant 0 : i32
        %dma_start3A_293 = tpu.memref_slice %arg7[%dma_start3A_287, %dma_start3A_292] : memref<2x80xi32, #tpu.memory_space<vmem>> -> memref<1x80xi32, #tpu.memory_space<vmem>>
        %dma_start3A_294 = tpu.memref_squeeze %dma_start3A_293 : memref<1x80xi32, #tpu.memory_space<vmem>> -> memref<80xi32, #tpu.memory_space<vmem>>
        %dma_start3A_295 = tpu.memref_slice %arg4[%add3A_286] : memref<320000xi32, #tpu.memory_space<hbm>> -> memref<80xi32, #tpu.memory_space<hbm>>
        tpu.enqueue_dma source(%dma_start3A_295 : memref<80xi32, #tpu.memory_space<hbm>>) target(%dma_start3A_294 : memref<80xi32, #tpu.memory_space<vmem>>) target_semaphore(%arg12 : memref<!tpu.dma_semaphore, #tpu.memory_space<semaphore_mem>>)
      } else {
      }
      %parallel_loop3A = arith.constant 0 : i32
      %parallel_loop3A_264 = arith.constant 80 : i32
      %parallel_loop3A_265 = arith.constant 1 : i32
      scf.for %parallel_loop3A_282 = %parallel_loop3A to %parallel_loop3A_264 step %parallel_loop3A_265  : i32 {
        %parallel_loop3A_283 = arith.constant 0 : i32
        %parallel_loop3A_284 = arith.index_cast %parallel_loop3A_283 : i32 to index
        %parallel_loop3A_285 = arith.index_cast %parallel_loop3A_282 : i32 to index
        %parallel_loop3A_286 = arith.constant 0 : index
        %parallel_loop3A_287 = tpu.vector_load %arg10[%parallel_loop3A_284, %parallel_loop3A_285, %parallel_loop3A_286] {strides = array<i32>} : memref<2x80x64xi32, #tpu.memory_space<vmem>>, vector<1x1x16xi32>,
        %parallel_loop3A_288 = vector.shape_cast %parallel_loop3A_287 : vector<1x1x16xi32> to vector<16xi32>
        %parallel_loop3A_289 = arith.constant 16 : i32
        %parallel_loop3A_290 = vector.broadcast %parallel_loop3A_289 : i32 to vector<16xi32>
        %parallel_loop3A_291 = arith.shli %parallel_loop3A_288, %parallel_loop3A_290 : vector<16xi32>
        %parallel_loop3A_292 = tpu.bitcast %parallel_loop3A_291 : vector<16xi32> -> vector<16xf32>
        %parallel_loop3A_293 = arith.constant -65536 : i32
        %parallel_loop3A_294 = vector.broadcast %parallel_loop3A_293 : i32 to vector<16xi32>
        %parallel_loop3A_295 = arith.andi %parallel_loop3A_288, %parallel_loop3A_294 : vector<16xi32>
        %parallel_loop3A_296 = tpu.bitcast %parallel_loop3A_295 : vector<16xi32> -> vector<16xf32>
        %parallel_loop3A_297 = arith.constant 0 : i32
        %parallel_loop3A_298 = arith.index_cast %parallel_loop3A_297 : i32 to index
        %parallel_loop3A_299 = arith.index_cast %parallel_loop3A_282 : i32 to index
        %parallel_loop3A_300 = arith.constant 0 : index
        %parallel_loop3A_301 = tpu.vector_load %arg9[%parallel_loop3A_298, %parallel_loop3A_299, %parallel_loop3A_300] {strides = array<i32>} : memref<2x80x128xf32, #tpu.memory_space<vmem>>, vector<1x1x16xf32>,
        %parallel_loop3A_302 = vector.shape_cast %parallel_loop3A_301 : vector<1x1x16xf32> to vector<16xf32>
        %parallel_loop3A_303 = arith.mulf %parallel_loop3A_302, %parallel_loop3A_292 : vector<16xf32>
        %parallel_loop3A_304 = arith.constant 0 : i32
        %parallel_loop3A_305 = arith.index_cast %parallel_loop3A_304 : i32 to index
        %parallel_loop3A_306 = arith.index_cast %parallel_loop3A_282 : i32 to index
        %parallel_loop3A_307 = arith.constant 0 : index
        %parallel_loop3A_308 = tpu.vector_load %arg9[%parallel_loop3A_305, %parallel_loop3A_306, %parallel_loop3A_307] {strides = array<i32>} : memref<2x80x128xf32, #tpu.memory_space<vmem>>, vector<1x1x16xf32>,
        %parallel_loop3A_309 = vector.shape_cast %parallel_loop3A_308 : vector<1x1x16xf32> to vector<16xf32>
        %parallel_loop3A_310 = vector.shape_cast %parallel_loop3A_303 : vector<16xf32> to vector<1x1x16xf32>
        tpu.vector_store %arg9[%parallel_loop3A_305, %parallel_loop3A_306, %parallel_loop3A_307], %parallel_loop3A_310 {strides = array<i32>} : memref<2x80x128xf32, #tpu.memory_space<vmem>>, vector<1x1x16xf32>,
        %parallel_loop3A_311 = arith.constant 0 : i32
        %parallel_loop3A_312 = arith.index_cast %parallel_loop3A_311 : i32 to index
        %parallel_loop3A_313 = arith.index_cast %parallel_loop3A_282 : i32 to index
        %parallel_loop3A_314 = arith.constant 16 : index
        %parallel_loop3A_315 = tpu.vector_load %arg9[%parallel_loop3A_312, %parallel_loop3A_313, %parallel_loop3A_314] {strides = array<i32>} : memref<2x80x128xf32, #tpu.memory_space<vmem>>, vector<1x1x16xf32>,
        %parallel_loop3A_316 = vector.shape_cast %parallel_loop3A_315 : vector<1x1x16xf32> to vector<16xf32>
        %parallel_loop3A_317 = arith.mulf %parallel_loop3A_316, %parallel_loop3A_296 : vector<16xf32>
        %parallel_loop3A_318 = arith.constant 0 : i32
        %parallel_loop3A_319 = arith.index_cast %parallel_loop3A_318 : i32 to index
        %parallel_loop3A_320 = arith.index_cast %parallel_loop3A_282 : i32 to index
        %parallel_loop3A_321 = arith.constant 16 : index
        %parallel_loop3A_322 = tpu.vector_load %arg9[%parallel_loop3A_319, %parallel_loop3A_320, %parallel_loop3A_321] {strides = array<i32>} : memref<2x80x128xf32, #tpu.memory_space<vmem>>, vector<1x1x16xf32>,
        %parallel_loop3A_323 = vector.shape_cast %parallel_loop3A_322 : vector<1x1x16xf32> to vector<16xf32>
        %parallel_loop3A_324 = vector.shape_cast %parallel_loop3A_317 : vector<16xf32> to vector<1x1x16xf32>
        tpu.vector_store %arg9[%parallel_loop3A_319, %parallel_loop3A_320, %parallel_loop3A_321], %parallel_loop3A_324 {strides = array<i32>} : memref<2x80x128xf32, #tpu.memory_space<vmem>>, vector<1x1x16xf32>,
        %parallel_loop3A_325 = arith.constant 0 : i32
        %parallel_loop3A_326 = arith.index_cast %parallel_loop3A_325 : i32 to index
        %parallel_loop3A_327 = arith.index_cast %parallel_loop3A_282 : i32 to index
        %parallel_loop3A_328 = arith.constant 16 : index
        %parallel_loop3A_329 = tpu.vector_load %arg10[%parallel_loop3A_326, %parallel_loop3A_327, %parallel_loop3A_328] {strides = array<i32>} : memref<2x80x64xi32, #tpu.memory_space<vmem>>, vector<1x1x16xi32>,
        %parallel_loop3A_330 = vector.shape_cast %parallel_loop3A_329 : vector<1x1x16xi32> to vector<16xi32>
        %parallel_loop3A_331 = arith.constant 16 : i32
        %parallel_loop3A_332 = vector.broadcast %parallel_loop3A_331 : i32 to vector<16xi32>
        %parallel_loop3A_333 = arith.shli %parallel_loop3A_330, %parallel_loop3A_332 : vector<16xi32>
        %parallel_loop3A_334 = tpu.bitcast %parallel_loop3A_333 : vector<16xi32> -> vector<16xf32>
        %parallel_loop3A_335 = arith.constant -65536 : i32
        %parallel_loop3A_336 = vector.broadcast %parallel_loop3A_335 : i32 to vector<16xi32>
        %parallel_loop3A_337 = arith.andi %parallel_loop3A_330, %parallel_loop3A_336 : vector<16xi32>
        %parallel_loop3A_338 = tpu.bitcast %parallel_loop3A_337 : vector<16xi32> -> vector<16xf32>
        %parallel_loop3A_339 = arith.constant 0 : i32
        %parallel_loop3A_340 = arith.index_cast %parallel_loop3A_339 : i32 to index
        %parallel_loop3A_341 = arith.index_cast %parallel_loop3A_282 : i32 to index
        %parallel_loop3A_342 = arith.constant 32 : index
        %parallel_loop3A_343 = tpu.vector_load %arg9[%parallel_loop3A_340, %parallel_loop3A_341, %parallel_loop3A_342] {strides = array<i32>} : memref<2x80x128xf32, #tpu.memory_space<vmem>>, vector<1x1x16xf32>,
        %parallel_loop3A_344 = vector.shape_cast %parallel_loop3A_343 : vector<1x1x16xf32> to vector<16xf32>
        %parallel_loop3A_345 = arith.mulf %parallel_loop3A_344, %parallel_loop3A_334 : vector<16xf32>
        %parallel_loop3A_346 = arith.constant 0 : i32
        %parallel_loop3A_347 = arith.index_cast %parallel_loop3A_346 : i32 to index
        %parallel_loop3A_348 = arith.index_cast %parallel_loop3A_282 : i32 to index
        %parallel_loop3A_349 = arith.constant 32 : index
        %parallel_loop3A_350 = tpu.vector_load %arg9[%parallel_loop3A_347, %parallel_loop3A_348, %parallel_loop3A_349] {strides = array<i32>} : memref<2x80x128xf32, #tpu.memory_space<vmem>>, vector<1x1x16xf32>,
        %parallel_loop3A_351 = vector.shape_cast %parallel_loop3A_350 : vector<1x1x16xf32> to vector<16xf32>
        %parallel_loop3A_352 = vector.shape_cast %parallel_loop3A_345 : vector<16xf32> to vector<1x1x16xf32>
        tpu.vector_store %arg9[%parallel_loop3A_347, %parallel_loop3A_348, %parallel_loop3A_349], %parallel_loop3A_352 {strides = array<i32>} : memref<2x80x128xf32, #tpu.memory_space<vmem>>, vector<1x1x16xf32>,
        %parallel_loop3A_353 = arith.constant 0 : i32
        %parallel_loop3A_354 = arith.index_cast %parallel_loop3A_353 : i32 to index
        %parallel_loop3A_355 = arith.index_cast %parallel_loop3A_282 : i32 to index
        %parallel_loop3A_356 = arith.constant 48 : index
        %parallel_loop3A_357 = tpu.vector_load %arg9[%parallel_loop3A_354, %parallel_loop3A_355, %parallel_loop3A_356] {strides = array<i32>} : memref<2x80x128xf32, #tpu.memory_space<vmem>>, vector<1x1x16xf32>,
        %parallel_loop3A_358 = vector.shape_cast %parallel_loop3A_357 : vector<1x1x16xf32> to vector<16xf32>
        %parallel_loop3A_359 = arith.mulf %parallel_loop3A_358, %parallel_loop3A_338 : vector<16xf32>
        %parallel_loop3A_360 = arith.constant 0 : i32
        %parallel_loop3A_361 = arith.index_cast %parallel_loop3A_360 : i32 to index
        %parallel_loop3A_362 = arith.index_cast %parallel_loop3A_282 : i32 to index
        %parallel_loop3A_363 = arith.constant 48 : index
        %parallel_loop3A_364 = tpu.vector_load %arg9[%parallel_loop3A_361, %parallel_loop3A_362, %parallel_loop3A_363] {strides = array<i32>} : memref<2x80x128xf32, #tpu.memory_space<vmem>>, vector<1x1x16xf32>,
        %parallel_loop3A_365 = vector.shape_cast %parallel_loop3A_364 : vector<1x1x16xf32> to vector<16xf32>
        %parallel_loop3A_366 = vector.shape_cast %parallel_loop3A_359 : vector<16xf32> to vector<1x1x16xf32>
        tpu.vector_store %arg9[%parallel_loop3A_361, %parallel_loop3A_362, %parallel_loop3A_363], %parallel_loop3A_366 {strides = array<i32>} : memref<2x80x128xf32, #tpu.memory_space<vmem>>, vector<1x1x16xf32>,
        %parallel_loop3A_367 = arith.constant 0 : i32
        %parallel_loop3A_368 = arith.index_cast %parallel_loop3A_367 : i32 to index
        %parallel_loop3A_369 = arith.index_cast %parallel_loop3A_282 : i32 to index
        %parallel_loop3A_370 = arith.constant 32 : index
        %parallel_loop3A_371 = tpu.vector_load %arg10[%parallel_loop3A_368, %parallel_loop3A_369, %parallel_loop3A_370] {strides = array<i32>} : memref<2x80x64xi32, #tpu.memory_space<vmem>>, vector<1x1x16xi32>,
        %parallel_loop3A_372 = vector.shape_cast %parallel_loop3A_371 : vector<1x1x16xi32> to vector<16xi32>
        %parallel_loop3A_373 = arith.constant 16 : i32
        %parallel_loop3A_374 = vector.broadcast %parallel_loop3A_373 : i32 to vector<16xi32>
        %parallel_loop3A_375 = arith.shli %parallel_loop3A_372, %parallel_loop3A_374 : vector<16xi32>
        %parallel_loop3A_376 = tpu.bitcast %parallel_loop3A_375 : vector<16xi32> -> vector<16xf32>
        %parallel_loop3A_377 = arith.constant -65536 : i32
        %parallel_loop3A_378 = vector.broadcast %parallel_loop3A_377 : i32 to vector<16xi32>
        %parallel_loop3A_379 = arith.andi %parallel_loop3A_372, %parallel_loop3A_378 : vector<16xi32>
        %parallel_loop3A_380 = tpu.bitcast %parallel_loop3A_379 : vector<16xi32> -> vector<16xf32>
        %parallel_loop3A_381 = arith.constant 0 : i32
        %parallel_loop3A_382 = arith.index_cast %parallel_loop3A_381 : i32 to index
        %parallel_loop3A_383 = arith.index_cast %parallel_loop3A_282 : i32 to index
        %parallel_loop3A_384 = arith.constant 64 : index
        %parallel_loop3A_385 = tpu.vector_load %arg9[%parallel_loop3A_382, %parallel_loop3A_383, %parallel_loop3A_384] {strides = array<i32>} : memref<2x80x128xf32, #tpu.memory_space<vmem>>, vector<1x1x16xf32>,
        %parallel_loop3A_386 = vector.shape_cast %parallel_loop3A_385 : vector<1x1x16xf32> to vector<16xf32>
        %parallel_loop3A_387 = arith.mulf %parallel_loop3A_386, %parallel_loop3A_376 : vector<16xf32>
        %parallel_loop3A_388 = arith.constant 0 : i32
        %parallel_loop3A_389 = arith.index_cast %parallel_loop3A_388 : i32 to index
        %parallel_loop3A_390 = arith.index_cast %parallel_loop3A_282 : i32 to index
        %parallel_loop3A_391 = arith.constant 64 : index
        %parallel_loop3A_392 = tpu.vector_load %arg9[%parallel_loop3A_389, %parallel_loop3A_390, %parallel_loop3A_391] {strides = array<i32>} : memref<2x80x128xf32, #tpu.memory_space<vmem>>, vector<1x1x16xf32>,
        %parallel_loop3A_393 = vector.shape_cast %parallel_loop3A_392 : vector<1x1x16xf32> to vector<16xf32>
        %parallel_loop3A_394 = vector.shape_cast %parallel_loop3A_387 : vector<16xf32> to vector<1x1x16xf32>
        tpu.vector_store %arg9[%parallel_loop3A_389, %parallel_loop3A_390, %parallel_loop3A_391], %parallel_loop3A_394 {strides = array<i32>} : memref<2x80x128xf32, #tpu.memory_space<vmem>>, vector<1x1x16xf32>,
        %parallel_loop3A_395 = arith.constant 0 : i32
        %parallel_loop3A_396 = arith.index_cast %parallel_loop3A_395 : i32 to index
        %parallel_loop3A_397 = arith.index_cast %parallel_loop3A_282 : i32 to index
        %parallel_loop3A_398 = arith.constant 80 : index
        %parallel_loop3A_399 = tpu.vector_load %arg9[%parallel_loop3A_396, %parallel_loop3A_397, %parallel_loop3A_398] {strides = array<i32>} : memref<2x80x128xf32, #tpu.memory_space<vmem>>, vector<1x1x16xf32>,
        %parallel_loop3A_400 = vector.shape_cast %parallel_loop3A_399 : vector<1x1x16xf32> to vector<16xf32>
        %parallel_loop3A_401 = arith.mulf %parallel_loop3A_400, %parallel_loop3A_380 : vector<16xf32>
        %parallel_loop3A_402 = arith.constant 0 : i32
        %parallel_loop3A_403 = arith.index_cast %parallel_loop3A_402 : i32 to index
        %parallel_loop3A_404 = arith.index_cast %parallel_loop3A_282 : i32 to index
        %parallel_loop3A_405 = arith.constant 80 : index
        %parallel_loop3A_406 = tpu.vector_load %arg9[%parallel_loop3A_403, %parallel_loop3A_404, %parallel_loop3A_405] {strides = array<i32>} : memref<2x80x128xf32, #tpu.memory_space<vmem>>, vector<1x1x16xf32>,
        %parallel_loop3A_407 = vector.shape_cast %parallel_loop3A_406 : vector<1x1x16xf32> to vector<16xf32>
        %parallel_loop3A_408 = vector.shape_cast %parallel_loop3A_401 : vector<16xf32> to vector<1x1x16xf32>
        tpu.vector_store %arg9[%parallel_loop3A_403, %parallel_loop3A_404, %parallel_loop3A_405], %parallel_loop3A_408 {strides = array<i32>} : memref<2x80x128xf32, #tpu.memory_space<vmem>>, vector<1x1x16xf32>,
        %parallel_loop3A_409 = arith.constant 0 : i32
        %parallel_loop3A_410 = arith.index_cast %parallel_loop3A_409 : i32 to index
        %parallel_loop3A_411 = arith.index_cast %parallel_loop3A_282 : i32 to index
        %parallel_loop3A_412 = arith.constant 48 : index
        %parallel_loop3A_413 = tpu.vector_load %arg10[%parallel_loop3A_410, %parallel_loop3A_411, %parallel_loop3A_412] {strides = array<i32>} : memref<2x80x64xi32, #tpu.memory_space<vmem>>, vector<1x1x16xi32>,
        %parallel_loop3A_414 = vector.shape_cast %parallel_loop3A_413 : vector<1x1x16xi32> to vector<16xi32>
        %parallel_loop3A_415 = arith.constant 16 : i32
        %parallel_loop3A_416 = vector.broadcast %parallel_loop3A_415 : i32 to vector<16xi32>
        %parallel_loop3A_417 = arith.shli %parallel_loop3A_414, %parallel_loop3A_416 : vector<16xi32>
        %parallel_loop3A_418 = tpu.bitcast %parallel_loop3A_417 : vector<16xi32> -> vector<16xf32>
        %parallel_loop3A_419 = arith.constant -65536 : i32
        %parallel_loop3A_420 = vector.broadcast %parallel_loop3A_419 : i32 to vector<16xi32>
        %parallel_loop3A_421 = arith.andi %parallel_loop3A_414, %parallel_loop3A_420 : vector<16xi32>
        %parallel_loop3A_422 = tpu.bitcast %parallel_loop3A_421 : vector<16xi32> -> vector<16xf32>
        %parallel_loop3A_423 = arith.constant 0 : i32
        %parallel_loop3A_424 = arith.index_cast %parallel_loop3A_423 : i32 to index
        %parallel_loop3A_425 = arith.index_cast %parallel_loop3A_282 : i32 to index
        %parallel_loop3A_426 = arith.constant 96 : index
        %parallel_loop3A_427 = tpu.vector_load %arg9[%parallel_loop3A_424, %parallel_loop3A_425, %parallel_loop3A_426] {strides = array<i32>} : memref<2x80x128xf32, #tpu.memory_space<vmem>>, vector<1x1x16xf32>,
        %parallel_loop3A_428 = vector.shape_cast %parallel_loop3A_427 : vector<1x1x16xf32> to vector<16xf32>
        %parallel_loop3A_429 = arith.mulf %parallel_loop3A_428, %parallel_loop3A_418 : vector<16xf32>
        %parallel_loop3A_430 = arith.constant 0 : i32
        %parallel_loop3A_431 = arith.index_cast %parallel_loop3A_430 : i32 to index
        %parallel_loop3A_432 = arith.index_cast %parallel_loop3A_282 : i32 to index
        %parallel_loop3A_433 = arith.constant 96 : index
        %parallel_loop3A_434 = tpu.vector_load %arg9[%parallel_loop3A_431, %parallel_loop3A_432, %parallel_loop3A_433] {strides = array<i32>} : memref<2x80x128xf32, #tpu.memory_space<vmem>>, vector<1x1x16xf32>,
        %parallel_loop3A_435 = vector.shape_cast %parallel_loop3A_434 : vector<1x1x16xf32> to vector<16xf32>
        %parallel_loop3A_436 = vector.shape_cast %parallel_loop3A_429 : vector<16xf32> to vector<1x1x16xf32>
        tpu.vector_store %arg9[%parallel_loop3A_431, %parallel_loop3A_432, %parallel_loop3A_433], %parallel_loop3A_436 {strides = array<i32>} : memref<2x80x128xf32, #tpu.memory_space<vmem>>, vector<1x1x16xf32>,
        %parallel_loop3A_437 = arith.constant 0 : i32
        %parallel_loop3A_438 = arith.index_cast %parallel_loop3A_437 : i32 to index
        %parallel_loop3A_439 = arith.index_cast %parallel_loop3A_282 : i32 to index
        %parallel_loop3A_440 = arith.constant 112 : index
        %parallel_loop3A_441 = tpu.vector_load %arg9[%parallel_loop3A_438, %parallel_loop3A_439, %parallel_loop3A_440] {strides = array<i32>} : memref<2x80x128xf32, #tpu.memory_space<vmem>>, vector<1x1x16xf32>,
        %parallel_loop3A_442 = vector.shape_cast %parallel_loop3A_441 : vector<1x1x16xf32> to vector<16xf32>
        %parallel_loop3A_443 = arith.mulf %parallel_loop3A_442, %parallel_loop3A_422 : vector<16xf32>
        %parallel_loop3A_444 = arith.constant 0 : i32
        %parallel_loop3A_445 = arith.index_cast %parallel_loop3A_444 : i32 to index
        %parallel_loop3A_446 = arith.index_cast %parallel_loop3A_282 : i32 to index
        %parallel_loop3A_447 = arith.constant 112 : index
        %parallel_loop3A_448 = tpu.vector_load %arg9[%parallel_loop3A_445, %parallel_loop3A_446, %parallel_loop3A_447] {strides = array<i32>} : memref<2x80x128xf32, #tpu.memory_space<vmem>>, vector<1x1x16xf32>,
        %parallel_loop3A_449 = vector.shape_cast %parallel_loop3A_448 : vector<1x1x16xf32> to vector<16xf32>
        %parallel_loop3A_450 = vector.shape_cast %parallel_loop3A_443 : vector<16xf32> to vector<1x1x16xf32>
        tpu.vector_store %arg9[%parallel_loop3A_445, %parallel_loop3A_446, %parallel_loop3A_447], %parallel_loop3A_450 {strides = array<i32>} : memref<2x80x128xf32, #tpu.memory_space<vmem>>, vector<1x1x16xf32>,
      } {sc.loop_unroll_factor = 2 : i64, sc.parallel_access}
      %run_scoped3A = arith.constant 0 : i32
      %run_scoped3A_266 = arith.constant 0 : i32
      "tpu.region"() ({
        %run_scoped3A_282 = tpu.sem_alloc : memref<!tpu.dma_semaphore, #tpu.memory_space<semaphore_mem>>
        %dma_start3A_283 = arith.constant 0 : i32
        %dma_start3A_284 = arith.constant 0 : i32
        %dma_start3A_285 = tpu.memref_slice %arg9[%run_scoped3A, %dma_start3A_283, %dma_start3A_284] : memref<2x80x128xf32, #tpu.memory_space<vmem>> -> memref<1x80x128xf32, #tpu.memory_space<vmem>>
        %dma_start3A_286 = tpu.memref_squeeze %dma_start3A_285 : memref<1x80x128xf32, #tpu.memory_space<vmem>> -> memref<80x128xf32, #tpu.memory_space<vmem>>
        %dma_start3A_287 = arith.constant 0 : i32
        %dma_start3A_288 = tpu.memref_slice %arg8[%run_scoped3A_266, %dma_start3A_287] : memref<2x80xi32, #tpu.memory_space<vmem>> -> memref<1x80xi32, #tpu.memory_space<vmem>>
        %dma_start3A_289 = tpu.memref_squeeze %dma_start3A_288 : memref<1x80xi32, #tpu.memory_space<vmem>> -> memref<80xi32, #tpu.memory_space<vmem>>
        %dma_start3A_290 = arith.constant 0 : i32
        %dma_start3A_291 = arith.constant 0 : i32
        %dma_start3A_292 = tpu.memref_slice %arg11[%dma_start3A_290, %dma_start3A_291] : memref<10000x128xf32, #tpu.memory_space<vmem_shared>> -> memref<10000x128xf32, #tpu.memory_space<vmem_shared>>
        tpu.enqueue_indirect_dma source(%dma_start3A_286 : memref<80x128xf32, #tpu.memory_space<vmem>>) target(%dma_start3A_292 : memref<10000x128xf32, #tpu.memory_space<vmem_shared>>) offsets(%dma_start3A_289 : memref<80xi32, #tpu.memory_space<vmem>>) semaphore(%run_scoped3A_282 : memref<!tpu.dma_semaphore, #tpu.memory_space<semaphore_mem>>) {add = true}
        %dma_wait3A_293 = arith.constant 0 : i32
        %dma_wait3A_294 = arith.constant 0 : i32
        %dma_wait3A_295 = tpu.memref_slice %arg9[%run_scoped3A, %dma_wait3A_293, %dma_wait3A_294] : memref<2x80x128xf32, #tpu.memory_space<vmem>> -> memref<1x80x128xf32, #tpu.memory_space<vmem>>
        %dma_wait3A_296 = tpu.memref_squeeze %dma_wait3A_295 : memref<1x80x128xf32, #tpu.memory_space<vmem>> -> memref<80x128xf32, #tpu.memory_space<vmem>>
        %dma_wait3A_297 = arith.constant 0 : i32
        %dma_wait3A_298 = tpu.memref_slice %arg8[%run_scoped3A_266, %dma_wait3A_297] : memref<2x80xi32, #tpu.memory_space<vmem>> -> memref<1x80xi32, #tpu.memory_space<vmem>>
        %dma_wait3A_299 = tpu.memref_squeeze %dma_wait3A_298 : memref<1x80xi32, #tpu.memory_space<vmem>> -> memref<80xi32, #tpu.memory_space<vmem>>
        %dma_wait3A_300 = arith.constant 0 : i32
        %dma_wait3A_301 = arith.constant 0 : i32
        %dma_wait3A_302 = tpu.memref_slice %arg11[%dma_wait3A_300, %dma_wait3A_301] : memref<10000x128xf32, #tpu.memory_space<vmem_shared>> -> memref<10000x128xf32, #tpu.memory_space<vmem_shared>>
        tpu.wait_indirect_dma semaphore(%run_scoped3A_282 : memref<!tpu.dma_semaphore, #tpu.memory_space<semaphore_mem>>) src(%dma_wait3A_296 : memref<80x128xf32, #tpu.memory_space<vmem>>) dst(%dma_wait3A_302 : memref<10000x128xf32, #tpu.memory_space<vmem_shared>>)
        tpu.yield
      }) : () -> ()
      %add3A_267 = arith.constant 2 : i32
      %add3A_268 = arith.addi %mul3A_221, %add3A_267 : i32
      %lt3A_269 = arith.constant 125 : i32
      %lt3A_270 = arith.cmpi slt, %add3A_268, %lt3A_269 : i32
      %convert_element_type3A_271 = arith.extui %lt3A_270 : i1 to i32
      %cond3A_272 = arith.constant 0 : i32
      %cond3A_273 = arith.cmpi ne, %convert_element_type3A_271, %cond3A_272 : i32
      scf.if %cond3A_273 {
        %add3A_282 = arith.constant 2 : i32
        %add3A_283 = arith.addi %mul3A_221, %add3A_282 : i32
        %mul3A_284 = arith.constant 80 : i32
        %mul3A_285 = arith.muli %add3A_283, %mul3A_284 : i32
        %add3A_286 = arith.addi %mul3A_2, %mul3A_285 : i32
        %dma_start3A_287 = arith.constant 0 : i32
        %dma_start3A_288 = arith.constant 0 : i32
        %dma_start3A_289 = tpu.memref_slice %arg8[%dma_start3A_287, %dma_start3A_288] : memref<2x80xi32, #tpu.memory_space<vmem>> -> memref<1x80xi32, #tpu.memory_space<vmem>>
        %dma_start3A_290 = tpu.memref_squeeze %dma_start3A_289 : memref<1x80xi32, #tpu.memory_space<vmem>> -> memref<80xi32, #tpu.memory_space<vmem>>
        %dma_start3A_291 = tpu.memref_slice %arg5[%add3A_286] : memref<320000xi32, #tpu.memory_space<hbm>> -> memref<80xi32, #tpu.memory_space<hbm>>
        %dma_start3A_292 = arith.constant 0 : i32
        %dma_start3A_293 = tpu.memref_slice %arg8[%dma_start3A_287, %dma_start3A_292] : memref<2x80xi32, #tpu.memory_space<vmem>> -> memref<1x80xi32, #tpu.memory_space<vmem>>
        %dma_start3A_294 = tpu.memref_squeeze %dma_start3A_293 : memref<1x80xi32, #tpu.memory_space<vmem>> -> memref<80xi32, #tpu.memory_space<vmem>>
        %dma_start3A_295 = tpu.memref_slice %arg5[%add3A_286] : memref<320000xi32, #tpu.memory_space<hbm>> -> memref<80xi32, #tpu.memory_space<hbm>>
        tpu.enqueue_dma source(%dma_start3A_295 : memref<80xi32, #tpu.memory_space<hbm>>) target(%dma_start3A_294 : memref<80xi32, #tpu.memory_space<vmem>>) target_semaphore(%arg12 : memref<!tpu.dma_semaphore, #tpu.memory_space<semaphore_mem>>)
      } else {
      }
      %add3A_274 = arith.constant 1 : i32
      %add3A_275 = arith.addi %mul3A_221, %add3A_274 : i32
      %lt3A_276 = arith.constant 125 : i32
      %lt3A_277 = arith.cmpi slt, %add3A_275, %lt3A_276 : i32
      %convert_element_type3A_278 = arith.extui %lt3A_277 : i1 to i32
      %cond3A_279 = arith.constant 0 : i32
      %cond3A_280 = arith.cmpi ne, %convert_element_type3A_278, %cond3A_279 : i32
      scf.if %cond3A_280 {
        %add3A_282 = arith.constant 1 : i32
        %add3A_283 = arith.addi %mul3A_221, %add3A_282 : i32
        %add3A_284 = arith.constant 1 : i32
        %add3A_285 = arith.addi %add3A_283, %add3A_284 : i32
        %lt3A_286 = arith.constant 125 : i32
        %lt3A_287 = arith.cmpi slt, %add3A_285, %lt3A_286 : i32
        %convert_element_type3A_288 = arith.extui %lt3A_287 : i1 to i32
        %cond3A_289 = arith.constant 0 : i32
        %cond3A_290 = arith.cmpi ne, %convert_element_type3A_288, %cond3A_289 : i32
        scf.if %cond3A_290 {
          %add3A_338 = arith.constant 1 : i32
          %add3A_339 = arith.addi %add3A_283, %add3A_338 : i32
          %mul3A_340 = arith.constant 80 : i32
          %mul3A_341 = arith.muli %add3A_339, %mul3A_340 : i32
          %add3A_342 = arith.addi %mul3A_2, %mul3A_341 : i32
          %dma_wait3A_343 = arith.constant 0 : i32
          %dma_wait3A_344 = arith.constant 0 : i32
          %dma_wait3A_345 = tpu.memref_slice %arg7[%dma_wait3A_343, %dma_wait3A_344] : memref<2x80xi32, #tpu.memory_space<vmem>> -> memref<1x80xi32, #tpu.memory_space<vmem>>
          %dma_wait3A_346 = tpu.memref_squeeze %dma_wait3A_345 : memref<1x80xi32, #tpu.memory_space<vmem>> -> memref<80xi32, #tpu.memory_space<vmem>>
          %dma_wait3A_347 = tpu.memref_slice %arg4[%add3A_342] : memref<320000xi32, #tpu.memory_space<hbm>> -> memref<80xi32, #tpu.memory_space<hbm>>
          %dma_wait3A_348 = arith.constant 0 : i32
          %dma_wait3A_349 = tpu.memref_slice %arg7[%dma_wait3A_343, %dma_wait3A_348] : memref<2x80xi32, #tpu.memory_space<vmem>> -> memref<1x80xi32, #tpu.memory_space<vmem>>
          %dma_wait3A_350 = tpu.memref_squeeze %dma_wait3A_349 : memref<1x80xi32, #tpu.memory_space<vmem>> -> memref<80xi32, #tpu.memory_space<vmem>>
          %dma_wait3A_351 = tpu.memref_slice %arg4[%add3A_342] : memref<320000xi32, #tpu.memory_space<hbm>> -> memref<80xi32, #tpu.memory_space<hbm>>
          tpu.wait_dma2 semaphore(%arg12 : memref<!tpu.dma_semaphore, #tpu.memory_space<semaphore_mem>>) src(%dma_wait3A_351 : memref<80xi32, #tpu.memory_space<hbm>>) dst(%dma_wait3A_350 : memref<80xi32, #tpu.memory_space<vmem>>)
          %mul3A_352 = arith.constant 80 : i32
          %mul3A_353 = arith.muli %add3A_339, %mul3A_352 : i32
          %add3A_354 = arith.addi %mul3A_2, %mul3A_353 : i32
          %dma_wait3A_355 = arith.constant 0 : i32
          %dma_wait3A_356 = arith.constant 0 : i32
          %dma_wait3A_357 = tpu.memref_slice %arg8[%dma_wait3A_355, %dma_wait3A_356] : memref<2x80xi32, #tpu.memory_space<vmem>> -> memref<1x80xi32, #tpu.memory_space<vmem>>
          %dma_wait3A_358 = tpu.memref_squeeze %dma_wait3A_357 : memref<1x80xi32, #tpu.memory_space<vmem>> -> memref<80xi32, #tpu.memory_space<vmem>>
          %dma_wait3A_359 = tpu.memref_slice %arg5[%add3A_354] : memref<320000xi32, #tpu.memory_space<hbm>> -> memref<80xi32, #tpu.memory_space<hbm>>
          %dma_wait3A_360 = arith.constant 0 : i32
          %dma_wait3A_361 = tpu.memref_slice %arg8[%dma_wait3A_355, %dma_wait3A_360] : memref<2x80xi32, #tpu.memory_space<vmem>> -> memref<1x80xi32, #tpu.memory_space<vmem>>
          %dma_wait3A_362 = tpu.memref_squeeze %dma_wait3A_361 : memref<1x80xi32, #tpu.memory_space<vmem>> -> memref<80xi32, #tpu.memory_space<vmem>>
          %dma_wait3A_363 = tpu.memref_slice %arg5[%add3A_354] : memref<320000xi32, #tpu.memory_space<hbm>> -> memref<80xi32, #tpu.memory_space<hbm>>
          tpu.wait_dma2 semaphore(%arg12 : memref<!tpu.dma_semaphore, #tpu.memory_space<semaphore_mem>>) src(%dma_wait3A_363 : memref<80xi32, #tpu.memory_space<hbm>>) dst(%dma_wait3A_362 : memref<80xi32, #tpu.memory_space<vmem>>)
          %add3A_364 = arith.constant 1 : i32
          %add3A_365 = arith.addi %add3A_283, %add3A_364 : i32
          %mul3A_366 = arith.constant 80 : i32
          %mul3A_367 = arith.muli %add3A_365, %mul3A_366 : i32
          %add3A_368 = arith.addi %mul3A_2, %mul3A_367 : i32
          %dma_start3A_369 = arith.constant 0 : i32
          %dma_start3A_370 = arith.constant 0 : i32
          %dma_start3A_371 = arith.constant 0 : i32
          %dma_start3A_372 = tpu.memref_slice %arg10[%dma_start3A_369, %dma_start3A_370, %dma_start3A_371] : memref<2x80x64xi32, #tpu.memory_space<vmem>> -> memref<1x80x64xi32, #tpu.memory_space<vmem>>
          %dma_start3A_373 = tpu.memref_squeeze %dma_start3A_372 : memref<1x80x64xi32, #tpu.memory_space<vmem>> -> memref<80x64xi32, #tpu.memory_space<vmem>>
          %dma_start3A_374 = arith.constant 0 : i32
          %dma_start3A_375 = tpu.memref_slice %arg3[%add3A_368, %dma_start3A_374] : memref<320000x64xi32, #tpu.memory_space<hbm>> -> memref<80x64xi32, #tpu.memory_space<hbm>>
          %dma_start3A_376 = arith.constant 0 : i32
          %dma_start3A_377 = arith.constant 0 : i32
          %dma_start3A_378 = tpu.memref_slice %arg10[%dma_start3A_369, %dma_start3A_376, %dma_start3A_377] : memref<2x80x64xi32, #tpu.memory_space<vmem>> -> memref<1x80x64xi32, #tpu.memory_space<vmem>>
          %dma_start3A_379 = tpu.memref_squeeze %dma_start3A_378 : memref<1x80x64xi32, #tpu.memory_space<vmem>> -> memref<80x64xi32, #tpu.memory_space<vmem>>
          %dma_start3A_380 = arith.constant 0 : i32
          %dma_start3A_381 = tpu.memref_slice %arg3[%add3A_368, %dma_start3A_380] : memref<320000x64xi32, #tpu.memory_space<hbm>> -> memref<80x64xi32, #tpu.memory_space<hbm>>
          tpu.enqueue_dma source(%dma_start3A_381 : memref<80x64xi32, #tpu.memory_space<hbm>>) target(%dma_start3A_379 : memref<80x64xi32, #tpu.memory_space<vmem>>) target_semaphore(%arg16 : memref<!tpu.dma_semaphore, #tpu.memory_space<semaphore_mem>>)
          %dma_start3A_382 = arith.constant 0 : i32
          %dma_start3A_383 = arith.constant 0 : i32
          %dma_start3A_384 = arith.constant 0 : i32
          %dma_start3A_385 = arith.constant 0 : i32
          %dma_start3A_386 = tpu.memref_slice %arg9[%dma_start3A_383, %dma_start3A_384, %dma_start3A_385] : memref<2x80x128xf32, #tpu.memory_space<vmem>> -> memref<1x80x128xf32, #tpu.memory_space<vmem>>
          %dma_start3A_387 = tpu.memref_squeeze %dma_start3A_386 : memref<1x80x128xf32, #tpu.memory_space<vmem>> -> memref<80x128xf32, #tpu.memory_space<vmem>>
          %dma_start3A_388 = arith.constant 0 : i32
          %dma_start3A_389 = tpu.memref_slice %arg7[%dma_start3A_382, %dma_start3A_388] : memref<2x80xi32, #tpu.memory_space<vmem>> -> memref<1x80xi32, #tpu.memory_space<vmem>>
          %dma_start3A_390 = tpu.memref_squeeze %dma_start3A_389 : memref<1x80xi32, #tpu.memory_space<vmem>> -> memref<80xi32, #tpu.memory_space<vmem>>
          %dma_start3A_391 = arith.constant 0 : i32
          %dma_start3A_392 = arith.constant 0 : i32
          %dma_start3A_393 = tpu.memref_slice %arg2[%dma_start3A_391, %dma_start3A_392] : memref<10000x128xf32, #tpu.memory_space<hbm>> -> memref<10000x128xf32, #tpu.memory_space<hbm>>
          tpu.enqueue_indirect_dma source(%dma_start3A_393 : memref<10000x128xf32, #tpu.memory_space<hbm>>) target(%dma_start3A_387 : memref<80x128xf32, #tpu.memory_space<vmem>>) offsets(%dma_start3A_390 : memref<80xi32, #tpu.memory_space<vmem>>) semaphore(%arg14 : memref<!tpu.dma_semaphore, #tpu.memory_space<semaphore_mem>>)
        } else {
        }
        %mul3A_291 = arith.constant 80 : i32
        %mul3A_292 = arith.muli %add3A_283, %mul3A_291 : i32
        %add3A_293 = arith.addi %mul3A_2, %mul3A_292 : i32
        %dma_wait3A_294 = arith.constant 1 : i32
        %dma_wait3A_295 = arith.constant 0 : i32
        %dma_wait3A_296 = arith.constant 0 : i32
        %dma_wait3A_297 = tpu.memref_slice %arg10[%dma_wait3A_294, %dma_wait3A_295, %dma_wait3A_296] : memref<2x80x64xi32, #tpu.memory_space<vmem>> -> memref<1x80x64xi32, #tpu.memory_space<vmem>>
        %dma_wait3A_298 = tpu.memref_squeeze %dma_wait3A_297 : memref<1x80x64xi32, #tpu.memory_space<vmem>> -> memref<80x64xi32, #tpu.memory_space<vmem>>
        %dma_wait3A_299 = arith.constant 0 : i32
        %dma_wait3A_300 = tpu.memref_slice %arg3[%add3A_293, %dma_wait3A_299] : memref<320000x64xi32, #tpu.memory_space<hbm>> -> memref<80x64xi32, #tpu.memory_space<hbm>>
        %dma_wait3A_301 = arith.constant 0 : i32
        %dma_wait3A_302 = arith.constant 0 : i32
        %dma_wait3A_303 = tpu.memref_slice %arg10[%dma_wait3A_294, %dma_wait3A_301, %dma_wait3A_302] : memref<2x80x64xi32, #tpu.memory_space<vmem>> -> memref<1x80x64xi32, #tpu.memory_space<vmem>>
        %dma_wait3A_304 = tpu.memref_squeeze %dma_wait3A_303 : memref<1x80x64xi32, #tpu.memory_space<vmem>> -> memref<80x64xi32, #tpu.memory_space<vmem>>
        %dma_wait3A_305 = arith.constant 0 : i32
        %dma_wait3A_306 = tpu.memref_slice %arg3[%add3A_293, %dma_wait3A_305] : memref<320000x64xi32, #tpu.memory_space<hbm>> -> memref<80x64xi32, #tpu.memory_space<hbm>>
        tpu.wait_dma2 semaphore(%arg17 : memref<!tpu.dma_semaphore, #tpu.memory_space<semaphore_mem>>) src(%dma_wait3A_306 : memref<80x64xi32, #tpu.memory_space<hbm>>) dst(%dma_wait3A_304 : memref<80x64xi32, #tpu.memory_space<vmem>>)
        %dma_wait3A_307 = arith.constant 1 : i32
        %dma_wait3A_308 = arith.constant 1 : i32
        %dma_wait3A_309 = arith.constant 0 : i32
        %dma_wait3A_310 = arith.constant 0 : i32
        %dma_wait3A_311 = tpu.memref_slice %arg9[%dma_wait3A_308, %dma_wait3A_309, %dma_wait3A_310] : memref<2x80x128xf32, #tpu.memory_space<vmem>> -> memref<1x80x128xf32, #tpu.memory_space<vmem>>
        %dma_wait3A_312 = tpu.memref_squeeze %dma_wait3A_311 : memref<1x80x128xf32, #tpu.memory_space<vmem>> -> memref<80x128xf32, #tpu.memory_space<vmem>>
        %dma_wait3A_313 = arith.constant 0 : i32
        %dma_wait3A_314 = tpu.memref_slice %arg7[%dma_wait3A_307, %dma_wait3A_313] : memref<2x80xi32, #tpu.memory_space<vmem>> -> memref<1x80xi32, #tpu.memory_space<vmem>>
        %dma_wait3A_315 = tpu.memref_squeeze %dma_wait3A_314 : memref<1x80xi32, #tpu.memory_space<vmem>> -> memref<80xi32, #tpu.memory_space<vmem>>
        %dma_wait3A_316 = arith.constant 0 : i32
        %dma_wait3A_317 = arith.constant 0 : i32
        %dma_wait3A_318 = tpu.memref_slice %arg2[%dma_wait3A_316, %dma_wait3A_317] : memref<10000x128xf32, #tpu.memory_space<hbm>> -> memref<10000x128xf32, #tpu.memory_space<hbm>>
        tpu.wait_indirect_dma semaphore(%arg15 : memref<!tpu.dma_semaphore, #tpu.memory_space<semaphore_mem>>) src(%dma_wait3A_318 : memref<10000x128xf32, #tpu.memory_space<hbm>>) dst(%dma_wait3A_312 : memref<80x128xf32, #tpu.memory_space<vmem>>)
        %add3A_319 = arith.constant 2 : i32
        %add3A_320 = arith.addi %add3A_283, %add3A_319 : i32
        %lt3A_321 = arith.constant 125 : i32
        %lt3A_322 = arith.cmpi slt, %add3A_320, %lt3A_321 : i32
        %convert_element_type3A_323 = arith.extui %lt3A_322 : i1 to i32
        %cond3A_324 = arith.constant 0 : i32
        %cond3A_325 = arith.cmpi ne, %convert_element_type3A_323, %cond3A_324 : i32
        scf.if %cond3A_325 {
          %add3A_338 = arith.constant 2 : i32
          %add3A_339 = arith.addi %add3A_283, %add3A_338 : i32
          %mul3A_340 = arith.constant 80 : i32
          %mul3A_341 = arith.muli %add3A_339, %mul3A_340 : i32
          %add3A_342 = arith.addi %mul3A_2, %mul3A_341 : i32
          %dma_start3A_343 = arith.constant 1 : i32
          %dma_start3A_344 = arith.constant 0 : i32
          %dma_start3A_345 = tpu.memref_slice %arg7[%dma_start3A_343, %dma_start3A_344] : memref<2x80xi32, #tpu.memory_space<vmem>> -> memref<1x80xi32, #tpu.memory_space<vmem>>
          %dma_start3A_346 = tpu.memref_squeeze %dma_start3A_345 : memref<1x80xi32, #tpu.memory_space<vmem>> -> memref<80xi32, #tpu.memory_space<vmem>>
          %dma_start3A_347 = tpu.memref_slice %arg4[%add3A_342] : memref<320000xi32, #tpu.memory_space<hbm>> -> memref<80xi32, #tpu.memory_space<hbm>>
          %dma_start3A_348 = arith.constant 0 : i32
          %dma_start3A_349 = tpu.memref_slice %arg7[%dma_start3A_343, %dma_start3A_348] : memref<2x80xi32, #tpu.memory_space<vmem>> -> memref<1x80xi32, #tpu.memory_space<vmem>>
          %dma_start3A_350 = tpu.memref_squeeze %dma_start3A_349 : memref<1x80xi32, #tpu.memory_space<vmem>> -> memref<80xi32, #tpu.memory_space<vmem>>
          %dma_start3A_351 = tpu.memref_slice %arg4[%add3A_342] : memref<320000xi32, #tpu.memory_space<hbm>> -> memref<80xi32, #tpu.memory_space<hbm>>
          tpu.enqueue_dma source(%dma_start3A_351 : memref<80xi32, #tpu.memory_space<hbm>>) target(%dma_start3A_350 : memref<80xi32, #tpu.memory_space<vmem>>) target_semaphore(%arg13 : memref<!tpu.dma_semaphore, #tpu.memory_space<semaphore_mem>>)
        } else {
        }
        %parallel_loop3A_326 = arith.constant 0 : i32
        %parallel_loop3A_327 = arith.constant 80 : i32
        %parallel_loop3A_328 = arith.constant 1 : i32
        scf.for %parallel_loop3A_338 = %parallel_loop3A_326 to %parallel_loop3A_327 step %parallel_loop3A_328  : i32 {
          %parallel_loop3A_339 = arith.constant 1 : i32
          %parallel_loop3A_340 = arith.index_cast %parallel_loop3A_339 : i32 to index
          %parallel_loop3A_341 = arith.index_cast %parallel_loop3A_338 : i32 to index
          %parallel_loop3A_342 = arith.constant 0 : index
          %parallel_loop3A_343 = tpu.vector_load %arg10[%parallel_loop3A_340, %parallel_loop3A_341, %parallel_loop3A_342] {strides = array<i32>} : memref<2x80x64xi32, #tpu.memory_space<vmem>>, vector<1x1x16xi32>,
          %parallel_loop3A_344 = vector.shape_cast %parallel_loop3A_343 : vector<1x1x16xi32> to vector<16xi32>
          %parallel_loop3A_345 = arith.constant 16 : i32
          %parallel_loop3A_346 = vector.broadcast %parallel_loop3A_345 : i32 to vector<16xi32>
          %parallel_loop3A_347 = arith.shli %parallel_loop3A_344, %parallel_loop3A_346 : vector<16xi32>
          %parallel_loop3A_348 = tpu.bitcast %parallel_loop3A_347 : vector<16xi32> -> vector<16xf32>
          %parallel_loop3A_349 = arith.constant -65536 : i32
          %parallel_loop3A_350 = vector.broadcast %parallel_loop3A_349 : i32 to vector<16xi32>
          %parallel_loop3A_351 = arith.andi %parallel_loop3A_344, %parallel_loop3A_350 : vector<16xi32>
          %parallel_loop3A_352 = tpu.bitcast %parallel_loop3A_351 : vector<16xi32> -> vector<16xf32>
          %parallel_loop3A_353 = arith.constant 1 : i32
          %parallel_loop3A_354 = arith.index_cast %parallel_loop3A_353 : i32 to index
          %parallel_loop3A_355 = arith.index_cast %parallel_loop3A_338 : i32 to index
          %parallel_loop3A_356 = arith.constant 0 : index
          %parallel_loop3A_357 = tpu.vector_load %arg9[%parallel_loop3A_354, %parallel_loop3A_355, %parallel_loop3A_356] {strides = array<i32>} : memref<2x80x128xf32, #tpu.memory_space<vmem>>, vector<1x1x16xf32>,
          %parallel_loop3A_358 = vector.shape_cast %parallel_loop3A_357 : vector<1x1x16xf32> to vector<16xf32>
          %parallel_loop3A_359 = arith.mulf %parallel_loop3A_358, %parallel_loop3A_348 : vector<16xf32>
          %parallel_loop3A_360 = arith.constant 1 : i32
          %parallel_loop3A_361 = arith.index_cast %parallel_loop3A_360 : i32 to index
          %parallel_loop3A_362 = arith.index_cast %parallel_loop3A_338 : i32 to index
          %parallel_loop3A_363 = arith.constant 0 : index
          %parallel_loop3A_364 = tpu.vector_load %arg9[%parallel_loop3A_361, %parallel_loop3A_362, %parallel_loop3A_363] {strides = array<i32>} : memref<2x80x128xf32, #tpu.memory_space<vmem>>, vector<1x1x16xf32>,
          %parallel_loop3A_365 = vector.shape_cast %parallel_loop3A_364 : vector<1x1x16xf32> to vector<16xf32>
          %parallel_loop3A_366 = vector.shape_cast %parallel_loop3A_359 : vector<16xf32> to vector<1x1x16xf32>
          tpu.vector_store %arg9[%parallel_loop3A_361, %parallel_loop3A_362, %parallel_loop3A_363], %parallel_loop3A_366 {strides = array<i32>} : memref<2x80x128xf32, #tpu.memory_space<vmem>>, vector<1x1x16xf32>,
          %parallel_loop3A_367 = arith.constant 1 : i32
          %parallel_loop3A_368 = arith.index_cast %parallel_loop3A_367 : i32 to index
          %parallel_loop3A_369 = arith.index_cast %parallel_loop3A_338 : i32 to index
          %parallel_loop3A_370 = arith.constant 16 : index
          %parallel_loop3A_371 = tpu.vector_load %arg9[%parallel_loop3A_368, %parallel_loop3A_369, %parallel_loop3A_370] {strides = array<i32>} : memref<2x80x128xf32, #tpu.memory_space<vmem>>, vector<1x1x16xf32>,
          %parallel_loop3A_372 = vector.shape_cast %parallel_loop3A_371 : vector<1x1x16xf32> to vector<16xf32>
          %parallel_loop3A_373 = arith.mulf %parallel_loop3A_372, %parallel_loop3A_352 : vector<16xf32>
          %parallel_loop3A_374 = arith.constant 1 : i32
          %parallel_loop3A_375 = arith.index_cast %parallel_loop3A_374 : i32 to index
          %parallel_loop3A_376 = arith.index_cast %parallel_loop3A_338 : i32 to index
          %parallel_loop3A_377 = arith.constant 16 : index
          %parallel_loop3A_378 = tpu.vector_load %arg9[%parallel_loop3A_375, %parallel_loop3A_376, %parallel_loop3A_377] {strides = array<i32>} : memref<2x80x128xf32, #tpu.memory_space<vmem>>, vector<1x1x16xf32>,
          %parallel_loop3A_379 = vector.shape_cast %parallel_loop3A_378 : vector<1x1x16xf32> to vector<16xf32>
          %parallel_loop3A_380 = vector.shape_cast %parallel_loop3A_373 : vector<16xf32> to vector<1x1x16xf32>
          tpu.vector_store %arg9[%parallel_loop3A_375, %parallel_loop3A_376, %parallel_loop3A_377], %parallel_loop3A_380 {strides = array<i32>} : memref<2x80x128xf32, #tpu.memory_space<vmem>>, vector<1x1x16xf32>,
          %parallel_loop3A_381 = arith.constant 1 : i32
          %parallel_loop3A_382 = arith.index_cast %parallel_loop3A_381 : i32 to index
          %parallel_loop3A_383 = arith.index_cast %parallel_loop3A_338 : i32 to index
          %parallel_loop3A_384 = arith.constant 16 : index
          %parallel_loop3A_385 = tpu.vector_load %arg10[%parallel_loop3A_382, %parallel_loop3A_383, %parallel_loop3A_384] {strides = array<i32>} : memref<2x80x64xi32, #tpu.memory_space<vmem>>, vector<1x1x16xi32>,
          %parallel_loop3A_386 = vector.shape_cast %parallel_loop3A_385 : vector<1x1x16xi32> to vector<16xi32>
          %parallel_loop3A_387 = arith.constant 16 : i32
          %parallel_loop3A_388 = vector.broadcast %parallel_loop3A_387 : i32 to vector<16xi32>
          %parallel_loop3A_389 = arith.shli %parallel_loop3A_386, %parallel_loop3A_388 : vector<16xi32>
          %parallel_loop3A_390 = tpu.bitcast %parallel_loop3A_389 : vector<16xi32> -> vector<16xf32>
          %parallel_loop3A_391 = arith.constant -65536 : i32
          %parallel_loop3A_392 = vector.broadcast %parallel_loop3A_391 : i32 to vector<16xi32>
          %parallel_loop3A_393 = arith.andi %parallel_loop3A_386, %parallel_loop3A_392 : vector<16xi32>
          %parallel_loop3A_394 = tpu.bitcast %parallel_loop3A_393 : vector<16xi32> -> vector<16xf32>
          %parallel_loop3A_395 = arith.constant 1 : i32
          %parallel_loop3A_396 = arith.index_cast %parallel_loop3A_395 : i32 to index
          %parallel_loop3A_397 = arith.index_cast %parallel_loop3A_338 : i32 to index
          %parallel_loop3A_398 = arith.constant 32 : index
          %parallel_loop3A_399 = tpu.vector_load %arg9[%parallel_loop3A_396, %parallel_loop3A_397, %parallel_loop3A_398] {strides = array<i32>} : memref<2x80x128xf32, #tpu.memory_space<vmem>>, vector<1x1x16xf32>,
          %parallel_loop3A_400 = vector.shape_cast %parallel_loop3A_399 : vector<1x1x16xf32> to vector<16xf32>
          %parallel_loop3A_401 = arith.mulf %parallel_loop3A_400, %parallel_loop3A_390 : vector<16xf32>
          %parallel_loop3A_402 = arith.constant 1 : i32
          %parallel_loop3A_403 = arith.index_cast %parallel_loop3A_402 : i32 to index
          %parallel_loop3A_404 = arith.index_cast %parallel_loop3A_338 : i32 to index
          %parallel_loop3A_405 = arith.constant 32 : index
          %parallel_loop3A_406 = tpu.vector_load %arg9[%parallel_loop3A_403, %parallel_loop3A_404, %parallel_loop3A_405] {strides = array<i32>} : memref<2x80x128xf32, #tpu.memory_space<vmem>>, vector<1x1x16xf32>,
          %parallel_loop3A_407 = vector.shape_cast %parallel_loop3A_406 : vector<1x1x16xf32> to vector<16xf32>
          %parallel_loop3A_408 = vector.shape_cast %parallel_loop3A_401 : vector<16xf32> to vector<1x1x16xf32>
          tpu.vector_store %arg9[%parallel_loop3A_403, %parallel_loop3A_404, %parallel_loop3A_405], %parallel_loop3A_408 {strides = array<i32>} : memref<2x80x128xf32, #tpu.memory_space<vmem>>, vector<1x1x16xf32>,
          %parallel_loop3A_409 = arith.constant 1 : i32
          %parallel_loop3A_410 = arith.index_cast %parallel_loop3A_409 : i32 to index
          %parallel_loop3A_411 = arith.index_cast %parallel_loop3A_338 : i32 to index
          %parallel_loop3A_412 = arith.constant 48 : index
          %parallel_loop3A_413 = tpu.vector_load %arg9[%parallel_loop3A_410, %parallel_loop3A_411, %parallel_loop3A_412] {strides = array<i32>} : memref<2x80x128xf32, #tpu.memory_space<vmem>>, vector<1x1x16xf32>,
          %parallel_loop3A_414 = vector.shape_cast %parallel_loop3A_413 : vector<1x1x16xf32> to vector<16xf32>
          %parallel_loop3A_415 = arith.mulf %parallel_loop3A_414, %parallel_loop3A_394 : vector<16xf32>
          %parallel_loop3A_416 = arith.constant 1 : i32
          %parallel_loop3A_417 = arith.index_cast %parallel_loop3A_416 : i32 to index
          %parallel_loop3A_418 = arith.index_cast %parallel_loop3A_338 : i32 to index
          %parallel_loop3A_419 = arith.constant 48 : index
          %parallel_loop3A_420 = tpu.vector_load %arg9[%parallel_loop3A_417, %parallel_loop3A_418, %parallel_loop3A_419] {strides = array<i32>} : memref<2x80x128xf32, #tpu.memory_space<vmem>>, vector<1x1x16xf32>,
          %parallel_loop3A_421 = vector.shape_cast %parallel_loop3A_420 : vector<1x1x16xf32> to vector<16xf32>
          %parallel_loop3A_422 = vector.shape_cast %parallel_loop3A_415 : vector<16xf32> to vector<1x1x16xf32>
          tpu.vector_store %arg9[%parallel_loop3A_417, %parallel_loop3A_418, %parallel_loop3A_419], %parallel_loop3A_422 {strides = array<i32>} : memref<2x80x128xf32, #tpu.memory_space<vmem>>, vector<1x1x16xf32>,
          %parallel_loop3A_423 = arith.constant 1 : i32
          %parallel_loop3A_424 = arith.index_cast %parallel_loop3A_423 : i32 to index
          %parallel_loop3A_425 = arith.index_cast %parallel_loop3A_338 : i32 to index
          %parallel_loop3A_426 = arith.constant 32 : index
          %parallel_loop3A_427 = tpu.vector_load %arg10[%parallel_loop3A_424, %parallel_loop3A_425, %parallel_loop3A_426] {strides = array<i32>} : memref<2x80x64xi32, #tpu.memory_space<vmem>>, vector<1x1x16xi32>,
          %parallel_loop3A_428 = vector.shape_cast %parallel_loop3A_427 : vector<1x1x16xi32> to vector<16xi32>
          %parallel_loop3A_429 = arith.constant 16 : i32
          %parallel_loop3A_430 = vector.broadcast %parallel_loop3A_429 : i32 to vector<16xi32>
          %parallel_loop3A_431 = arith.shli %parallel_loop3A_428, %parallel_loop3A_430 : vector<16xi32>
          %parallel_loop3A_432 = tpu.bitcast %parallel_loop3A_431 : vector<16xi32> -> vector<16xf32>
          %parallel_loop3A_433 = arith.constant -65536 : i32
          %parallel_loop3A_434 = vector.broadcast %parallel_loop3A_433 : i32 to vector<16xi32>
          %parallel_loop3A_435 = arith.andi %parallel_loop3A_428, %parallel_loop3A_434 : vector<16xi32>
          %parallel_loop3A_436 = tpu.bitcast %parallel_loop3A_435 : vector<16xi32> -> vector<16xf32>
          %parallel_loop3A_437 = arith.constant 1 : i32
          %parallel_loop3A_438 = arith.index_cast %parallel_loop3A_437 : i32 to index
          %parallel_loop3A_439 = arith.index_cast %parallel_loop3A_338 : i32 to index
          %parallel_loop3A_440 = arith.constant 64 : index
          %parallel_loop3A_441 = tpu.vector_load %arg9[%parallel_loop3A_438, %parallel_loop3A_439, %parallel_loop3A_440] {strides = array<i32>} : memref<2x80x128xf32, #tpu.memory_space<vmem>>, vector<1x1x16xf32>,
          %parallel_loop3A_442 = vector.shape_cast %parallel_loop3A_441 : vector<1x1x16xf32> to vector<16xf32>
          %parallel_loop3A_443 = arith.mulf %parallel_loop3A_442, %parallel_loop3A_432 : vector<16xf32>
          %parallel_loop3A_444 = arith.constant 1 : i32
          %parallel_loop3A_445 = arith.index_cast %parallel_loop3A_444 : i32 to index
          %parallel_loop3A_446 = arith.index_cast %parallel_loop3A_338 : i32 to index
          %parallel_loop3A_447 = arith.constant 64 : index
          %parallel_loop3A_448 = tpu.vector_load %arg9[%parallel_loop3A_445, %parallel_loop3A_446, %parallel_loop3A_447] {strides = array<i32>} : memref<2x80x128xf32, #tpu.memory_space<vmem>>, vector<1x1x16xf32>,
          %parallel_loop3A_449 = vector.shape_cast %parallel_loop3A_448 : vector<1x1x16xf32> to vector<16xf32>
          %parallel_loop3A_450 = vector.shape_cast %parallel_loop3A_443 : vector<16xf32> to vector<1x1x16xf32>
          tpu.vector_store %arg9[%parallel_loop3A_445, %parallel_loop3A_446, %parallel_loop3A_447], %parallel_loop3A_450 {strides = array<i32>} : memref<2x80x128xf32, #tpu.memory_space<vmem>>, vector<1x1x16xf32>,
          %parallel_loop3A_451 = arith.constant 1 : i32
          %parallel_loop3A_452 = arith.index_cast %parallel_loop3A_451 : i32 to index
          %parallel_loop3A_453 = arith.index_cast %parallel_loop3A_338 : i32 to index
          %parallel_loop3A_454 = arith.constant 80 : index
          %parallel_loop3A_455 = tpu.vector_load %arg9[%parallel_loop3A_452, %parallel_loop3A_453, %parallel_loop3A_454] {strides = array<i32>} : memref<2x80x128xf32, #tpu.memory_space<vmem>>, vector<1x1x16xf32>,
          %parallel_loop3A_456 = vector.shape_cast %parallel_loop3A_455 : vector<1x1x16xf32> to vector<16xf32>
          %parallel_loop3A_457 = arith.mulf %parallel_loop3A_456, %parallel_loop3A_436 : vector<16xf32>
          %parallel_loop3A_458 = arith.constant 1 : i32
          %parallel_loop3A_459 = arith.index_cast %parallel_loop3A_458 : i32 to index
          %parallel_loop3A_460 = arith.index_cast %parallel_loop3A_338 : i32 to index
          %parallel_loop3A_461 = arith.constant 80 : index
          %parallel_loop3A_462 = tpu.vector_load %arg9[%parallel_loop3A_459, %parallel_loop3A_460, %parallel_loop3A_461] {strides = array<i32>} : memref<2x80x128xf32, #tpu.memory_space<vmem>>, vector<1x1x16xf32>,
          %parallel_loop3A_463 = vector.shape_cast %parallel_loop3A_462 : vector<1x1x16xf32> to vector<16xf32>
          %parallel_loop3A_464 = vector.shape_cast %parallel_loop3A_457 : vector<16xf32> to vector<1x1x16xf32>
          tpu.vector_store %arg9[%parallel_loop3A_459, %parallel_loop3A_460, %parallel_loop3A_461], %parallel_loop3A_464 {strides = array<i32>} : memref<2x80x128xf32, #tpu.memory_space<vmem>>, vector<1x1x16xf32>,
          %parallel_loop3A_465 = arith.constant 1 : i32
          %parallel_loop3A_466 = arith.index_cast %parallel_loop3A_465 : i32 to index
          %parallel_loop3A_467 = arith.index_cast %parallel_loop3A_338 : i32 to index
          %parallel_loop3A_468 = arith.constant 48 : index
          %parallel_loop3A_469 = tpu.vector_load %arg10[%parallel_loop3A_466, %parallel_loop3A_467, %parallel_loop3A_468] {strides = array<i32>} : memref<2x80x64xi32, #tpu.memory_space<vmem>>, vector<1x1x16xi32>,
          %parallel_loop3A_470 = vector.shape_cast %parallel_loop3A_469 : vector<1x1x16xi32> to vector<16xi32>
          %parallel_loop3A_471 = arith.constant 16 : i32
          %parallel_loop3A_472 = vector.broadcast %parallel_loop3A_471 : i32 to vector<16xi32>
          %parallel_loop3A_473 = arith.shli %parallel_loop3A_470, %parallel_loop3A_472 : vector<16xi32>
          %parallel_loop3A_474 = tpu.bitcast %parallel_loop3A_473 : vector<16xi32> -> vector<16xf32>
          %parallel_loop3A_475 = arith.constant -65536 : i32
          %parallel_loop3A_476 = vector.broadcast %parallel_loop3A_475 : i32 to vector<16xi32>
          %parallel_loop3A_477 = arith.andi %parallel_loop3A_470, %parallel_loop3A_476 : vector<16xi32>
          %parallel_loop3A_478 = tpu.bitcast %parallel_loop3A_477 : vector<16xi32> -> vector<16xf32>
          %parallel_loop3A_479 = arith.constant 1 : i32
          %parallel_loop3A_480 = arith.index_cast %parallel_loop3A_479 : i32 to index
          %parallel_loop3A_481 = arith.index_cast %parallel_loop3A_338 : i32 to index
          %parallel_loop3A_482 = arith.constant 96 : index
          %parallel_loop3A_483 = tpu.vector_load %arg9[%parallel_loop3A_480, %parallel_loop3A_481, %parallel_loop3A_482] {strides = array<i32>} : memref<2x80x128xf32, #tpu.memory_space<vmem>>, vector<1x1x16xf32>,
          %parallel_loop3A_484 = vector.shape_cast %parallel_loop3A_483 : vector<1x1x16xf32> to vector<16xf32>
          %parallel_loop3A_485 = arith.mulf %parallel_loop3A_484, %parallel_loop3A_474 : vector<16xf32>
          %parallel_loop3A_486 = arith.constant 1 : i32
          %parallel_loop3A_487 = arith.index_cast %parallel_loop3A_486 : i32 to index
          %parallel_loop3A_488 = arith.index_cast %parallel_loop3A_338 : i32 to index
          %parallel_loop3A_489 = arith.constant 96 : index
          %parallel_loop3A_490 = tpu.vector_load %arg9[%parallel_loop3A_487, %parallel_loop3A_488, %parallel_loop3A_489] {strides = array<i32>} : memref<2x80x128xf32, #tpu.memory_space<vmem>>, vector<1x1x16xf32>,
          %parallel_loop3A_491 = vector.shape_cast %parallel_loop3A_490 : vector<1x1x16xf32> to vector<16xf32>
          %parallel_loop3A_492 = vector.shape_cast %parallel_loop3A_485 : vector<16xf32> to vector<1x1x16xf32>
          tpu.vector_store %arg9[%parallel_loop3A_487, %parallel_loop3A_488, %parallel_loop3A_489], %parallel_loop3A_492 {strides = array<i32>} : memref<2x80x128xf32, #tpu.memory_space<vmem>>, vector<1x1x16xf32>,
          %parallel_loop3A_493 = arith.constant 1 : i32
          %parallel_loop3A_494 = arith.index_cast %parallel_loop3A_493 : i32 to index
          %parallel_loop3A_495 = arith.index_cast %parallel_loop3A_338 : i32 to index
          %parallel_loop3A_496 = arith.constant 112 : index
          %parallel_loop3A_497 = tpu.vector_load %arg9[%parallel_loop3A_494, %parallel_loop3A_495, %parallel_loop3A_496] {strides = array<i32>} : memref<2x80x128xf32, #tpu.memory_space<vmem>>, vector<1x1x16xf32>,
          %parallel_loop3A_498 = vector.shape_cast %parallel_loop3A_497 : vector<1x1x16xf32> to vector<16xf32>
          %parallel_loop3A_499 = arith.mulf %parallel_loop3A_498, %parallel_loop3A_478 : vector<16xf32>
          %parallel_loop3A_500 = arith.constant 1 : i32
          %parallel_loop3A_501 = arith.index_cast %parallel_loop3A_500 : i32 to index
          %parallel_loop3A_502 = arith.index_cast %parallel_loop3A_338 : i32 to index
          %parallel_loop3A_503 = arith.constant 112 : index
          %parallel_loop3A_504 = tpu.vector_load %arg9[%parallel_loop3A_501, %parallel_loop3A_502, %parallel_loop3A_503] {strides = array<i32>} : memref<2x80x128xf32, #tpu.memory_space<vmem>>, vector<1x1x16xf32>,
          %parallel_loop3A_505 = vector.shape_cast %parallel_loop3A_504 : vector<1x1x16xf32> to vector<16xf32>
          %parallel_loop3A_506 = vector.shape_cast %parallel_loop3A_499 : vector<16xf32> to vector<1x1x16xf32>
          tpu.vector_store %arg9[%parallel_loop3A_501, %parallel_loop3A_502, %parallel_loop3A_503], %parallel_loop3A_506 {strides = array<i32>} : memref<2x80x128xf32, #tpu.memory_space<vmem>>, vector<1x1x16xf32>,
        } {sc.loop_unroll_factor = 2 : i64, sc.parallel_access}
        %run_scoped3A_329 = arith.constant 1 : i32
        %run_scoped3A_330 = arith.constant 1 : i32
        "tpu.region"() ({
          %run_scoped3A_338 = tpu.sem_alloc : memref<!tpu.dma_semaphore, #tpu.memory_space<semaphore_mem>>
          %dma_start3A_339 = arith.constant 0 : i32
          %dma_start3A_340 = arith.constant 0 : i32
          %dma_start3A_341 = tpu.memref_slice %arg9[%run_scoped3A_329, %dma_start3A_339, %dma_start3A_340] : memref<2x80x128xf32, #tpu.memory_space<vmem>> -> memref<1x80x128xf32, #tpu.memory_space<vmem>>
          %dma_start3A_342 = tpu.memref_squeeze %dma_start3A_341 : memref<1x80x128xf32, #tpu.memory_space<vmem>> -> memref<80x128xf32, #tpu.memory_space<vmem>>
          %dma_start3A_343 = arith.constant 0 : i32
          %dma_start3A_344 = tpu.memref_slice %arg8[%run_scoped3A_330, %dma_start3A_343] : memref<2x80xi32, #tpu.memory_space<vmem>> -> memref<1x80xi32, #tpu.memory_space<vmem>>
          %dma_start3A_345 = tpu.memref_squeeze %dma_start3A_344 : memref<1x80xi32, #tpu.memory_space<vmem>> -> memref<80xi32, #tpu.memory_space<vmem>>
          %dma_start3A_346 = arith.constant 0 : i32
          %dma_start3A_347 = arith.constant 0 : i32
          %dma_start3A_348 = tpu.memref_slice %arg11[%dma_start3A_346, %dma_start3A_347] : memref<10000x128xf32, #tpu.memory_space<vmem_shared>> -> memref<10000x128xf32, #tpu.memory_space<vmem_shared>>
          tpu.enqueue_indirect_dma source(%dma_start3A_342 : memref<80x128xf32, #tpu.memory_space<vmem>>) target(%dma_start3A_348 : memref<10000x128xf32, #tpu.memory_space<vmem_shared>>) offsets(%dma_start3A_345 : memref<80xi32, #tpu.memory_space<vmem>>) semaphore(%run_scoped3A_338 : memref<!tpu.dma_semaphore, #tpu.memory_space<semaphore_mem>>) {add = true}
          %dma_wait3A_349 = arith.constant 0 : i32
          %dma_wait3A_350 = arith.constant 0 : i32
          %dma_wait3A_351 = tpu.memref_slice %arg9[%run_scoped3A_329, %dma_wait3A_349, %dma_wait3A_350] : memref<2x80x128xf32, #tpu.memory_space<vmem>> -> memref<1x80x128xf32, #tpu.memory_space<vmem>>
          %dma_wait3A_352 = tpu.memref_squeeze %dma_wait3A_351 : memref<1x80x128xf32, #tpu.memory_space<vmem>> -> memref<80x128xf32, #tpu.memory_space<vmem>>
          %dma_wait3A_353 = arith.constant 0 : i32
          %dma_wait3A_354 = tpu.memref_slice %arg8[%run_scoped3A_330, %dma_wait3A_353] : memref<2x80xi32, #tpu.memory_space<vmem>> -> memref<1x80xi32, #tpu.memory_space<vmem>>
          %dma_wait3A_355 = tpu.memref_squeeze %dma_wait3A_354 : memref<1x80xi32, #tpu.memory_space<vmem>> -> memref<80xi32, #tpu.memory_space<vmem>>
          %dma_wait3A_356 = arith.constant 0 : i32
          %dma_wait3A_357 = arith.constant 0 : i32
          %dma_wait3A_358 = tpu.memref_slice %arg11[%dma_wait3A_356, %dma_wait3A_357] : memref<10000x128xf32, #tpu.memory_space<vmem_shared>> -> memref<10000x128xf32, #tpu.memory_space<vmem_shared>>
          tpu.wait_indirect_dma semaphore(%run_scoped3A_338 : memref<!tpu.dma_semaphore, #tpu.memory_space<semaphore_mem>>) src(%dma_wait3A_352 : memref<80x128xf32, #tpu.memory_space<vmem>>) dst(%dma_wait3A_358 : memref<10000x128xf32, #tpu.memory_space<vmem_shared>>)
          tpu.yield
        }) : () -> ()
        %add3A_331 = arith.constant 2 : i32
        %add3A_332 = arith.addi %add3A_283, %add3A_331 : i32
        %lt3A_333 = arith.constant 125 : i32
        %lt3A_334 = arith.cmpi slt, %add3A_332, %lt3A_333 : i32
        %convert_element_type3A_335 = arith.extui %lt3A_334 : i1 to i32
        %cond3A_336 = arith.constant 0 : i32
        %cond3A_337 = arith.cmpi ne, %convert_element_type3A_335, %cond3A_336 : i32
        scf.if %cond3A_337 {
          %add3A_338 = arith.constant 2 : i32
          %add3A_339 = arith.addi %add3A_283, %add3A_338 : i32
          %mul3A_340 = arith.constant 80 : i32
          %mul3A_341 = arith.muli %add3A_339, %mul3A_340 : i32
          %add3A_342 = arith.addi %mul3A_2, %mul3A_341 : i32
          %dma_start3A_343 = arith.constant 1 : i32
          %dma_start3A_344 = arith.constant 0 : i32
          %dma_start3A_345 = tpu.memref_slice %arg8[%dma_start3A_343, %dma_start3A_344] : memref<2x80xi32, #tpu.memory_space<vmem>> -> memref<1x80xi32, #tpu.memory_space<vmem>>
          %dma_start3A_346 = tpu.memref_squeeze %dma_start3A_345 : memref<1x80xi32, #tpu.memory_space<vmem>> -> memref<80xi32, #tpu.memory_space<vmem>>
          %dma_start3A_347 = tpu.memref_slice %arg5[%add3A_342] : memref<320000xi32, #tpu.memory_space<hbm>> -> memref<80xi32, #tpu.memory_space<hbm>>
          %dma_start3A_348 = arith.constant 0 : i32
          %dma_start3A_349 = tpu.memref_slice %arg8[%dma_start3A_343, %dma_start3A_348] : memref<2x80xi32, #tpu.memory_space<vmem>> -> memref<1x80xi32, #tpu.memory_space<vmem>>
          %dma_start3A_350 = tpu.memref_squeeze %dma_start3A_349 : memref<1x80xi32, #tpu.memory_space<vmem>> -> memref<80xi32, #tpu.memory_space<vmem>>
          %dma_start3A_351 = tpu.memref_slice %arg5[%add3A_342] : memref<320000xi32, #tpu.memory_space<hbm>> -> memref<80xi32, #tpu.memory_space<hbm>>
          tpu.enqueue_dma source(%dma_start3A_351 : memref<80xi32, #tpu.memory_space<hbm>>) target(%dma_start3A_350 : memref<80xi32, #tpu.memory_space<vmem>>) target_semaphore(%arg13 : memref<!tpu.dma_semaphore, #tpu.memory_space<semaphore_mem>>)
        } else {
        }
      } else {
      }
      %scan3A_281 = arith.constant 0 : i32
      scf.yield %scan3A_281 : i32
    }
    %scan3A_160 = arith.constant 63 : i32
    %barrier3A_161 = arith.constant 0 : index
    tpu.barrier barrier_id(%barrier3A_161)
    %add3A_162 = arith.constant 0 : i32
    %add3A_163 = arith.addi %arg1, %add3A_162 : i32
    %lt3A_164 = arith.constant 125 : i32
    %lt3A_165 = arith.cmpi slt, %add3A_163, %lt3A_164 : i32
    %convert_element_type3A_166 = arith.extui %lt3A_165 : i1 to i32
    %cond3A_167 = arith.constant 0 : i32
    %cond3A_168 = arith.cmpi ne, %convert_element_type3A_166, %cond3A_167 : i32
    scf.if %cond3A_168 {
      %mul3A_218 = arith.constant 80 : i32
      %mul3A_219 = arith.muli %add3A_163, %mul3A_218 : i32
      %run_scoped3A = arith.constant 0 : i32
      "tpu.region"() ({
        %run_scoped3A_221 = tpu.sem_alloc : memref<!tpu.dma_semaphore, #tpu.memory_space<semaphore_mem>>
        %dma_start3A_222 = arith.constant 0 : i32
        %dma_start3A_223 = arith.constant 0 : i32
        %dma_start3A_224 = tpu.memref_slice %arg9[%run_scoped3A, %dma_start3A_222, %dma_start3A_223] : memref<2x80x128xf32, #tpu.memory_space<vmem>> -> memref<1x80x128xf32, #tpu.memory_space<vmem>>
        %dma_start3A_225 = tpu.memref_squeeze %dma_start3A_224 : memref<1x80x128xf32, #tpu.memory_space<vmem>> -> memref<80x128xf32, #tpu.memory_space<vmem>>
        %dma_start3A_226 = arith.constant 0 : i32
        %dma_start3A_227 = tpu.memref_slice %arg11[%mul3A_219, %dma_start3A_226] : memref<10000x128xf32, #tpu.memory_space<vmem_shared>> -> memref<80x128xf32, #tpu.memory_space<vmem_shared>>
        %dma_start3A_228 = arith.constant 0 : i32
        %dma_start3A_229 = arith.constant 0 : i32
        %dma_start3A_230 = tpu.memref_slice %arg9[%run_scoped3A, %dma_start3A_228, %dma_start3A_229] : memref<2x80x128xf32, #tpu.memory_space<vmem>> -> memref<1x80x128xf32, #tpu.memory_space<vmem>>
        %dma_start3A_231 = tpu.memref_squeeze %dma_start3A_230 : memref<1x80x128xf32, #tpu.memory_space<vmem>> -> memref<80x128xf32, #tpu.memory_space<vmem>>
        %dma_start3A_232 = arith.constant 0 : i32
        %dma_start3A_233 = tpu.memref_slice %arg11[%mul3A_219, %dma_start3A_232] : memref<10000x128xf32, #tpu.memory_space<vmem_shared>> -> memref<80x128xf32, #tpu.memory_space<vmem_shared>>
        tpu.enqueue_dma source(%dma_start3A_233 : memref<80x128xf32, #tpu.memory_space<vmem_shared>>) target(%dma_start3A_231 : memref<80x128xf32, #tpu.memory_space<vmem>>) target_semaphore(%run_scoped3A_221 : memref<!tpu.dma_semaphore, #tpu.memory_space<semaphore_mem>>)
        %dma_wait3A_234 = arith.constant 0 : i32
        %dma_wait3A_235 = arith.constant 0 : i32
        %dma_wait3A_236 = tpu.memref_slice %arg9[%run_scoped3A, %dma_wait3A_234, %dma_wait3A_235] : memref<2x80x128xf32, #tpu.memory_space<vmem>> -> memref<1x80x128xf32, #tpu.memory_space<vmem>>
        %dma_wait3A_237 = tpu.memref_squeeze %dma_wait3A_236 : memref<1x80x128xf32, #tpu.memory_space<vmem>> -> memref<80x128xf32, #tpu.memory_space<vmem>>
        %dma_wait3A_238 = arith.constant 0 : i32
        %dma_wait3A_239 = tpu.memref_slice %arg11[%mul3A_219, %dma_wait3A_238] : memref<10000x128xf32, #tpu.memory_space<vmem_shared>> -> memref<80x128xf32, #tpu.memory_space<vmem_shared>>
        %dma_wait3A_240 = arith.constant 0 : i32
        %dma_wait3A_241 = arith.constant 0 : i32
        %dma_wait3A_242 = tpu.memref_slice %arg9[%run_scoped3A, %dma_wait3A_240, %dma_wait3A_241] : memref<2x80x128xf32, #tpu.memory_space<vmem>> -> memref<1x80x128xf32, #tpu.memory_space<vmem>>
        %dma_wait3A_243 = tpu.memref_squeeze %dma_wait3A_242 : memref<1x80x128xf32, #tpu.memory_space<vmem>> -> memref<80x128xf32, #tpu.memory_space<vmem>>
        %dma_wait3A_244 = arith.constant 0 : i32
        %dma_wait3A_245 = tpu.memref_slice %arg11[%mul3A_219, %dma_wait3A_244] : memref<10000x128xf32, #tpu.memory_space<vmem_shared>> -> memref<80x128xf32, #tpu.memory_space<vmem_shared>>
        tpu.wait_dma2 semaphore(%run_scoped3A_221 : memref<!tpu.dma_semaphore, #tpu.memory_space<semaphore_mem>>) src(%dma_wait3A_245 : memref<80x128xf32, #tpu.memory_space<vmem_shared>>) dst(%dma_wait3A_243 : memref<80x128xf32, #tpu.memory_space<vmem>>)
        tpu.yield
      }) : () -> ()
      %run_scoped3A_220 = arith.constant 0 : i32
      "tpu.region"() ({
        %run_scoped3A_221 = tpu.sem_alloc : memref<!tpu.dma_semaphore, #tpu.memory_space<semaphore_mem>>
        %dma_start3A_222 = arith.constant 0 : i32
        %dma_start3A_223 = arith.constant 0 : i32
        %dma_start3A_224 = tpu.memref_slice %arg9[%run_scoped3A_220, %dma_start3A_222, %dma_start3A_223] : memref<2x80x128xf32, #tpu.memory_space<vmem>> -> memref<1x80x128xf32, #tpu.memory_space<vmem>>
        %dma_start3A_225 = tpu.memref_squeeze %dma_start3A_224 : memref<1x80x128xf32, #tpu.memory_space<vmem>> -> memref<80x128xf32, #tpu.memory_space<vmem>>
        %dma_start3A_226 = arith.constant 0 : i32
        %dma_start3A_227 = tpu.memref_slice %arg6[%arg0, %mul3A_219, %dma_start3A_226] : memref<2x10000x128xf32, #tpu.memory_space<hbm>> -> memref<1x80x128xf32, #tpu.memory_space<hbm>>
        %dma_start3A_228 = tpu.memref_squeeze %dma_start3A_227 : memref<1x80x128xf32, #tpu.memory_space<hbm>> -> memref<80x128xf32, #tpu.memory_space<hbm>>
        %dma_start3A_229 = arith.constant 0 : i32
        %dma_start3A_230 = tpu.memref_slice %arg6[%arg0, %mul3A_219, %dma_start3A_229] : memref<2x10000x128xf32, #tpu.memory_space<hbm>> -> memref<1x80x128xf32, #tpu.memory_space<hbm>>
        %dma_start3A_231 = tpu.memref_squeeze %dma_start3A_230 : memref<1x80x128xf32, #tpu.memory_space<hbm>> -> memref<80x128xf32, #tpu.memory_space<hbm>>
        %dma_start3A_232 = arith.constant 0 : i32
        %dma_start3A_233 = arith.constant 0 : i32
        %dma_start3A_234 = tpu.memref_slice %arg9[%run_scoped3A_220, %dma_start3A_232, %dma_start3A_233] : memref<2x80x128xf32, #tpu.memory_space<vmem>> -> memref<1x80x128xf32, #tpu.memory_space<vmem>>
        %dma_start3A_235 = tpu.memref_squeeze %dma_start3A_234 : memref<1x80x128xf32, #tpu.memory_space<vmem>> -> memref<80x128xf32, #tpu.memory_space<vmem>>
        tpu.enqueue_dma source(%dma_start3A_235 : memref<80x128xf32, #tpu.memory_space<vmem>>) target(%dma_start3A_231 : memref<80x128xf32, #tpu.memory_space<hbm>>) target_semaphore(%run_scoped3A_221 : memref<!tpu.dma_semaphore, #tpu.memory_space<semaphore_mem>>)
        %dma_wait3A_236 = arith.constant 0 : i32
        %dma_wait3A_237 = arith.constant 0 : i32
        %dma_wait3A_238 = tpu.memref_slice %arg9[%run_scoped3A_220, %dma_wait3A_236, %dma_wait3A_237] : memref<2x80x128xf32, #tpu.memory_space<vmem>> -> memref<1x80x128xf32, #tpu.memory_space<vmem>>
        %dma_wait3A_239 = tpu.memref_squeeze %dma_wait3A_238 : memref<1x80x128xf32, #tpu.memory_space<vmem>> -> memref<80x128xf32, #tpu.memory_space<vmem>>
        %dma_wait3A_240 = arith.constant 0 : i32
        %dma_wait3A_241 = tpu.memref_slice %arg6[%arg0, %mul3A_219, %dma_wait3A_240] : memref<2x10000x128xf32, #tpu.memory_space<hbm>> -> memref<1x80x128xf32, #tpu.memory_space<hbm>>
        %dma_wait3A_242 = tpu.memref_squeeze %dma_wait3A_241 : memref<1x80x128xf32, #tpu.memory_space<hbm>> -> memref<80x128xf32, #tpu.memory_space<hbm>>
        %dma_wait3A_243 = arith.constant 0 : i32
        %dma_wait3A_244 = tpu.memref_slice %arg6[%arg0, %mul3A_219, %dma_wait3A_243] : memref<2x10000x128xf32, #tpu.memory_space<hbm>> -> memref<1x80x128xf32, #tpu.memory_space<hbm>>
        %dma_wait3A_245 = tpu.memref_squeeze %dma_wait3A_244 : memref<1x80x128xf32, #tpu.memory_space<hbm>> -> memref<80x128xf32, #tpu.memory_space<hbm>>
        %dma_wait3A_246 = arith.constant 0 : i32
        %dma_wait3A_247 = arith.constant 0 : i32
        %dma_wait3A_248 = tpu.memref_slice %arg9[%run_scoped3A_220, %dma_wait3A_246, %dma_wait3A_247] : memref<2x80x128xf32, #tpu.memory_space<vmem>> -> memref<1x80x128xf32, #tpu.memory_space<vmem>>
        %dma_wait3A_249 = tpu.memref_squeeze %dma_wait3A_248 : memref<1x80x128xf32, #tpu.memory_space<vmem>> -> memref<80x128xf32, #tpu.memory_space<vmem>>
        tpu.wait_dma2 semaphore(%run_scoped3A_221 : memref<!tpu.dma_semaphore, #tpu.memory_space<semaphore_mem>>) src(%dma_wait3A_249 : memref<80x128xf32, #tpu.memory_space<vmem>>) dst(%dma_wait3A_245 : memref<80x128xf32, #tpu.memory_space<hbm>>)
        tpu.yield
      }) : () -> ()
    } else {
    }
    %add3A_169 = arith.constant 16 : i32
    %add3A_170 = arith.addi %arg1, %add3A_169 : i32
    %lt3A_171 = arith.constant 125 : i32
    %lt3A_172 = arith.cmpi slt, %add3A_170, %lt3A_171 : i32
    %convert_element_type3A_173 = arith.extui %lt3A_172 : i1 to i32
    %cond3A_174 = arith.constant 0 : i32
    %cond3A_175 = arith.cmpi ne, %convert_element_type3A_173, %cond3A_174 : i32
    scf.if %cond3A_175 {
      %mul3A_218 = arith.constant 80 : i32
      %mul3A_219 = arith.muli %add3A_170, %mul3A_218 : i32
      %run_scoped3A = arith.constant 0 : i32
      "tpu.region"() ({
        %run_scoped3A_221 = tpu.sem_alloc : memref<!tpu.dma_semaphore, #tpu.memory_space<semaphore_mem>>
        %dma_start3A_222 = arith.constant 0 : i32
        %dma_start3A_223 = arith.constant 0 : i32
        %dma_start3A_224 = tpu.memref_slice %arg9[%run_scoped3A, %dma_start3A_222, %dma_start3A_223] : memref<2x80x128xf32, #tpu.memory_space<vmem>> -> memref<1x80x128xf32, #tpu.memory_space<vmem>>
        %dma_start3A_225 = tpu.memref_squeeze %dma_start3A_224 : memref<1x80x128xf32, #tpu.memory_space<vmem>> -> memref<80x128xf32, #tpu.memory_space<vmem>>
        %dma_start3A_226 = arith.constant 0 : i32
        %dma_start3A_227 = tpu.memref_slice %arg11[%mul3A_219, %dma_start3A_226] : memref<10000x128xf32, #tpu.memory_space<vmem_shared>> -> memref<80x128xf32, #tpu.memory_space<vmem_shared>>
        %dma_start3A_228 = arith.constant 0 : i32
        %dma_start3A_229 = arith.constant 0 : i32
        %dma_start3A_230 = tpu.memref_slice %arg9[%run_scoped3A, %dma_start3A_228, %dma_start3A_229] : memref<2x80x128xf32, #tpu.memory_space<vmem>> -> memref<1x80x128xf32, #tpu.memory_space<vmem>>
        %dma_start3A_231 = tpu.memref_squeeze %dma_start3A_230 : memref<1x80x128xf32, #tpu.memory_space<vmem>> -> memref<80x128xf32, #tpu.memory_space<vmem>>
        %dma_start3A_232 = arith.constant 0 : i32
        %dma_start3A_233 = tpu.memref_slice %arg11[%mul3A_219, %dma_start3A_232] : memref<10000x128xf32, #tpu.memory_space<vmem_shared>> -> memref<80x128xf32, #tpu.memory_space<vmem_shared>>
        tpu.enqueue_dma source(%dma_start3A_233 : memref<80x128xf32, #tpu.memory_space<vmem_shared>>) target(%dma_start3A_231 : memref<80x128xf32, #tpu.memory_space<vmem>>) target_semaphore(%run_scoped3A_221 : memref<!tpu.dma_semaphore, #tpu.memory_space<semaphore_mem>>)
        %dma_wait3A_234 = arith.constant 0 : i32
        %dma_wait3A_235 = arith.constant 0 : i32
        %dma_wait3A_236 = tpu.memref_slice %arg9[%run_scoped3A, %dma_wait3A_234, %dma_wait3A_235] : memref<2x80x128xf32, #tpu.memory_space<vmem>> -> memref<1x80x128xf32, #tpu.memory_space<vmem>>
        %dma_wait3A_237 = tpu.memref_squeeze %dma_wait3A_236 : memref<1x80x128xf32, #tpu.memory_space<vmem>> -> memref<80x128xf32, #tpu.memory_space<vmem>>
        %dma_wait3A_238 = arith.constant 0 : i32
        %dma_wait3A_239 = tpu.memref_slice %arg11[%mul3A_219, %dma_wait3A_238] : memref<10000x128xf32, #tpu.memory_space<vmem_shared>> -> memref<80x128xf32, #tpu.memory_space<vmem_shared>>
        %dma_wait3A_240 = arith.constant 0 : i32
        %dma_wait3A_241 = arith.constant 0 : i32
        %dma_wait3A_242 = tpu.memref_slice %arg9[%run_scoped3A, %dma_wait3A_240, %dma_wait3A_241] : memref<2x80x128xf32, #tpu.memory_space<vmem>> -> memref<1x80x128xf32, #tpu.memory_space<vmem>>
        %dma_wait3A_243 = tpu.memref_squeeze %dma_wait3A_242 : memref<1x80x128xf32, #tpu.memory_space<vmem>> -> memref<80x128xf32, #tpu.memory_space<vmem>>
        %dma_wait3A_244 = arith.constant 0 : i32
        %dma_wait3A_245 = tpu.memref_slice %arg11[%mul3A_219, %dma_wait3A_244] : memref<10000x128xf32, #tpu.memory_space<vmem_shared>> -> memref<80x128xf32, #tpu.memory_space<vmem_shared>>
        tpu.wait_dma2 semaphore(%run_scoped3A_221 : memref<!tpu.dma_semaphore, #tpu.memory_space<semaphore_mem>>) src(%dma_wait3A_245 : memref<80x128xf32, #tpu.memory_space<vmem_shared>>) dst(%dma_wait3A_243 : memref<80x128xf32, #tpu.memory_space<vmem>>)
        tpu.yield
      }) : () -> ()
      %run_scoped3A_220 = arith.constant 0 : i32
      "tpu.region"() ({
        %run_scoped3A_221 = tpu.sem_alloc : memref<!tpu.dma_semaphore, #tpu.memory_space<semaphore_mem>>
        %dma_start3A_222 = arith.constant 0 : i32
        %dma_start3A_223 = arith.constant 0 : i32
        %dma_start3A_224 = tpu.memref_slice %arg9[%run_scoped3A_220, %dma_start3A_222, %dma_start3A_223] : memref<2x80x128xf32, #tpu.memory_space<vmem>> -> memref<1x80x128xf32, #tpu.memory_space<vmem>>
        %dma_start3A_225 = tpu.memref_squeeze %dma_start3A_224 : memref<1x80x128xf32, #tpu.memory_space<vmem>> -> memref<80x128xf32, #tpu.memory_space<vmem>>
        %dma_start3A_226 = arith.constant 0 : i32
        %dma_start3A_227 = tpu.memref_slice %arg6[%arg0, %mul3A_219, %dma_start3A_226] : memref<2x10000x128xf32, #tpu.memory_space<hbm>> -> memref<1x80x128xf32, #tpu.memory_space<hbm>>
        %dma_start3A_228 = tpu.memref_squeeze %dma_start3A_227 : memref<1x80x128xf32, #tpu.memory_space<hbm>> -> memref<80x128xf32, #tpu.memory_space<hbm>>
        %dma_start3A_229 = arith.constant 0 : i32
        %dma_start3A_230 = tpu.memref_slice %arg6[%arg0, %mul3A_219, %dma_start3A_229] : memref<2x10000x128xf32, #tpu.memory_space<hbm>> -> memref<1x80x128xf32, #tpu.memory_space<hbm>>
        %dma_start3A_231 = tpu.memref_squeeze %dma_start3A_230 : memref<1x80x128xf32, #tpu.memory_space<hbm>> -> memref<80x128xf32, #tpu.memory_space<hbm>>
        %dma_start3A_232 = arith.constant 0 : i32
        %dma_start3A_233 = arith.constant 0 : i32
        %dma_start3A_234 = tpu.memref_slice %arg9[%run_scoped3A_220, %dma_start3A_232, %dma_start3A_233] : memref<2x80x128xf32, #tpu.memory_space<vmem>> -> memref<1x80x128xf32, #tpu.memory_space<vmem>>
        %dma_start3A_235 = tpu.memref_squeeze %dma_start3A_234 : memref<1x80x128xf32, #tpu.memory_space<vmem>> -> memref<80x128xf32, #tpu.memory_space<vmem>>
        tpu.enqueue_dma source(%dma_start3A_235 : memref<80x128xf32, #tpu.memory_space<vmem>>) target(%dma_start3A_231 : memref<80x128xf32, #tpu.memory_space<hbm>>) target_semaphore(%run_scoped3A_221 : memref<!tpu.dma_semaphore, #tpu.memory_space<semaphore_mem>>)
        %dma_wait3A_236 = arith.constant 0 : i32
        %dma_wait3A_237 = arith.constant 0 : i32
        %dma_wait3A_238 = tpu.memref_slice %arg9[%run_scoped3A_220, %dma_wait3A_236, %dma_wait3A_237] : memref<2x80x128xf32, #tpu.memory_space<vmem>> -> memref<1x80x128xf32, #tpu.memory_space<vmem>>
        %dma_wait3A_239 = tpu.memref_squeeze %dma_wait3A_238 : memref<1x80x128xf32, #tpu.memory_space<vmem>> -> memref<80x128xf32, #tpu.memory_space<vmem>>
        %dma_wait3A_240 = arith.constant 0 : i32
        %dma_wait3A_241 = tpu.memref_slice %arg6[%arg0, %mul3A_219, %dma_wait3A_240] : memref<2x10000x128xf32, #tpu.memory_space<hbm>> -> memref<1x80x128xf32, #tpu.memory_space<hbm>>
        %dma_wait3A_242 = tpu.memref_squeeze %dma_wait3A_241 : memref<1x80x128xf32, #tpu.memory_space<hbm>> -> memref<80x128xf32, #tpu.memory_space<hbm>>
        %dma_wait3A_243 = arith.constant 0 : i32
        %dma_wait3A_244 = tpu.memref_slice %arg6[%arg0, %mul3A_219, %dma_wait3A_243] : memref<2x10000x128xf32, #tpu.memory_space<hbm>> -> memref<1x80x128xf32, #tpu.memory_space<hbm>>
        %dma_wait3A_245 = tpu.memref_squeeze %dma_wait3A_244 : memref<1x80x128xf32, #tpu.memory_space<hbm>> -> memref<80x128xf32, #tpu.memory_space<hbm>>
        %dma_wait3A_246 = arith.constant 0 : i32
        %dma_wait3A_247 = arith.constant 0 : i32
        %dma_wait3A_248 = tpu.memref_slice %arg9[%run_scoped3A_220, %dma_wait3A_246, %dma_wait3A_247] : memref<2x80x128xf32, #tpu.memory_space<vmem>> -> memref<1x80x128xf32, #tpu.memory_space<vmem>>
        %dma_wait3A_249 = tpu.memref_squeeze %dma_wait3A_248 : memref<1x80x128xf32, #tpu.memory_space<vmem>> -> memref<80x128xf32, #tpu.memory_space<vmem>>
        tpu.wait_dma2 semaphore(%run_scoped3A_221 : memref<!tpu.dma_semaphore, #tpu.memory_space<semaphore_mem>>) src(%dma_wait3A_249 : memref<80x128xf32, #tpu.memory_space<vmem>>) dst(%dma_wait3A_245 : memref<80x128xf32, #tpu.memory_space<hbm>>)
        tpu.yield
      }) : () -> ()
    } else {
    }
    %add3A_176 = arith.constant 32 : i32
    %add3A_177 = arith.addi %arg1, %add3A_176 : i32
    %lt3A_178 = arith.constant 125 : i32
    %lt3A_179 = arith.cmpi slt, %add3A_177, %lt3A_178 : i32
    %convert_element_type3A_180 = arith.extui %lt3A_179 : i1 to i32
    %cond3A_181 = arith.constant 0 : i32
    %cond3A_182 = arith.cmpi ne, %convert_element_type3A_180, %cond3A_181 : i32
    scf.if %cond3A_182 {
      %mul3A_218 = arith.constant 80 : i32
      %mul3A_219 = arith.muli %add3A_177, %mul3A_218 : i32
      %run_scoped3A = arith.constant 0 : i32
      "tpu.region"() ({
        %run_scoped3A_221 = tpu.sem_alloc : memref<!tpu.dma_semaphore, #tpu.memory_space<semaphore_mem>>
        %dma_start3A_222 = arith.constant 0 : i32
        %dma_start3A_223 = arith.constant 0 : i32
        %dma_start3A_224 = tpu.memref_slice %arg9[%run_scoped3A, %dma_start3A_222, %dma_start3A_223] : memref<2x80x128xf32, #tpu.memory_space<vmem>> -> memref<1x80x128xf32, #tpu.memory_space<vmem>>
        %dma_start3A_225 = tpu.memref_squeeze %dma_start3A_224 : memref<1x80x128xf32, #tpu.memory_space<vmem>> -> memref<80x128xf32, #tpu.memory_space<vmem>>
        %dma_start3A_226 = arith.constant 0 : i32
        %dma_start3A_227 = tpu.memref_slice %arg11[%mul3A_219, %dma_start3A_226] : memref<10000x128xf32, #tpu.memory_space<vmem_shared>> -> memref<80x128xf32, #tpu.memory_space<vmem_shared>>
        %dma_start3A_228 = arith.constant 0 : i32
        %dma_start3A_229 = arith.constant 0 : i32
        %dma_start3A_230 = tpu.memref_slice %arg9[%run_scoped3A, %dma_start3A_228, %dma_start3A_229] : memref<2x80x128xf32, #tpu.memory_space<vmem>> -> memref<1x80x128xf32, #tpu.memory_space<vmem>>
        %dma_start3A_231 = tpu.memref_squeeze %dma_start3A_230 : memref<1x80x128xf32, #tpu.memory_space<vmem>> -> memref<80x128xf32, #tpu.memory_space<vmem>>
        %dma_start3A_232 = arith.constant 0 : i32
        %dma_start3A_233 = tpu.memref_slice %arg11[%mul3A_219, %dma_start3A_232] : memref<10000x128xf32, #tpu.memory_space<vmem_shared>> -> memref<80x128xf32, #tpu.memory_space<vmem_shared>>
        tpu.enqueue_dma source(%dma_start3A_233 : memref<80x128xf32, #tpu.memory_space<vmem_shared>>) target(%dma_start3A_231 : memref<80x128xf32, #tpu.memory_space<vmem>>) target_semaphore(%run_scoped3A_221 : memref<!tpu.dma_semaphore, #tpu.memory_space<semaphore_mem>>)
        %dma_wait3A_234 = arith.constant 0 : i32
        %dma_wait3A_235 = arith.constant 0 : i32
        %dma_wait3A_236 = tpu.memref_slice %arg9[%run_scoped3A, %dma_wait3A_234, %dma_wait3A_235] : memref<2x80x128xf32, #tpu.memory_space<vmem>> -> memref<1x80x128xf32, #tpu.memory_space<vmem>>
        %dma_wait3A_237 = tpu.memref_squeeze %dma_wait3A_236 : memref<1x80x128xf32, #tpu.memory_space<vmem>> -> memref<80x128xf32, #tpu.memory_space<vmem>>
        %dma_wait3A_238 = arith.constant 0 : i32
        %dma_wait3A_239 = tpu.memref_slice %arg11[%mul3A_219, %dma_wait3A_238] : memref<10000x128xf32, #tpu.memory_space<vmem_shared>> -> memref<80x128xf32, #tpu.memory_space<vmem_shared>>
        %dma_wait3A_240 = arith.constant 0 : i32
        %dma_wait3A_241 = arith.constant 0 : i32
        %dma_wait3A_242 = tpu.memref_slice %arg9[%run_scoped3A, %dma_wait3A_240, %dma_wait3A_241] : memref<2x80x128xf32, #tpu.memory_space<vmem>> -> memref<1x80x128xf32, #tpu.memory_space<vmem>>
        %dma_wait3A_243 = tpu.memref_squeeze %dma_wait3A_242 : memref<1x80x128xf32, #tpu.memory_space<vmem>> -> memref<80x128xf32, #tpu.memory_space<vmem>>
        %dma_wait3A_244 = arith.constant 0 : i32
        %dma_wait3A_245 = tpu.memref_slice %arg11[%mul3A_219, %dma_wait3A_244] : memref<10000x128xf32, #tpu.memory_space<vmem_shared>> -> memref<80x128xf32, #tpu.memory_space<vmem_shared>>
        tpu.wait_dma2 semaphore(%run_scoped3A_221 : memref<!tpu.dma_semaphore, #tpu.memory_space<semaphore_mem>>) src(%dma_wait3A_245 : memref<80x128xf32, #tpu.memory_space<vmem_shared>>) dst(%dma_wait3A_243 : memref<80x128xf32, #tpu.memory_space<vmem>>)
        tpu.yield
      }) : () -> ()
      %run_scoped3A_220 = arith.constant 0 : i32
      "tpu.region"() ({
        %run_scoped3A_221 = tpu.sem_alloc : memref<!tpu.dma_semaphore, #tpu.memory_space<semaphore_mem>>
        %dma_start3A_222 = arith.constant 0 : i32
        %dma_start3A_223 = arith.constant 0 : i32
        %dma_start3A_224 = tpu.memref_slice %arg9[%run_scoped3A_220, %dma_start3A_222, %dma_start3A_223] : memref<2x80x128xf32, #tpu.memory_space<vmem>> -> memref<1x80x128xf32, #tpu.memory_space<vmem>>
        %dma_start3A_225 = tpu.memref_squeeze %dma_start3A_224 : memref<1x80x128xf32, #tpu.memory_space<vmem>> -> memref<80x128xf32, #tpu.memory_space<vmem>>
        %dma_start3A_226 = arith.constant 0 : i32
        %dma_start3A_227 = tpu.memref_slice %arg6[%arg0, %mul3A_219, %dma_start3A_226] : memref<2x10000x128xf32, #tpu.memory_space<hbm>> -> memref<1x80x128xf32, #tpu.memory_space<hbm>>
        %dma_start3A_228 = tpu.memref_squeeze %dma_start3A_227 : memref<1x80x128xf32, #tpu.memory_space<hbm>> -> memref<80x128xf32, #tpu.memory_space<hbm>>
        %dma_start3A_229 = arith.constant 0 : i32
        %dma_start3A_230 = tpu.memref_slice %arg6[%arg0, %mul3A_219, %dma_start3A_229] : memref<2x10000x128xf32, #tpu.memory_space<hbm>> -> memref<1x80x128xf32, #tpu.memory_space<hbm>>
        %dma_start3A_231 = tpu.memref_squeeze %dma_start3A_230 : memref<1x80x128xf32, #tpu.memory_space<hbm>> -> memref<80x128xf32, #tpu.memory_space<hbm>>
        %dma_start3A_232 = arith.constant 0 : i32
        %dma_start3A_233 = arith.constant 0 : i32
        %dma_start3A_234 = tpu.memref_slice %arg9[%run_scoped3A_220, %dma_start3A_232, %dma_start3A_233] : memref<2x80x128xf32, #tpu.memory_space<vmem>> -> memref<1x80x128xf32, #tpu.memory_space<vmem>>
        %dma_start3A_235 = tpu.memref_squeeze %dma_start3A_234 : memref<1x80x128xf32, #tpu.memory_space<vmem>> -> memref<80x128xf32, #tpu.memory_space<vmem>>
        tpu.enqueue_dma source(%dma_start3A_235 : memref<80x128xf32, #tpu.memory_space<vmem>>) target(%dma_start3A_231 : memref<80x128xf32, #tpu.memory_space<hbm>>) target_semaphore(%run_scoped3A_221 : memref<!tpu.dma_semaphore, #tpu.memory_space<semaphore_mem>>)
        %dma_wait3A_236 = arith.constant 0 : i32
        %dma_wait3A_237 = arith.constant 0 : i32
        %dma_wait3A_238 = tpu.memref_slice %arg9[%run_scoped3A_220, %dma_wait3A_236, %dma_wait3A_237] : memref<2x80x128xf32, #tpu.memory_space<vmem>> -> memref<1x80x128xf32, #tpu.memory_space<vmem>>
        %dma_wait3A_239 = tpu.memref_squeeze %dma_wait3A_238 : memref<1x80x128xf32, #tpu.memory_space<vmem>> -> memref<80x128xf32, #tpu.memory_space<vmem>>
        %dma_wait3A_240 = arith.constant 0 : i32
        %dma_wait3A_241 = tpu.memref_slice %arg6[%arg0, %mul3A_219, %dma_wait3A_240] : memref<2x10000x128xf32, #tpu.memory_space<hbm>> -> memref<1x80x128xf32, #tpu.memory_space<hbm>>
        %dma_wait3A_242 = tpu.memref_squeeze %dma_wait3A_241 : memref<1x80x128xf32, #tpu.memory_space<hbm>> -> memref<80x128xf32, #tpu.memory_space<hbm>>
        %dma_wait3A_243 = arith.constant 0 : i32
        %dma_wait3A_244 = tpu.memref_slice %arg6[%arg0, %mul3A_219, %dma_wait3A_243] : memref<2x10000x128xf32, #tpu.memory_space<hbm>> -> memref<1x80x128xf32, #tpu.memory_space<hbm>>
        %dma_wait3A_245 = tpu.memref_squeeze %dma_wait3A_244 : memref<1x80x128xf32, #tpu.memory_space<hbm>> -> memref<80x128xf32, #tpu.memory_space<hbm>>
        %dma_wait3A_246 = arith.constant 0 : i32
        %dma_wait3A_247 = arith.constant 0 : i32
        %dma_wait3A_248 = tpu.memref_slice %arg9[%run_scoped3A_220, %dma_wait3A_246, %dma_wait3A_247] : memref<2x80x128xf32, #tpu.memory_space<vmem>> -> memref<1x80x128xf32, #tpu.memory_space<vmem>>
        %dma_wait3A_249 = tpu.memref_squeeze %dma_wait3A_248 : memref<1x80x128xf32, #tpu.memory_space<vmem>> -> memref<80x128xf32, #tpu.memory_space<vmem>>
        tpu.wait_dma2 semaphore(%run_scoped3A_221 : memref<!tpu.dma_semaphore, #tpu.memory_space<semaphore_mem>>) src(%dma_wait3A_249 : memref<80x128xf32, #tpu.memory_space<vmem>>) dst(%dma_wait3A_245 : memref<80x128xf32, #tpu.memory_space<hbm>>)
        tpu.yield
      }) : () -> ()
    } else {
    }
    %add3A_183 = arith.constant 48 : i32
    %add3A_184 = arith.addi %arg1, %add3A_183 : i32
    %lt3A_185 = arith.constant 125 : i32
    %lt3A_186 = arith.cmpi slt, %add3A_184, %lt3A_185 : i32
    %convert_element_type3A_187 = arith.extui %lt3A_186 : i1 to i32
    %cond3A_188 = arith.constant 0 : i32
    %cond3A_189 = arith.cmpi ne, %convert_element_type3A_187, %cond3A_188 : i32
    scf.if %cond3A_189 {
      %mul3A_218 = arith.constant 80 : i32
      %mul3A_219 = arith.muli %add3A_184, %mul3A_218 : i32
      %run_scoped3A = arith.constant 0 : i32
      "tpu.region"() ({
        %run_scoped3A_221 = tpu.sem_alloc : memref<!tpu.dma_semaphore, #tpu.memory_space<semaphore_mem>>
        %dma_start3A_222 = arith.constant 0 : i32
        %dma_start3A_223 = arith.constant 0 : i32
        %dma_start3A_224 = tpu.memref_slice %arg9[%run_scoped3A, %dma_start3A_222, %dma_start3A_223] : memref<2x80x128xf32, #tpu.memory_space<vmem>> -> memref<1x80x128xf32, #tpu.memory_space<vmem>>
        %dma_start3A_225 = tpu.memref_squeeze %dma_start3A_224 : memref<1x80x128xf32, #tpu.memory_space<vmem>> -> memref<80x128xf32, #tpu.memory_space<vmem>>
        %dma_start3A_226 = arith.constant 0 : i32
        %dma_start3A_227 = tpu.memref_slice %arg11[%mul3A_219, %dma_start3A_226] : memref<10000x128xf32, #tpu.memory_space<vmem_shared>> -> memref<80x128xf32, #tpu.memory_space<vmem_shared>>
        %dma_start3A_228 = arith.constant 0 : i32
        %dma_start3A_229 = arith.constant 0 : i32
        %dma_start3A_230 = tpu.memref_slice %arg9[%run_scoped3A, %dma_start3A_228, %dma_start3A_229] : memref<2x80x128xf32, #tpu.memory_space<vmem>> -> memref<1x80x128xf32, #tpu.memory_space<vmem>>
        %dma_start3A_231 = tpu.memref_squeeze %dma_start3A_230 : memref<1x80x128xf32, #tpu.memory_space<vmem>> -> memref<80x128xf32, #tpu.memory_space<vmem>>
        %dma_start3A_232 = arith.constant 0 : i32
        %dma_start3A_233 = tpu.memref_slice %arg11[%mul3A_219, %dma_start3A_232] : memref<10000x128xf32, #tpu.memory_space<vmem_shared>> -> memref<80x128xf32, #tpu.memory_space<vmem_shared>>
        tpu.enqueue_dma source(%dma_start3A_233 : memref<80x128xf32, #tpu.memory_space<vmem_shared>>) target(%dma_start3A_231 : memref<80x128xf32, #tpu.memory_space<vmem>>) target_semaphore(%run_scoped3A_221 : memref<!tpu.dma_semaphore, #tpu.memory_space<semaphore_mem>>)
        %dma_wait3A_234 = arith.constant 0 : i32
        %dma_wait3A_235 = arith.constant 0 : i32
        %dma_wait3A_236 = tpu.memref_slice %arg9[%run_scoped3A, %dma_wait3A_234, %dma_wait3A_235] : memref<2x80x128xf32, #tpu.memory_space<vmem>> -> memref<1x80x128xf32, #tpu.memory_space<vmem>>
        %dma_wait3A_237 = tpu.memref_squeeze %dma_wait3A_236 : memref<1x80x128xf32, #tpu.memory_space<vmem>> -> memref<80x128xf32, #tpu.memory_space<vmem>>
        %dma_wait3A_238 = arith.constant 0 : i32
        %dma_wait3A_239 = tpu.memref_slice %arg11[%mul3A_219, %dma_wait3A_238] : memref<10000x128xf32, #tpu.memory_space<vmem_shared>> -> memref<80x128xf32, #tpu.memory_space<vmem_shared>>
        %dma_wait3A_240 = arith.constant 0 : i32
        %dma_wait3A_241 = arith.constant 0 : i32
        %dma_wait3A_242 = tpu.memref_slice %arg9[%run_scoped3A, %dma_wait3A_240, %dma_wait3A_241] : memref<2x80x128xf32, #tpu.memory_space<vmem>> -> memref<1x80x128xf32, #tpu.memory_space<vmem>>
        %dma_wait3A_243 = tpu.memref_squeeze %dma_wait3A_242 : memref<1x80x128xf32, #tpu.memory_space<vmem>> -> memref<80x128xf32, #tpu.memory_space<vmem>>
        %dma_wait3A_244 = arith.constant 0 : i32
        %dma_wait3A_245 = tpu.memref_slice %arg11[%mul3A_219, %dma_wait3A_244] : memref<10000x128xf32, #tpu.memory_space<vmem_shared>> -> memref<80x128xf32, #tpu.memory_space<vmem_shared>>
        tpu.wait_dma2 semaphore(%run_scoped3A_221 : memref<!tpu.dma_semaphore, #tpu.memory_space<semaphore_mem>>) src(%dma_wait3A_245 : memref<80x128xf32, #tpu.memory_space<vmem_shared>>) dst(%dma_wait3A_243 : memref<80x128xf32, #tpu.memory_space<vmem>>)
        tpu.yield
      }) : () -> ()
      %run_scoped3A_220 = arith.constant 0 : i32
      "tpu.region"() ({
        %run_scoped3A_221 = tpu.sem_alloc : memref<!tpu.dma_semaphore, #tpu.memory_space<semaphore_mem>>
        %dma_start3A_222 = arith.constant 0 : i32
        %dma_start3A_223 = arith.constant 0 : i32
        %dma_start3A_224 = tpu.memref_slice %arg9[%run_scoped3A_220, %dma_start3A_222, %dma_start3A_223] : memref<2x80x128xf32, #tpu.memory_space<vmem>> -> memref<1x80x128xf32, #tpu.memory_space<vmem>>
        %dma_start3A_225 = tpu.memref_squeeze %dma_start3A_224 : memref<1x80x128xf32, #tpu.memory_space<vmem>> -> memref<80x128xf32, #tpu.memory_space<vmem>>
        %dma_start3A_226 = arith.constant 0 : i32
        %dma_start3A_227 = tpu.memref_slice %arg6[%arg0, %mul3A_219, %dma_start3A_226] : memref<2x10000x128xf32, #tpu.memory_space<hbm>> -> memref<1x80x128xf32, #tpu.memory_space<hbm>>
        %dma_start3A_228 = tpu.memref_squeeze %dma_start3A_227 : memref<1x80x128xf32, #tpu.memory_space<hbm>> -> memref<80x128xf32, #tpu.memory_space<hbm>>
        %dma_start3A_229 = arith.constant 0 : i32
        %dma_start3A_230 = tpu.memref_slice %arg6[%arg0, %mul3A_219, %dma_start3A_229] : memref<2x10000x128xf32, #tpu.memory_space<hbm>> -> memref<1x80x128xf32, #tpu.memory_space<hbm>>
        %dma_start3A_231 = tpu.memref_squeeze %dma_start3A_230 : memref<1x80x128xf32, #tpu.memory_space<hbm>> -> memref<80x128xf32, #tpu.memory_space<hbm>>
        %dma_start3A_232 = arith.constant 0 : i32
        %dma_start3A_233 = arith.constant 0 : i32
        %dma_start3A_234 = tpu.memref_slice %arg9[%run_scoped3A_220, %dma_start3A_232, %dma_start3A_233] : memref<2x80x128xf32, #tpu.memory_space<vmem>> -> memref<1x80x128xf32, #tpu.memory_space<vmem>>
        %dma_start3A_235 = tpu.memref_squeeze %dma_start3A_234 : memref<1x80x128xf32, #tpu.memory_space<vmem>> -> memref<80x128xf32, #tpu.memory_space<vmem>>
        tpu.enqueue_dma source(%dma_start3A_235 : memref<80x128xf32, #tpu.memory_space<vmem>>) target(%dma_start3A_231 : memref<80x128xf32, #tpu.memory_space<hbm>>) target_semaphore(%run_scoped3A_221 : memref<!tpu.dma_semaphore, #tpu.memory_space<semaphore_mem>>)
        %dma_wait3A_236 = arith.constant 0 : i32
        %dma_wait3A_237 = arith.constant 0 : i32
        %dma_wait3A_238 = tpu.memref_slice %arg9[%run_scoped3A_220, %dma_wait3A_236, %dma_wait3A_237] : memref<2x80x128xf32, #tpu.memory_space<vmem>> -> memref<1x80x128xf32, #tpu.memory_space<vmem>>
        %dma_wait3A_239 = tpu.memref_squeeze %dma_wait3A_238 : memref<1x80x128xf32, #tpu.memory_space<vmem>> -> memref<80x128xf32, #tpu.memory_space<vmem>>
        %dma_wait3A_240 = arith.constant 0 : i32
        %dma_wait3A_241 = tpu.memref_slice %arg6[%arg0, %mul3A_219, %dma_wait3A_240] : memref<2x10000x128xf32, #tpu.memory_space<hbm>> -> memref<1x80x128xf32, #tpu.memory_space<hbm>>
        %dma_wait3A_242 = tpu.memref_squeeze %dma_wait3A_241 : memref<1x80x128xf32, #tpu.memory_space<hbm>> -> memref<80x128xf32, #tpu.memory_space<hbm>>
        %dma_wait3A_243 = arith.constant 0 : i32
        %dma_wait3A_244 = tpu.memref_slice %arg6[%arg0, %mul3A_219, %dma_wait3A_243] : memref<2x10000x128xf32, #tpu.memory_space<hbm>> -> memref<1x80x128xf32, #tpu.memory_space<hbm>>
        %dma_wait3A_245 = tpu.memref_squeeze %dma_wait3A_244 : memref<1x80x128xf32, #tpu.memory_space<hbm>> -> memref<80x128xf32, #tpu.memory_space<hbm>>
        %dma_wait3A_246 = arith.constant 0 : i32
        %dma_wait3A_247 = arith.constant 0 : i32
        %dma_wait3A_248 = tpu.memref_slice %arg9[%run_scoped3A_220, %dma_wait3A_246, %dma_wait3A_247] : memref<2x80x128xf32, #tpu.memory_space<vmem>> -> memref<1x80x128xf32, #tpu.memory_space<vmem>>
        %dma_wait3A_249 = tpu.memref_squeeze %dma_wait3A_248 : memref<1x80x128xf32, #tpu.memory_space<vmem>> -> memref<80x128xf32, #tpu.memory_space<vmem>>
        tpu.wait_dma2 semaphore(%run_scoped3A_221 : memref<!tpu.dma_semaphore, #tpu.memory_space<semaphore_mem>>) src(%dma_wait3A_249 : memref<80x128xf32, #tpu.memory_space<vmem>>) dst(%dma_wait3A_245 : memref<80x128xf32, #tpu.memory_space<hbm>>)
        tpu.yield
      }) : () -> ()
    } else {
    }
    %add3A_190 = arith.constant 64 : i32
    %add3A_191 = arith.addi %arg1, %add3A_190 : i32
    %lt3A_192 = arith.constant 125 : i32
    %lt3A_193 = arith.cmpi slt, %add3A_191, %lt3A_192 : i32
    %convert_element_type3A_194 = arith.extui %lt3A_193 : i1 to i32
    %cond3A_195 = arith.constant 0 : i32
    %cond3A_196 = arith.cmpi ne, %convert_element_type3A_194, %cond3A_195 : i32
    scf.if %cond3A_196 {
      %mul3A_218 = arith.constant 80 : i32
      %mul3A_219 = arith.muli %add3A_191, %mul3A_218 : i32
      %run_scoped3A = arith.constant 0 : i32
      "tpu.region"() ({
        %run_scoped3A_221 = tpu.sem_alloc : memref<!tpu.dma_semaphore, #tpu.memory_space<semaphore_mem>>
        %dma_start3A_222 = arith.constant 0 : i32
        %dma_start3A_223 = arith.constant 0 : i32
        %dma_start3A_224 = tpu.memref_slice %arg9[%run_scoped3A, %dma_start3A_222, %dma_start3A_223] : memref<2x80x128xf32, #tpu.memory_space<vmem>> -> memref<1x80x128xf32, #tpu.memory_space<vmem>>
        %dma_start3A_225 = tpu.memref_squeeze %dma_start3A_224 : memref<1x80x128xf32, #tpu.memory_space<vmem>> -> memref<80x128xf32, #tpu.memory_space<vmem>>
        %dma_start3A_226 = arith.constant 0 : i32
        %dma_start3A_227 = tpu.memref_slice %arg11[%mul3A_219, %dma_start3A_226] : memref<10000x128xf32, #tpu.memory_space<vmem_shared>> -> memref<80x128xf32, #tpu.memory_space<vmem_shared>>
        %dma_start3A_228 = arith.constant 0 : i32
        %dma_start3A_229 = arith.constant 0 : i32
        %dma_start3A_230 = tpu.memref_slice %arg9[%run_scoped3A, %dma_start3A_228, %dma_start3A_229] : memref<2x80x128xf32, #tpu.memory_space<vmem>> -> memref<1x80x128xf32, #tpu.memory_space<vmem>>
        %dma_start3A_231 = tpu.memref_squeeze %dma_start3A_230 : memref<1x80x128xf32, #tpu.memory_space<vmem>> -> memref<80x128xf32, #tpu.memory_space<vmem>>
        %dma_start3A_232 = arith.constant 0 : i32
        %dma_start3A_233 = tpu.memref_slice %arg11[%mul3A_219, %dma_start3A_232] : memref<10000x128xf32, #tpu.memory_space<vmem_shared>> -> memref<80x128xf32, #tpu.memory_space<vmem_shared>>
        tpu.enqueue_dma source(%dma_start3A_233 : memref<80x128xf32, #tpu.memory_space<vmem_shared>>) target(%dma_start3A_231 : memref<80x128xf32, #tpu.memory_space<vmem>>) target_semaphore(%run_scoped3A_221 : memref<!tpu.dma_semaphore, #tpu.memory_space<semaphore_mem>>)
        %dma_wait3A_234 = arith.constant 0 : i32
        %dma_wait3A_235 = arith.constant 0 : i32
        %dma_wait3A_236 = tpu.memref_slice %arg9[%run_scoped3A, %dma_wait3A_234, %dma_wait3A_235] : memref<2x80x128xf32, #tpu.memory_space<vmem>> -> memref<1x80x128xf32, #tpu.memory_space<vmem>>
        %dma_wait3A_237 = tpu.memref_squeeze %dma_wait3A_236 : memref<1x80x128xf32, #tpu.memory_space<vmem>> -> memref<80x128xf32, #tpu.memory_space<vmem>>
        %dma_wait3A_238 = arith.constant 0 : i32
        %dma_wait3A_239 = tpu.memref_slice %arg11[%mul3A_219, %dma_wait3A_238] : memref<10000x128xf32, #tpu.memory_space<vmem_shared>> -> memref<80x128xf32, #tpu.memory_space<vmem_shared>>
        %dma_wait3A_240 = arith.constant 0 : i32
        %dma_wait3A_241 = arith.constant 0 : i32
        %dma_wait3A_242 = tpu.memref_slice %arg9[%run_scoped3A, %dma_wait3A_240, %dma_wait3A_241] : memref<2x80x128xf32, #tpu.memory_space<vmem>> -> memref<1x80x128xf32, #tpu.memory_space<vmem>>
        %dma_wait3A_243 = tpu.memref_squeeze %dma_wait3A_242 : memref<1x80x128xf32, #tpu.memory_space<vmem>> -> memref<80x128xf32, #tpu.memory_space<vmem>>
        %dma_wait3A_244 = arith.constant 0 : i32
        %dma_wait3A_245 = tpu.memref_slice %arg11[%mul3A_219, %dma_wait3A_244] : memref<10000x128xf32, #tpu.memory_space<vmem_shared>> -> memref<80x128xf32, #tpu.memory_space<vmem_shared>>
        tpu.wait_dma2 semaphore(%run_scoped3A_221 : memref<!tpu.dma_semaphore, #tpu.memory_space<semaphore_mem>>) src(%dma_wait3A_245 : memref<80x128xf32, #tpu.memory_space<vmem_shared>>) dst(%dma_wait3A_243 : memref<80x128xf32, #tpu.memory_space<vmem>>)
        tpu.yield
      }) : () -> ()
      %run_scoped3A_220 = arith.constant 0 : i32
      "tpu.region"() ({
        %run_scoped3A_221 = tpu.sem_alloc : memref<!tpu.dma_semaphore, #tpu.memory_space<semaphore_mem>>
        %dma_start3A_222 = arith.constant 0 : i32
        %dma_start3A_223 = arith.constant 0 : i32
        %dma_start3A_224 = tpu.memref_slice %arg9[%run_scoped3A_220, %dma_start3A_222, %dma_start3A_223] : memref<2x80x128xf32, #tpu.memory_space<vmem>> -> memref<1x80x128xf32, #tpu.memory_space<vmem>>
        %dma_start3A_225 = tpu.memref_squeeze %dma_start3A_224 : memref<1x80x128xf32, #tpu.memory_space<vmem>> -> memref<80x128xf32, #tpu.memory_space<vmem>>
        %dma_start3A_226 = arith.constant 0 : i32
        %dma_start3A_227 = tpu.memref_slice %arg6[%arg0, %mul3A_219, %dma_start3A_226] : memref<2x10000x128xf32, #tpu.memory_space<hbm>> -> memref<1x80x128xf32, #tpu.memory_space<hbm>>
        %dma_start3A_228 = tpu.memref_squeeze %dma_start3A_227 : memref<1x80x128xf32, #tpu.memory_space<hbm>> -> memref<80x128xf32, #tpu.memory_space<hbm>>
        %dma_start3A_229 = arith.constant 0 : i32
        %dma_start3A_230 = tpu.memref_slice %arg6[%arg0, %mul3A_219, %dma_start3A_229] : memref<2x10000x128xf32, #tpu.memory_space<hbm>> -> memref<1x80x128xf32, #tpu.memory_space<hbm>>
        %dma_start3A_231 = tpu.memref_squeeze %dma_start3A_230 : memref<1x80x128xf32, #tpu.memory_space<hbm>> -> memref<80x128xf32, #tpu.memory_space<hbm>>
        %dma_start3A_232 = arith.constant 0 : i32
        %dma_start3A_233 = arith.constant 0 : i32
        %dma_start3A_234 = tpu.memref_slice %arg9[%run_scoped3A_220, %dma_start3A_232, %dma_start3A_233] : memref<2x80x128xf32, #tpu.memory_space<vmem>> -> memref<1x80x128xf32, #tpu.memory_space<vmem>>
        %dma_start3A_235 = tpu.memref_squeeze %dma_start3A_234 : memref<1x80x128xf32, #tpu.memory_space<vmem>> -> memref<80x128xf32, #tpu.memory_space<vmem>>
        tpu.enqueue_dma source(%dma_start3A_235 : memref<80x128xf32, #tpu.memory_space<vmem>>) target(%dma_start3A_231 : memref<80x128xf32, #tpu.memory_space<hbm>>) target_semaphore(%run_scoped3A_221 : memref<!tpu.dma_semaphore, #tpu.memory_space<semaphore_mem>>)
        %dma_wait3A_236 = arith.constant 0 : i32
        %dma_wait3A_237 = arith.constant 0 : i32
        %dma_wait3A_238 = tpu.memref_slice %arg9[%run_scoped3A_220, %dma_wait3A_236, %dma_wait3A_237] : memref<2x80x128xf32, #tpu.memory_space<vmem>> -> memref<1x80x128xf32, #tpu.memory_space<vmem>>
        %dma_wait3A_239 = tpu.memref_squeeze %dma_wait3A_238 : memref<1x80x128xf32, #tpu.memory_space<vmem>> -> memref<80x128xf32, #tpu.memory_space<vmem>>
        %dma_wait3A_240 = arith.constant 0 : i32
        %dma_wait3A_241 = tpu.memref_slice %arg6[%arg0, %mul3A_219, %dma_wait3A_240] : memref<2x10000x128xf32, #tpu.memory_space<hbm>> -> memref<1x80x128xf32, #tpu.memory_space<hbm>>
        %dma_wait3A_242 = tpu.memref_squeeze %dma_wait3A_241 : memref<1x80x128xf32, #tpu.memory_space<hbm>> -> memref<80x128xf32, #tpu.memory_space<hbm>>
        %dma_wait3A_243 = arith.constant 0 : i32
        %dma_wait3A_244 = tpu.memref_slice %arg6[%arg0, %mul3A_219, %dma_wait3A_243] : memref<2x10000x128xf32, #tpu.memory_space<hbm>> -> memref<1x80x128xf32, #tpu.memory_space<hbm>>
        %dma_wait3A_245 = tpu.memref_squeeze %dma_wait3A_244 : memref<1x80x128xf32, #tpu.memory_space<hbm>> -> memref<80x128xf32, #tpu.memory_space<hbm>>
        %dma_wait3A_246 = arith.constant 0 : i32
        %dma_wait3A_247 = arith.constant 0 : i32
        %dma_wait3A_248 = tpu.memref_slice %arg9[%run_scoped3A_220, %dma_wait3A_246, %dma_wait3A_247] : memref<2x80x128xf32, #tpu.memory_space<vmem>> -> memref<1x80x128xf32, #tpu.memory_space<vmem>>
        %dma_wait3A_249 = tpu.memref_squeeze %dma_wait3A_248 : memref<1x80x128xf32, #tpu.memory_space<vmem>> -> memref<80x128xf32, #tpu.memory_space<vmem>>
        tpu.wait_dma2 semaphore(%run_scoped3A_221 : memref<!tpu.dma_semaphore, #tpu.memory_space<semaphore_mem>>) src(%dma_wait3A_249 : memref<80x128xf32, #tpu.memory_space<vmem>>) dst(%dma_wait3A_245 : memref<80x128xf32, #tpu.memory_space<hbm>>)
        tpu.yield
      }) : () -> ()
    } else {
    }
    %add3A_197 = arith.constant 80 : i32
    %add3A_198 = arith.addi %arg1, %add3A_197 : i32
    %lt3A_199 = arith.constant 125 : i32
    %lt3A_200 = arith.cmpi slt, %add3A_198, %lt3A_199 : i32
    %convert_element_type3A_201 = arith.extui %lt3A_200 : i1 to i32
    %cond3A_202 = arith.constant 0 : i32
    %cond3A_203 = arith.cmpi ne, %convert_element_type3A_201, %cond3A_202 : i32
    scf.if %cond3A_203 {
      %mul3A_218 = arith.constant 80 : i32
      %mul3A_219 = arith.muli %add3A_198, %mul3A_218 : i32
      %run_scoped3A = arith.constant 0 : i32
      "tpu.region"() ({
        %run_scoped3A_221 = tpu.sem_alloc : memref<!tpu.dma_semaphore, #tpu.memory_space<semaphore_mem>>
        %dma_start3A_222 = arith.constant 0 : i32
        %dma_start3A_223 = arith.constant 0 : i32
        %dma_start3A_224 = tpu.memref_slice %arg9[%run_scoped3A, %dma_start3A_222, %dma_start3A_223] : memref<2x80x128xf32, #tpu.memory_space<vmem>> -> memref<1x80x128xf32, #tpu.memory_space<vmem>>
        %dma_start3A_225 = tpu.memref_squeeze %dma_start3A_224 : memref<1x80x128xf32, #tpu.memory_space<vmem>> -> memref<80x128xf32, #tpu.memory_space<vmem>>
        %dma_start3A_226 = arith.constant 0 : i32
        %dma_start3A_227 = tpu.memref_slice %arg11[%mul3A_219, %dma_start3A_226] : memref<10000x128xf32, #tpu.memory_space<vmem_shared>> -> memref<80x128xf32, #tpu.memory_space<vmem_shared>>
        %dma_start3A_228 = arith.constant 0 : i32
        %dma_start3A_229 = arith.constant 0 : i32
        %dma_start3A_230 = tpu.memref_slice %arg9[%run_scoped3A, %dma_start3A_228, %dma_start3A_229] : memref<2x80x128xf32, #tpu.memory_space<vmem>> -> memref<1x80x128xf32, #tpu.memory_space<vmem>>
        %dma_start3A_231 = tpu.memref_squeeze %dma_start3A_230 : memref<1x80x128xf32, #tpu.memory_space<vmem>> -> memref<80x128xf32, #tpu.memory_space<vmem>>
        %dma_start3A_232 = arith.constant 0 : i32
        %dma_start3A_233 = tpu.memref_slice %arg11[%mul3A_219, %dma_start3A_232] : memref<10000x128xf32, #tpu.memory_space<vmem_shared>> -> memref<80x128xf32, #tpu.memory_space<vmem_shared>>
        tpu.enqueue_dma source(%dma_start3A_233 : memref<80x128xf32, #tpu.memory_space<vmem_shared>>) target(%dma_start3A_231 : memref<80x128xf32, #tpu.memory_space<vmem>>) target_semaphore(%run_scoped3A_221 : memref<!tpu.dma_semaphore, #tpu.memory_space<semaphore_mem>>)
        %dma_wait3A_234 = arith.constant 0 : i32
        %dma_wait3A_235 = arith.constant 0 : i32
        %dma_wait3A_236 = tpu.memref_slice %arg9[%run_scoped3A, %dma_wait3A_234, %dma_wait3A_235] : memref<2x80x128xf32, #tpu.memory_space<vmem>> -> memref<1x80x128xf32, #tpu.memory_space<vmem>>
        %dma_wait3A_237 = tpu.memref_squeeze %dma_wait3A_236 : memref<1x80x128xf32, #tpu.memory_space<vmem>> -> memref<80x128xf32, #tpu.memory_space<vmem>>
        %dma_wait3A_238 = arith.constant 0 : i32
        %dma_wait3A_239 = tpu.memref_slice %arg11[%mul3A_219, %dma_wait3A_238] : memref<10000x128xf32, #tpu.memory_space<vmem_shared>> -> memref<80x128xf32, #tpu.memory_space<vmem_shared>>
        %dma_wait3A_240 = arith.constant 0 : i32
        %dma_wait3A_241 = arith.constant 0 : i32
        %dma_wait3A_242 = tpu.memref_slice %arg9[%run_scoped3A, %dma_wait3A_240, %dma_wait3A_241] : memref<2x80x128xf32, #tpu.memory_space<vmem>> -> memref<1x80x128xf32, #tpu.memory_space<vmem>>
        %dma_wait3A_243 = tpu.memref_squeeze %dma_wait3A_242 : memref<1x80x128xf32, #tpu.memory_space<vmem>> -> memref<80x128xf32, #tpu.memory_space<vmem>>
        %dma_wait3A_244 = arith.constant 0 : i32
        %dma_wait3A_245 = tpu.memref_slice %arg11[%mul3A_219, %dma_wait3A_244] : memref<10000x128xf32, #tpu.memory_space<vmem_shared>> -> memref<80x128xf32, #tpu.memory_space<vmem_shared>>
        tpu.wait_dma2 semaphore(%run_scoped3A_221 : memref<!tpu.dma_semaphore, #tpu.memory_space<semaphore_mem>>) src(%dma_wait3A_245 : memref<80x128xf32, #tpu.memory_space<vmem_shared>>) dst(%dma_wait3A_243 : memref<80x128xf32, #tpu.memory_space<vmem>>)
        tpu.yield
      }) : () -> ()
      %run_scoped3A_220 = arith.constant 0 : i32
      "tpu.region"() ({
        %run_scoped3A_221 = tpu.sem_alloc : memref<!tpu.dma_semaphore, #tpu.memory_space<semaphore_mem>>
        %dma_start3A_222 = arith.constant 0 : i32
        %dma_start3A_223 = arith.constant 0 : i32
        %dma_start3A_224 = tpu.memref_slice %arg9[%run_scoped3A_220, %dma_start3A_222, %dma_start3A_223] : memref<2x80x128xf32, #tpu.memory_space<vmem>> -> memref<1x80x128xf32, #tpu.memory_space<vmem>>
        %dma_start3A_225 = tpu.memref_squeeze %dma_start3A_224 : memref<1x80x128xf32, #tpu.memory_space<vmem>> -> memref<80x128xf32, #tpu.memory_space<vmem>>
        %dma_start3A_226 = arith.constant 0 : i32
        %dma_start3A_227 = tpu.memref_slice %arg6[%arg0, %mul3A_219, %dma_start3A_226] : memref<2x10000x128xf32, #tpu.memory_space<hbm>> -> memref<1x80x128xf32, #tpu.memory_space<hbm>>
        %dma_start3A_228 = tpu.memref_squeeze %dma_start3A_227 : memref<1x80x128xf32, #tpu.memory_space<hbm>> -> memref<80x128xf32, #tpu.memory_space<hbm>>
        %dma_start3A_229 = arith.constant 0 : i32
        %dma_start3A_230 = tpu.memref_slice %arg6[%arg0, %mul3A_219, %dma_start3A_229] : memref<2x10000x128xf32, #tpu.memory_space<hbm>> -> memref<1x80x128xf32, #tpu.memory_space<hbm>>
        %dma_start3A_231 = tpu.memref_squeeze %dma_start3A_230 : memref<1x80x128xf32, #tpu.memory_space<hbm>> -> memref<80x128xf32, #tpu.memory_space<hbm>>
        %dma_start3A_232 = arith.constant 0 : i32
        %dma_start3A_233 = arith.constant 0 : i32
        %dma_start3A_234 = tpu.memref_slice %arg9[%run_scoped3A_220, %dma_start3A_232, %dma_start3A_233] : memref<2x80x128xf32, #tpu.memory_space<vmem>> -> memref<1x80x128xf32, #tpu.memory_space<vmem>>
        %dma_start3A_235 = tpu.memref_squeeze %dma_start3A_234 : memref<1x80x128xf32, #tpu.memory_space<vmem>> -> memref<80x128xf32, #tpu.memory_space<vmem>>
        tpu.enqueue_dma source(%dma_start3A_235 : memref<80x128xf32, #tpu.memory_space<vmem>>) target(%dma_start3A_231 : memref<80x128xf32, #tpu.memory_space<hbm>>) target_semaphore(%run_scoped3A_221 : memref<!tpu.dma_semaphore, #tpu.memory_space<semaphore_mem>>)
        %dma_wait3A_236 = arith.constant 0 : i32
        %dma_wait3A_237 = arith.constant 0 : i32
        %dma_wait3A_238 = tpu.memref_slice %arg9[%run_scoped3A_220, %dma_wait3A_236, %dma_wait3A_237] : memref<2x80x128xf32, #tpu.memory_space<vmem>> -> memref<1x80x128xf32, #tpu.memory_space<vmem>>
        %dma_wait3A_239 = tpu.memref_squeeze %dma_wait3A_238 : memref<1x80x128xf32, #tpu.memory_space<vmem>> -> memref<80x128xf32, #tpu.memory_space<vmem>>
        %dma_wait3A_240 = arith.constant 0 : i32
        %dma_wait3A_241 = tpu.memref_slice %arg6[%arg0, %mul3A_219, %dma_wait3A_240] : memref<2x10000x128xf32, #tpu.memory_space<hbm>> -> memref<1x80x128xf32, #tpu.memory_space<hbm>>
        %dma_wait3A_242 = tpu.memref_squeeze %dma_wait3A_241 : memref<1x80x128xf32, #tpu.memory_space<hbm>> -> memref<80x128xf32, #tpu.memory_space<hbm>>
        %dma_wait3A_243 = arith.constant 0 : i32
        %dma_wait3A_244 = tpu.memref_slice %arg6[%arg0, %mul3A_219, %dma_wait3A_243] : memref<2x10000x128xf32, #tpu.memory_space<hbm>> -> memref<1x80x128xf32, #tpu.memory_space<hbm>>
        %dma_wait3A_245 = tpu.memref_squeeze %dma_wait3A_244 : memref<1x80x128xf32, #tpu.memory_space<hbm>> -> memref<80x128xf32, #tpu.memory_space<hbm>>
        %dma_wait3A_246 = arith.constant 0 : i32
        %dma_wait3A_247 = arith.constant 0 : i32
        %dma_wait3A_248 = tpu.memref_slice %arg9[%run_scoped3A_220, %dma_wait3A_246, %dma_wait3A_247] : memref<2x80x128xf32, #tpu.memory_space<vmem>> -> memref<1x80x128xf32, #tpu.memory_space<vmem>>
        %dma_wait3A_249 = tpu.memref_squeeze %dma_wait3A_248 : memref<1x80x128xf32, #tpu.memory_space<vmem>> -> memref<80x128xf32, #tpu.memory_space<vmem>>
        tpu.wait_dma2 semaphore(%run_scoped3A_221 : memref<!tpu.dma_semaphore, #tpu.memory_space<semaphore_mem>>) src(%dma_wait3A_249 : memref<80x128xf32, #tpu.memory_space<vmem>>) dst(%dma_wait3A_245 : memref<80x128xf32, #tpu.memory_space<hbm>>)
        tpu.yield
      }) : () -> ()
    } else {
    }
    %add3A_204 = arith.constant 96 : i32
    %add3A_205 = arith.addi %arg1, %add3A_204 : i32
    %lt3A_206 = arith.constant 125 : i32
    %lt3A_207 = arith.cmpi slt, %add3A_205, %lt3A_206 : i32
    %convert_element_type3A_208 = arith.extui %lt3A_207 : i1 to i32
    %cond3A_209 = arith.constant 0 : i32
    %cond3A_210 = arith.cmpi ne, %convert_element_type3A_208, %cond3A_209 : i32
    scf.if %cond3A_210 {
      %mul3A_218 = arith.constant 80 : i32
      %mul3A_219 = arith.muli %add3A_205, %mul3A_218 : i32
      %run_scoped3A = arith.constant 0 : i32
      "tpu.region"() ({
        %run_scoped3A_221 = tpu.sem_alloc : memref<!tpu.dma_semaphore, #tpu.memory_space<semaphore_mem>>
        %dma_start3A_222 = arith.constant 0 : i32
        %dma_start3A_223 = arith.constant 0 : i32
        %dma_start3A_224 = tpu.memref_slice %arg9[%run_scoped3A, %dma_start3A_222, %dma_start3A_223] : memref<2x80x128xf32, #tpu.memory_space<vmem>> -> memref<1x80x128xf32, #tpu.memory_space<vmem>>
        %dma_start3A_225 = tpu.memref_squeeze %dma_start3A_224 : memref<1x80x128xf32, #tpu.memory_space<vmem>> -> memref<80x128xf32, #tpu.memory_space<vmem>>
        %dma_start3A_226 = arith.constant 0 : i32
        %dma_start3A_227 = tpu.memref_slice %arg11[%mul3A_219, %dma_start3A_226] : memref<10000x128xf32, #tpu.memory_space<vmem_shared>> -> memref<80x128xf32, #tpu.memory_space<vmem_shared>>
        %dma_start3A_228 = arith.constant 0 : i32
        %dma_start3A_229 = arith.constant 0 : i32
        %dma_start3A_230 = tpu.memref_slice %arg9[%run_scoped3A, %dma_start3A_228, %dma_start3A_229] : memref<2x80x128xf32, #tpu.memory_space<vmem>> -> memref<1x80x128xf32, #tpu.memory_space<vmem>>
        %dma_start3A_231 = tpu.memref_squeeze %dma_start3A_230 : memref<1x80x128xf32, #tpu.memory_space<vmem>> -> memref<80x128xf32, #tpu.memory_space<vmem>>
        %dma_start3A_232 = arith.constant 0 : i32
        %dma_start3A_233 = tpu.memref_slice %arg11[%mul3A_219, %dma_start3A_232] : memref<10000x128xf32, #tpu.memory_space<vmem_shared>> -> memref<80x128xf32, #tpu.memory_space<vmem_shared>>
        tpu.enqueue_dma source(%dma_start3A_233 : memref<80x128xf32, #tpu.memory_space<vmem_shared>>) target(%dma_start3A_231 : memref<80x128xf32, #tpu.memory_space<vmem>>) target_semaphore(%run_scoped3A_221 : memref<!tpu.dma_semaphore, #tpu.memory_space<semaphore_mem>>)
        %dma_wait3A_234 = arith.constant 0 : i32
        %dma_wait3A_235 = arith.constant 0 : i32
        %dma_wait3A_236 = tpu.memref_slice %arg9[%run_scoped3A, %dma_wait3A_234, %dma_wait3A_235] : memref<2x80x128xf32, #tpu.memory_space<vmem>> -> memref<1x80x128xf32, #tpu.memory_space<vmem>>
        %dma_wait3A_237 = tpu.memref_squeeze %dma_wait3A_236 : memref<1x80x128xf32, #tpu.memory_space<vmem>> -> memref<80x128xf32, #tpu.memory_space<vmem>>
        %dma_wait3A_238 = arith.constant 0 : i32
        %dma_wait3A_239 = tpu.memref_slice %arg11[%mul3A_219, %dma_wait3A_238] : memref<10000x128xf32, #tpu.memory_space<vmem_shared>> -> memref<80x128xf32, #tpu.memory_space<vmem_shared>>
        %dma_wait3A_240 = arith.constant 0 : i32
        %dma_wait3A_241 = arith.constant 0 : i32
        %dma_wait3A_242 = tpu.memref_slice %arg9[%run_scoped3A, %dma_wait3A_240, %dma_wait3A_241] : memref<2x80x128xf32, #tpu.memory_space<vmem>> -> memref<1x80x128xf32, #tpu.memory_space<vmem>>
        %dma_wait3A_243 = tpu.memref_squeeze %dma_wait3A_242 : memref<1x80x128xf32, #tpu.memory_space<vmem>> -> memref<80x128xf32, #tpu.memory_space<vmem>>
        %dma_wait3A_244 = arith.constant 0 : i32
        %dma_wait3A_245 = tpu.memref_slice %arg11[%mul3A_219, %dma_wait3A_244] : memref<10000x128xf32, #tpu.memory_space<vmem_shared>> -> memref<80x128xf32, #tpu.memory_space<vmem_shared>>
        tpu.wait_dma2 semaphore(%run_scoped3A_221 : memref<!tpu.dma_semaphore, #tpu.memory_space<semaphore_mem>>) src(%dma_wait3A_245 : memref<80x128xf32, #tpu.memory_space<vmem_shared>>) dst(%dma_wait3A_243 : memref<80x128xf32, #tpu.memory_space<vmem>>)
        tpu.yield
      }) : () -> ()
      %run_scoped3A_220 = arith.constant 0 : i32
      "tpu.region"() ({
        %run_scoped3A_221 = tpu.sem_alloc : memref<!tpu.dma_semaphore, #tpu.memory_space<semaphore_mem>>
        %dma_start3A_222 = arith.constant 0 : i32
        %dma_start3A_223 = arith.constant 0 : i32
        %dma_start3A_224 = tpu.memref_slice %arg9[%run_scoped3A_220, %dma_start3A_222, %dma_start3A_223] : memref<2x80x128xf32, #tpu.memory_space<vmem>> -> memref<1x80x128xf32, #tpu.memory_space<vmem>>
        %dma_start3A_225 = tpu.memref_squeeze %dma_start3A_224 : memref<1x80x128xf32, #tpu.memory_space<vmem>> -> memref<80x128xf32, #tpu.memory_space<vmem>>
        %dma_start3A_226 = arith.constant 0 : i32
        %dma_start3A_227 = tpu.memref_slice %arg6[%arg0, %mul3A_219, %dma_start3A_226] : memref<2x10000x128xf32, #tpu.memory_space<hbm>> -> memref<1x80x128xf32, #tpu.memory_space<hbm>>
        %dma_start3A_228 = tpu.memref_squeeze %dma_start3A_227 : memref<1x80x128xf32, #tpu.memory_space<hbm>> -> memref<80x128xf32, #tpu.memory_space<hbm>>
        %dma_start3A_229 = arith.constant 0 : i32
        %dma_start3A_230 = tpu.memref_slice %arg6[%arg0, %mul3A_219, %dma_start3A_229] : memref<2x10000x128xf32, #tpu.memory_space<hbm>> -> memref<1x80x128xf32, #tpu.memory_space<hbm>>
        %dma_start3A_231 = tpu.memref_squeeze %dma_start3A_230 : memref<1x80x128xf32, #tpu.memory_space<hbm>> -> memref<80x128xf32, #tpu.memory_space<hbm>>
        %dma_start3A_232 = arith.constant 0 : i32
        %dma_start3A_233 = arith.constant 0 : i32
        %dma_start3A_234 = tpu.memref_slice %arg9[%run_scoped3A_220, %dma_start3A_232, %dma_start3A_233] : memref<2x80x128xf32, #tpu.memory_space<vmem>> -> memref<1x80x128xf32, #tpu.memory_space<vmem>>
        %dma_start3A_235 = tpu.memref_squeeze %dma_start3A_234 : memref<1x80x128xf32, #tpu.memory_space<vmem>> -> memref<80x128xf32, #tpu.memory_space<vmem>>
        tpu.enqueue_dma source(%dma_start3A_235 : memref<80x128xf32, #tpu.memory_space<vmem>>) target(%dma_start3A_231 : memref<80x128xf32, #tpu.memory_space<hbm>>) target_semaphore(%run_scoped3A_221 : memref<!tpu.dma_semaphore, #tpu.memory_space<semaphore_mem>>)
        %dma_wait3A_236 = arith.constant 0 : i32
        %dma_wait3A_237 = arith.constant 0 : i32
        %dma_wait3A_238 = tpu.memref_slice %arg9[%run_scoped3A_220, %dma_wait3A_236, %dma_wait3A_237] : memref<2x80x128xf32, #tpu.memory_space<vmem>> -> memref<1x80x128xf32, #tpu.memory_space<vmem>>
        %dma_wait3A_239 = tpu.memref_squeeze %dma_wait3A_238 : memref<1x80x128xf32, #tpu.memory_space<vmem>> -> memref<80x128xf32, #tpu.memory_space<vmem>>
        %dma_wait3A_240 = arith.constant 0 : i32
        %dma_wait3A_241 = tpu.memref_slice %arg6[%arg0, %mul3A_219, %dma_wait3A_240] : memref<2x10000x128xf32, #tpu.memory_space<hbm>> -> memref<1x80x128xf32, #tpu.memory_space<hbm>>
        %dma_wait3A_242 = tpu.memref_squeeze %dma_wait3A_241 : memref<1x80x128xf32, #tpu.memory_space<hbm>> -> memref<80x128xf32, #tpu.memory_space<hbm>>
        %dma_wait3A_243 = arith.constant 0 : i32
        %dma_wait3A_244 = tpu.memref_slice %arg6[%arg0, %mul3A_219, %dma_wait3A_243] : memref<2x10000x128xf32, #tpu.memory_space<hbm>> -> memref<1x80x128xf32, #tpu.memory_space<hbm>>
        %dma_wait3A_245 = tpu.memref_squeeze %dma_wait3A_244 : memref<1x80x128xf32, #tpu.memory_space<hbm>> -> memref<80x128xf32, #tpu.memory_space<hbm>>
        %dma_wait3A_246 = arith.constant 0 : i32
        %dma_wait3A_247 = arith.constant 0 : i32
        %dma_wait3A_248 = tpu.memref_slice %arg9[%run_scoped3A_220, %dma_wait3A_246, %dma_wait3A_247] : memref<2x80x128xf32, #tpu.memory_space<vmem>> -> memref<1x80x128xf32, #tpu.memory_space<vmem>>
        %dma_wait3A_249 = tpu.memref_squeeze %dma_wait3A_248 : memref<1x80x128xf32, #tpu.memory_space<vmem>> -> memref<80x128xf32, #tpu.memory_space<vmem>>
        tpu.wait_dma2 semaphore(%run_scoped3A_221 : memref<!tpu.dma_semaphore, #tpu.memory_space<semaphore_mem>>) src(%dma_wait3A_249 : memref<80x128xf32, #tpu.memory_space<vmem>>) dst(%dma_wait3A_245 : memref<80x128xf32, #tpu.memory_space<hbm>>)
        tpu.yield
      }) : () -> ()
    } else {
    }
    %add3A_211 = arith.constant 112 : i32
    %add3A_212 = arith.addi %arg1, %add3A_211 : i32
    %lt3A_213 = arith.constant 125 : i32
    %lt3A_214 = arith.cmpi slt, %add3A_212, %lt3A_213 : i32
    %convert_element_type3A_215 = arith.extui %lt3A_214 : i1 to i32
    %cond3A_216 = arith.constant 0 : i32
    %cond3A_217 = arith.cmpi ne, %convert_element_type3A_215, %cond3A_216 : i32
    scf.if %cond3A_217 {
      %mul3A_218 = arith.constant 80 : i32
      %mul3A_219 = arith.muli %add3A_212, %mul3A_218 : i32
      %run_scoped3A = arith.constant 0 : i32
      "tpu.region"() ({
        %run_scoped3A_221 = tpu.sem_alloc : memref<!tpu.dma_semaphore, #tpu.memory_space<semaphore_mem>>
        %dma_start3A_222 = arith.constant 0 : i32
        %dma_start3A_223 = arith.constant 0 : i32
        %dma_start3A_224 = tpu.memref_slice %arg9[%run_scoped3A, %dma_start3A_222, %dma_start3A_223] : memref<2x80x128xf32, #tpu.memory_space<vmem>> -> memref<1x80x128xf32, #tpu.memory_space<vmem>>
        %dma_start3A_225 = tpu.memref_squeeze %dma_start3A_224 : memref<1x80x128xf32, #tpu.memory_space<vmem>> -> memref<80x128xf32, #tpu.memory_space<vmem>>
        %dma_start3A_226 = arith.constant 0 : i32
        %dma_start3A_227 = tpu.memref_slice %arg11[%mul3A_219, %dma_start3A_226] : memref<10000x128xf32, #tpu.memory_space<vmem_shared>> -> memref<80x128xf32, #tpu.memory_space<vmem_shared>>
        %dma_start3A_228 = arith.constant 0 : i32
        %dma_start3A_229 = arith.constant 0 : i32
        %dma_start3A_230 = tpu.memref_slice %arg9[%run_scoped3A, %dma_start3A_228, %dma_start3A_229] : memref<2x80x128xf32, #tpu.memory_space<vmem>> -> memref<1x80x128xf32, #tpu.memory_space<vmem>>
        %dma_start3A_231 = tpu.memref_squeeze %dma_start3A_230 : memref<1x80x128xf32, #tpu.memory_space<vmem>> -> memref<80x128xf32, #tpu.memory_space<vmem>>
        %dma_start3A_232 = arith.constant 0 : i32
        %dma_start3A_233 = tpu.memref_slice %arg11[%mul3A_219, %dma_start3A_232] : memref<10000x128xf32, #tpu.memory_space<vmem_shared>> -> memref<80x128xf32, #tpu.memory_space<vmem_shared>>
        tpu.enqueue_dma source(%dma_start3A_233 : memref<80x128xf32, #tpu.memory_space<vmem_shared>>) target(%dma_start3A_231 : memref<80x128xf32, #tpu.memory_space<vmem>>) target_semaphore(%run_scoped3A_221 : memref<!tpu.dma_semaphore, #tpu.memory_space<semaphore_mem>>)
        %dma_wait3A_234 = arith.constant 0 : i32
        %dma_wait3A_235 = arith.constant 0 : i32
        %dma_wait3A_236 = tpu.memref_slice %arg9[%run_scoped3A, %dma_wait3A_234, %dma_wait3A_235] : memref<2x80x128xf32, #tpu.memory_space<vmem>> -> memref<1x80x128xf32, #tpu.memory_space<vmem>>
        %dma_wait3A_237 = tpu.memref_squeeze %dma_wait3A_236 : memref<1x80x128xf32, #tpu.memory_space<vmem>> -> memref<80x128xf32, #tpu.memory_space<vmem>>
        %dma_wait3A_238 = arith.constant 0 : i32
        %dma_wait3A_239 = tpu.memref_slice %arg11[%mul3A_219, %dma_wait3A_238] : memref<10000x128xf32, #tpu.memory_space<vmem_shared>> -> memref<80x128xf32, #tpu.memory_space<vmem_shared>>
        %dma_wait3A_240 = arith.constant 0 : i32
        %dma_wait3A_241 = arith.constant 0 : i32
        %dma_wait3A_242 = tpu.memref_slice %arg9[%run_scoped3A, %dma_wait3A_240, %dma_wait3A_241] : memref<2x80x128xf32, #tpu.memory_space<vmem>> -> memref<1x80x128xf32, #tpu.memory_space<vmem>>
        %dma_wait3A_243 = tpu.memref_squeeze %dma_wait3A_242 : memref<1x80x128xf32, #tpu.memory_space<vmem>> -> memref<80x128xf32, #tpu.memory_space<vmem>>
        %dma_wait3A_244 = arith.constant 0 : i32
        %dma_wait3A_245 = tpu.memref_slice %arg11[%mul3A_219, %dma_wait3A_244] : memref<10000x128xf32, #tpu.memory_space<vmem_shared>> -> memref<80x128xf32, #tpu.memory_space<vmem_shared>>
        tpu.wait_dma2 semaphore(%run_scoped3A_221 : memref<!tpu.dma_semaphore, #tpu.memory_space<semaphore_mem>>) src(%dma_wait3A_245 : memref<80x128xf32, #tpu.memory_space<vmem_shared>>) dst(%dma_wait3A_243 : memref<80x128xf32, #tpu.memory_space<vmem>>)
        tpu.yield
      }) : () -> ()
      %run_scoped3A_220 = arith.constant 0 : i32
      "tpu.region"() ({
        %run_scoped3A_221 = tpu.sem_alloc : memref<!tpu.dma_semaphore, #tpu.memory_space<semaphore_mem>>
        %dma_start3A_222 = arith.constant 0 : i32
        %dma_start3A_223 = arith.constant 0 : i32
        %dma_start3A_224 = tpu.memref_slice %arg9[%run_scoped3A_220, %dma_start3A_222, %dma_start3A_223] : memref<2x80x128xf32, #tpu.memory_space<vmem>> -> memref<1x80x128xf32, #tpu.memory_space<vmem>>
        %dma_start3A_225 = tpu.memref_squeeze %dma_start3A_224 : memref<1x80x128xf32, #tpu.memory_space<vmem>> -> memref<80x128xf32, #tpu.memory_space<vmem>>
        %dma_start3A_226 = arith.constant 0 : i32
        %dma_start3A_227 = tpu.memref_slice %arg6[%arg0, %mul3A_219, %dma_start3A_226] : memref<2x10000x128xf32, #tpu.memory_space<hbm>> -> memref<1x80x128xf32, #tpu.memory_space<hbm>>
        %dma_start3A_228 = tpu.memref_squeeze %dma_start3A_227 : memref<1x80x128xf32, #tpu.memory_space<hbm>> -> memref<80x128xf32, #tpu.memory_space<hbm>>
        %dma_start3A_229 = arith.constant 0 : i32
        %dma_start3A_230 = tpu.memref_slice %arg6[%arg0, %mul3A_219, %dma_start3A_229] : memref<2x10000x128xf32, #tpu.memory_space<hbm>> -> memref<1x80x128xf32, #tpu.memory_space<hbm>>
        %dma_start3A_231 = tpu.memref_squeeze %dma_start3A_230 : memref<1x80x128xf32, #tpu.memory_space<hbm>> -> memref<80x128xf32, #tpu.memory_space<hbm>>
        %dma_start3A_232 = arith.constant 0 : i32
        %dma_start3A_233 = arith.constant 0 : i32
        %dma_start3A_234 = tpu.memref_slice %arg9[%run_scoped3A_220, %dma_start3A_232, %dma_start3A_233] : memref<2x80x128xf32, #tpu.memory_space<vmem>> -> memref<1x80x128xf32, #tpu.memory_space<vmem>>
        %dma_start3A_235 = tpu.memref_squeeze %dma_start3A_234 : memref<1x80x128xf32, #tpu.memory_space<vmem>> -> memref<80x128xf32, #tpu.memory_space<vmem>>
        tpu.enqueue_dma source(%dma_start3A_235 : memref<80x128xf32, #tpu.memory_space<vmem>>) target(%dma_start3A_231 : memref<80x128xf32, #tpu.memory_space<hbm>>) target_semaphore(%run_scoped3A_221 : memref<!tpu.dma_semaphore, #tpu.memory_space<semaphore_mem>>)
        %dma_wait3A_236 = arith.constant 0 : i32
        %dma_wait3A_237 = arith.constant 0 : i32
        %dma_wait3A_238 = tpu.memref_slice %arg9[%run_scoped3A_220, %dma_wait3A_236, %dma_wait3A_237] : memref<2x80x128xf32, #tpu.memory_space<vmem>> -> memref<1x80x128xf32, #tpu.memory_space<vmem>>
        %dma_wait3A_239 = tpu.memref_squeeze %dma_wait3A_238 : memref<1x80x128xf32, #tpu.memory_space<vmem>> -> memref<80x128xf32, #tpu.memory_space<vmem>>
        %dma_wait3A_240 = arith.constant 0 : i32
        %dma_wait3A_241 = tpu.memref_slice %arg6[%arg0, %mul3A_219, %dma_wait3A_240] : memref<2x10000x128xf32, #tpu.memory_space<hbm>> -> memref<1x80x128xf32, #tpu.memory_space<hbm>>
        %dma_wait3A_242 = tpu.memref_squeeze %dma_wait3A_241 : memref<1x80x128xf32, #tpu.memory_space<hbm>> -> memref<80x128xf32, #tpu.memory_space<hbm>>
        %dma_wait3A_243 = arith.constant 0 : i32
        %dma_wait3A_244 = tpu.memref_slice %arg6[%arg0, %mul3A_219, %dma_wait3A_243] : memref<2x10000x128xf32, #tpu.memory_space<hbm>> -> memref<1x80x128xf32, #tpu.memory_space<hbm>>
        %dma_wait3A_245 = tpu.memref_squeeze %dma_wait3A_244 : memref<1x80x128xf32, #tpu.memory_space<hbm>> -> memref<80x128xf32, #tpu.memory_space<hbm>>
        %dma_wait3A_246 = arith.constant 0 : i32
        %dma_wait3A_247 = arith.constant 0 : i32
        %dma_wait3A_248 = tpu.memref_slice %arg9[%run_scoped3A_220, %dma_wait3A_246, %dma_wait3A_247] : memref<2x80x128xf32, #tpu.memory_space<vmem>> -> memref<1x80x128xf32, #tpu.memory_space<vmem>>
        %dma_wait3A_249 = tpu.memref_squeeze %dma_wait3A_248 : memref<1x80x128xf32, #tpu.memory_space<vmem>> -> memref<80x128xf32, #tpu.memory_space<vmem>>
        tpu.wait_dma2 semaphore(%run_scoped3A_221 : memref<!tpu.dma_semaphore, #tpu.memory_space<semaphore_mem>>) src(%dma_wait3A_249 : memref<80x128xf32, #tpu.memory_space<vmem>>) dst(%dma_wait3A_245 : memref<80x128xf32, #tpu.memory_space<hbm>>)
        tpu.yield
      }) : () -> ()
    } else {
    }
    return
  }
}

module attributes {stable_mosaic.version = 14 : i64} {
  func.func @_emb_body(%arg0: i32, %arg1: memref<1000x128xf32, #tpu.memory_space<vmem>>, %arg2: memref<2x2x128x128xf32, #tpu.memory_space<vmem>>, %arg3: memref<2x2x128xf32, #tpu.memory_space<vmem>>, %arg4: memref<1000x128xf32, #tpu.memory_space<vmem>>, %arg5: memref<1000x128xf32, #tpu.memory_space<vmem>>) attributes {dimension_semantics = [#tpu.dimension_semantics<arbitrary>], iteration_bounds = array<i64: 10>, scalar_prefetch = 0 : i64, scratch_operands = 0 : i64, tpu.core_type = #tpu.core_type<tc>, window_params = [{transform_indices = @transform_0, window_bounds = array<i64: 1000, 128>}, {pipeline_mode = #tpu.pipeline_mode<synchronous>, transform_indices = @transform_1, window_bounds = array<i64: 2, 2, 128, 128>}, {pipeline_mode = #tpu.pipeline_mode<synchronous>, transform_indices = @transform_2, window_bounds = array<i64: 2, 2, 128>}, {transform_indices = @transform_3, window_bounds = array<i64: 1000, 128>}, {transform_indices = @transform_4, window_bounds = array<i64: 1000, 128>}]} {
    %get3A = arith.constant 0 : index
    %get3A_0 = arith.constant 0 : index
    %get3A_1 = vector.load %arg1[%get3A, %get3A_0] : memref<1000x128xf32, #tpu.memory_space<vmem>>, vector<1000x128xf32>
    %get3A_2 = arith.constant 0 : index
    %get3A_3 = arith.constant 0 : index
    %get3A_4 = arith.constant 0 : index
    %get3A_5 = arith.constant 0 : index
    %get3A_6 = vector.load %arg2[%get3A_2, %get3A_3, %get3A_4, %get3A_5] : memref<2x2x128x128xf32, #tpu.memory_space<vmem>>, vector<1x1x128x128xf32>
    %get3A_7 = vector.shape_cast %get3A_6 : vector<1x1x128x128xf32> to vector<128x128xf32>
    %get3A_8 = arith.constant 0 : index
    %get3A_9 = arith.constant 0 : index
    %get3A_10 = arith.constant 0 : index
    %get3A_11 = vector.load %arg3[%get3A_8, %get3A_9, %get3A_10] : memref<2x2x128xf32, #tpu.memory_space<vmem>>, vector<1x1x128xf32>
    %get3A_12 = vector.shape_cast %get3A_11 : vector<1x1x128xf32> to vector<128xf32>
    %dot_general3A = arith.constant dense<0.000000e+00> : vector<1000x128xf32>
    %dot_general3A_13 = tpu.matmul %get3A_1, %get3A_7, %dot_general3A {dimension_numbers = #tpu.dot_dimension_numbers<[1], [0], [0], [1], [0, 0, 1, 1], [], []>, transpose_lhs_hint = false} : vector<1000x128xf32>, vector<128x128xf32>, vector<1000x128xf32> -> vector<1000x128xf32>
    %broadcast_in_dim3A = vector.shape_cast %get3A_12 : vector<128xf32> to vector<1x128xf32>
    %add3A = vector.broadcast %broadcast_in_dim3A : vector<1x128xf32> to vector<1000x128xf32>
    %add3A_14 = arith.addf %dot_general3A_13, %add3A : vector<1000x128xf32>
    %logistic3A = arith.negf %add3A_14 : vector<1000x128xf32>
    %logistic3A_15 = math.exp %logistic3A : vector<1000x128xf32>
    %logistic3A_16 = arith.constant 1.000000e+00 : f32
    %logistic3A_17 = vector.broadcast %logistic3A_16 : f32 to vector<1000x128xf32>
    %logistic3A_18 = arith.addf %logistic3A_17, %logistic3A_15 : vector<1000x128xf32>
    %logistic3A_19 = arith.divf %logistic3A_17, %logistic3A_18 : vector<1000x128xf32>
    %mul3A = arith.mulf %add3A_14, %logistic3A_19 : vector<1000x128xf32>
    %get3A_20 = arith.constant 0 : index
    %get3A_21 = arith.constant 1 : index
    %get3A_22 = arith.constant 0 : index
    %get3A_23 = arith.constant 0 : index
    %get3A_24 = vector.load %arg2[%get3A_20, %get3A_21, %get3A_22, %get3A_23] : memref<2x2x128x128xf32, #tpu.memory_space<vmem>>, vector<1x1x128x128xf32>
    %get3A_25 = vector.shape_cast %get3A_24 : vector<1x1x128x128xf32> to vector<128x128xf32>
    %get3A_26 = arith.constant 0 : index
    %get3A_27 = arith.constant 1 : index
    %get3A_28 = arith.constant 0 : index
    %get3A_29 = vector.load %arg3[%get3A_26, %get3A_27, %get3A_28] : memref<2x2x128xf32, #tpu.memory_space<vmem>>, vector<1x1x128xf32>
    %get3A_30 = vector.shape_cast %get3A_29 : vector<1x1x128xf32> to vector<128xf32>
    %dot_general3A_31 = arith.constant dense<0.000000e+00> : vector<1000x128xf32>
    %dot_general3A_32 = tpu.matmul %mul3A, %get3A_25, %dot_general3A_31 {dimension_numbers = #tpu.dot_dimension_numbers<[1], [0], [0], [1], [0, 0, 1, 1], [], []>, transpose_lhs_hint = false} : vector<1000x128xf32>, vector<128x128xf32>, vector<1000x128xf32> -> vector<1000x128xf32>
    %broadcast_in_dim3A_33 = vector.shape_cast %get3A_30 : vector<128xf32> to vector<1x128xf32>
    %add3A_34 = vector.broadcast %broadcast_in_dim3A_33 : vector<1x128xf32> to vector<1000x128xf32>
    %add3A_35 = arith.addf %dot_general3A_32, %add3A_34 : vector<1000x128xf32>
    %logistic3A_36 = arith.negf %add3A_35 : vector<1000x128xf32>
    %logistic3A_37 = math.exp %logistic3A_36 : vector<1000x128xf32>
    %logistic3A_38 = arith.constant 1.000000e+00 : f32
    %logistic3A_39 = vector.broadcast %logistic3A_38 : f32 to vector<1000x128xf32>
    %logistic3A_40 = arith.addf %logistic3A_39, %logistic3A_37 : vector<1000x128xf32>
    %logistic3A_41 = arith.divf %logistic3A_39, %logistic3A_40 : vector<1000x128xf32>
    %mul3A_42 = arith.mulf %add3A_35, %logistic3A_41 : vector<1000x128xf32>
    %swap3A = arith.constant 0 : index
    %swap3A_43 = arith.constant 0 : index
    %swap3A_44 = vector.load %arg4[%swap3A, %swap3A_43] : memref<1000x128xf32, #tpu.memory_space<vmem>>, vector<1000x128xf32>
    tpu.vector_store %arg4[%swap3A, %swap3A_43], %mul3A_42 {strides = array<i32>} : memref<1000x128xf32, #tpu.memory_space<vmem>>, vector<1000x128xf32>,
    %get3A_45 = arith.constant 1 : index
    %get3A_46 = arith.constant 0 : index
    %get3A_47 = arith.constant 0 : index
    %get3A_48 = arith.constant 0 : index
    %get3A_49 = vector.load %arg2[%get3A_45, %get3A_46, %get3A_47, %get3A_48] : memref<2x2x128x128xf32, #tpu.memory_space<vmem>>, vector<1x1x128x128xf32>
    %get3A_50 = vector.shape_cast %get3A_49 : vector<1x1x128x128xf32> to vector<128x128xf32>
    %get3A_51 = arith.constant 1 : index
    %get3A_52 = arith.constant 0 : index
    %get3A_53 = arith.constant 0 : index
    %get3A_54 = vector.load %arg3[%get3A_51, %get3A_52, %get3A_53] : memref<2x2x128xf32, #tpu.memory_space<vmem>>, vector<1x1x128xf32>
    %get3A_55 = vector.shape_cast %get3A_54 : vector<1x1x128xf32> to vector<128xf32>
    %dot_general3A_56 = arith.constant dense<0.000000e+00> : vector<1000x128xf32>
    %dot_general3A_57 = tpu.matmul %get3A_1, %get3A_50, %dot_general3A_56 {dimension_numbers = #tpu.dot_dimension_numbers<[1], [0], [0], [1], [0, 0, 1, 1], [], []>, transpose_lhs_hint = false} : vector<1000x128xf32>, vector<128x128xf32>, vector<1000x128xf32> -> vector<1000x128xf32>
    %broadcast_in_dim3A_58 = vector.shape_cast %get3A_55 : vector<128xf32> to vector<1x128xf32>
    %add3A_59 = vector.broadcast %broadcast_in_dim3A_58 : vector<1x128xf32> to vector<1000x128xf32>
    %add3A_60 = arith.addf %dot_general3A_57, %add3A_59 : vector<1000x128xf32>
    %logistic3A_61 = arith.negf %add3A_60 : vector<1000x128xf32>
    %logistic3A_62 = math.exp %logistic3A_61 : vector<1000x128xf32>
    %logistic3A_63 = arith.constant 1.000000e+00 : f32
    %logistic3A_64 = vector.broadcast %logistic3A_63 : f32 to vector<1000x128xf32>
    %logistic3A_65 = arith.addf %logistic3A_64, %logistic3A_62 : vector<1000x128xf32>
    %logistic3A_66 = arith.divf %logistic3A_64, %logistic3A_65 : vector<1000x128xf32>
    %mul3A_67 = arith.mulf %add3A_60, %logistic3A_66 : vector<1000x128xf32>
    %get3A_68 = arith.constant 1 : index
    %get3A_69 = arith.constant 1 : index
    %get3A_70 = arith.constant 0 : index
    %get3A_71 = arith.constant 0 : index
    %get3A_72 = vector.load %arg2[%get3A_68, %get3A_69, %get3A_70, %get3A_71] : memref<2x2x128x128xf32, #tpu.memory_space<vmem>>, vector<1x1x128x128xf32>
    %get3A_73 = vector.shape_cast %get3A_72 : vector<1x1x128x128xf32> to vector<128x128xf32>
    %get3A_74 = arith.constant 1 : index
    %get3A_75 = arith.constant 1 : index
    %get3A_76 = arith.constant 0 : index
    %get3A_77 = vector.load %arg3[%get3A_74, %get3A_75, %get3A_76] : memref<2x2x128xf32, #tpu.memory_space<vmem>>, vector<1x1x128xf32>
    %get3A_78 = vector.shape_cast %get3A_77 : vector<1x1x128xf32> to vector<128xf32>
    %dot_general3A_79 = arith.constant dense<0.000000e+00> : vector<1000x128xf32>
    %dot_general3A_80 = tpu.matmul %mul3A_67, %get3A_73, %dot_general3A_79 {dimension_numbers = #tpu.dot_dimension_numbers<[1], [0], [0], [1], [0, 0, 1, 1], [], []>, transpose_lhs_hint = false} : vector<1000x128xf32>, vector<128x128xf32>, vector<1000x128xf32> -> vector<1000x128xf32>
    %broadcast_in_dim3A_81 = vector.shape_cast %get3A_78 : vector<128xf32> to vector<1x128xf32>
    %add3A_82 = vector.broadcast %broadcast_in_dim3A_81 : vector<1x128xf32> to vector<1000x128xf32>
    %add3A_83 = arith.addf %dot_general3A_80, %add3A_82 : vector<1000x128xf32>
    %logistic3A_84 = arith.negf %add3A_83 : vector<1000x128xf32>
    %logistic3A_85 = math.exp %logistic3A_84 : vector<1000x128xf32>
    %logistic3A_86 = arith.constant 1.000000e+00 : f32
    %logistic3A_87 = vector.broadcast %logistic3A_86 : f32 to vector<1000x128xf32>
    %logistic3A_88 = arith.addf %logistic3A_87, %logistic3A_85 : vector<1000x128xf32>
    %logistic3A_89 = arith.divf %logistic3A_87, %logistic3A_88 : vector<1000x128xf32>
    %mul3A_90 = arith.mulf %add3A_83, %logistic3A_89 : vector<1000x128xf32>
    %swap3A_91 = arith.constant 0 : index
    %swap3A_92 = arith.constant 0 : index
    %swap3A_93 = vector.load %arg5[%swap3A_91, %swap3A_92] : memref<1000x128xf32, #tpu.memory_space<vmem>>, vector<1000x128xf32>
    tpu.vector_store %arg5[%swap3A_91, %swap3A_92], %mul3A_90 {strides = array<i32>} : memref<1000x128xf32, #tpu.memory_space<vmem>>, vector<1000x128xf32>,
    return
  }
  func.func @transform_0(%arg0: i32) -> (i32, i32) {
    %c0_i32 = arith.constant 0 : i32
    %c0_i32_0 = arith.constant 0 : i32
    return %arg0, %c0_i32 : i32, i32
  }
  func.func @transform_1(%arg0: i32) -> (i32, i32, i32, i32) {
    %c0_i32 = arith.constant 0 : i32
    %c0_i32_0 = arith.constant 0 : i32
    %c0_i32_1 = arith.constant 0 : i32
    %c0_i32_2 = arith.constant 0 : i32
    %c0_i32_3 = arith.constant 0 : i32
    return %c0_i32, %c0_i32_0, %c0_i32_1, %c0_i32_2 : i32, i32, i32, i32
  }
  func.func @transform_2(%arg0: i32) -> (i32, i32, i32) {
    %c0_i32 = arith.constant 0 : i32
    %c0_i32_0 = arith.constant 0 : i32
    %c0_i32_1 = arith.constant 0 : i32
    %c0_i32_2 = arith.constant 0 : i32
    return %c0_i32, %c0_i32_0, %c0_i32_1 : i32, i32, i32
  }
  func.func @transform_3(%arg0: i32) -> (i32, i32) {
    %c0_i32 = arith.constant 0 : i32
    %c0_i32_0 = arith.constant 0 : i32
    return %arg0, %c0_i32 : i32, i32
  }
  func.func @transform_4(%arg0: i32) -> (i32, i32) {
    %c0_i32 = arith.constant 0 : i32
    %c0_i32_0 = arith.constant 0 : i32
    return %arg0, %c0_i32 : i32, i32
  }
}

module attributes {stable_mosaic.version = 14 : i64} {
  func.func @_efproj_body(%arg0: i32, %arg1: memref<8000x16xf32, #tpu.memory_space<vmem>>, %arg2: memref<16x64xf32, #tpu.memory_space<vmem>>, %arg3: memref<16x64xf32, #tpu.memory_space<vmem>>, %arg4: memref<8000x64xi32, #tpu.memory_space<vmem>>) attributes {dimension_semantics = [#tpu.dimension_semantics<arbitrary>], iteration_bounds = array<i64: 40>, scalar_prefetch = 0 : i64, scratch_operands = 0 : i64, tpu.core_type = #tpu.core_type<tc>, window_params = [{transform_indices = @transform_0, window_bounds = array<i64: 8000, 16>}, {pipeline_mode = #tpu.pipeline_mode<synchronous>, transform_indices = @transform_1, window_bounds = array<i64: 16, 64>}, {pipeline_mode = #tpu.pipeline_mode<synchronous>, transform_indices = @transform_2, window_bounds = array<i64: 16, 64>}, {transform_indices = @transform_3, window_bounds = array<i64: 8000, 64>}]} {
    %get3A = arith.constant 0 : index
    %get3A_0 = arith.constant 0 : index
    %get3A_1 = vector.load %arg1[%get3A, %get3A_0] : memref<8000x16xf32, #tpu.memory_space<vmem>>, vector<8000x16xf32>
    %get3A_2 = arith.constant 0 : index
    %get3A_3 = arith.constant 0 : index
    %get3A_4 = vector.load %arg2[%get3A_2, %get3A_3] : memref<16x64xf32, #tpu.memory_space<vmem>>, vector<16x64xf32>
    %dot_general3A = arith.constant dense<0.000000e+00> : vector<8000x64xf32>
    %dot_general3A_5 = tpu.matmul %get3A_1, %get3A_4, %dot_general3A {dimension_numbers = #tpu.dot_dimension_numbers<[1], [0], [0], [1], [0, 0, 1, 1], [], []>, transpose_lhs_hint = false} : vector<8000x16xf32>, vector<16x64xf32>, vector<8000x64xf32> -> vector<8000x64xf32>
    %get3A_6 = arith.constant 0 : index
    %get3A_7 = arith.constant 0 : index
    %get3A_8 = vector.load %arg3[%get3A_6, %get3A_7] : memref<16x64xf32, #tpu.memory_space<vmem>>, vector<16x64xf32>
    %dot_general3A_9 = arith.constant dense<0.000000e+00> : vector<8000x64xf32>
    %dot_general3A_10 = tpu.matmul %get3A_1, %get3A_8, %dot_general3A_9 {dimension_numbers = #tpu.dot_dimension_numbers<[1], [0], [0], [1], [0, 0, 1, 1], [], []>, transpose_lhs_hint = false} : vector<8000x16xf32>, vector<16x64xf32>, vector<8000x64xf32> -> vector<8000x64xf32>
    %convert_element_type3A = arith.truncf %dot_general3A_5 : vector<8000x64xf32> to vector<8000x64xbf16>
    %convert_element_type3A_11 = arith.extf %convert_element_type3A : vector<8000x64xbf16> to vector<8000x64xf32>
    %bitcast_convert_type3A = tpu.bitcast %convert_element_type3A_11 : vector<8000x64xf32> -> vector<8000x64xi32>
    %convert_element_type3A_12 = arith.truncf %dot_general3A_10 : vector<8000x64xf32> to vector<8000x64xbf16>
    %convert_element_type3A_13 = arith.extf %convert_element_type3A_12 : vector<8000x64xbf16> to vector<8000x64xf32>
    %bitcast_convert_type3A_14 = tpu.bitcast %convert_element_type3A_13 : vector<8000x64xf32> -> vector<8000x64xi32>
    %shift_right_logical3A = arith.constant 16 : i32
    %shift_right_logical3A_15 = vector.broadcast %shift_right_logical3A : i32 to vector<8000x64xi32>
    %shift_right_logical3A_16 = arith.shrui %bitcast_convert_type3A, %shift_right_logical3A_15 : vector<8000x64xi32>
    %and3A = arith.constant -65536 : i32
    %and3A_17 = vector.broadcast %and3A : i32 to vector<8000x64xi32>
    %and3A_18 = arith.andi %bitcast_convert_type3A_14, %and3A_17 : vector<8000x64xi32>
    %or3A = arith.ori %shift_right_logical3A_16, %and3A_18 : vector<8000x64xi32>
    %bitcast_convert_type3A_19 = tpu.bitcast %or3A : vector<8000x64xi32> -> vector<8000x64xi32>
    %swap3A = arith.constant 0 : index
    %swap3A_20 = arith.constant 0 : index
    %swap3A_21 = vector.load %arg4[%swap3A, %swap3A_20] : memref<8000x64xi32, #tpu.memory_space<vmem>>, vector<8000x64xi32>
    tpu.vector_store %arg4[%swap3A, %swap3A_20], %bitcast_convert_type3A_19 {strides = array<i32>} : memref<8000x64xi32, #tpu.memory_space<vmem>>, vector<8000x64xi32>,
    return
  }
  func.func @transform_0(%arg0: i32) -> (i32, i32) {
    %c0_i32 = arith.constant 0 : i32
    %c0_i32_0 = arith.constant 0 : i32
    return %arg0, %c0_i32 : i32, i32
  }
  func.func @transform_1(%arg0: i32) -> (i32, i32) {
    %c0_i32 = arith.constant 0 : i32
    %c0_i32_0 = arith.constant 0 : i32
    %c0_i32_1 = arith.constant 0 : i32
    return %c0_i32, %c0_i32_0 : i32, i32
  }
  func.func @transform_2(%arg0: i32) -> (i32, i32) {
    %c0_i32 = arith.constant 0 : i32
    %c0_i32_0 = arith.constant 0 : i32
    %c0_i32_1 = arith.constant 0 : i32
    return %c0_i32, %c0_i32_0 : i32, i32
  }
  func.func @transform_3(%arg0: i32) -> (i32, i32) {
    %c0_i32 = arith.constant 0 : i32
    %c0_i32_0 = arith.constant 0 : i32
    return %arg0, %c0_i32 : i32, i32
  }
}

module attributes {stable_mosaic.version = 14 : i64} {
  func.func @_combine_body(%arg0: i32, %arg1: memref<2x1000x128xf32, #tpu.memory_space<vmem>>, %arg2: memref<1000x128xf32, #tpu.memory_space<vmem>>, %arg3: memref<1xf32, #tpu.memory_space<smem>>, %arg4: memref<4x128x128xf32, #tpu.memory_space<vmem>>, %arg5: memref<4x128xf32, #tpu.memory_space<vmem>>, %arg6: memref<2x128x128xf32, #tpu.memory_space<vmem>>, %arg7: memref<2x128xf32, #tpu.memory_space<vmem>>, %arg8: memref<1000x128xf32, #tpu.memory_space<vmem>>) attributes {dimension_semantics = [#tpu.dimension_semantics<arbitrary>], iteration_bounds = array<i64: 10>, scalar_prefetch = 0 : i64, scratch_operands = 0 : i64, tpu.core_type = #tpu.core_type<tc>, window_params = [{transform_indices = @transform_0, window_bounds = array<i64: 2, 1000, 128>}, {transform_indices = @transform_1, window_bounds = array<i64: 1000, 128>}, {transform_indices = @transform_2, window_bounds = array<i64: 1>}, {pipeline_mode = #tpu.pipeline_mode<synchronous>, transform_indices = @transform_3, window_bounds = array<i64: 4, 128, 128>}, {pipeline_mode = #tpu.pipeline_mode<synchronous>, transform_indices = @transform_4, window_bounds = array<i64: 4, 128>}, {pipeline_mode = #tpu.pipeline_mode<synchronous>, transform_indices = @transform_5, window_bounds = array<i64: 2, 128, 128>}, {pipeline_mode = #tpu.pipeline_mode<synchronous>, transform_indices = @transform_6, window_bounds = array<i64: 2, 128>}, {transform_indices = @transform_7, window_bounds = array<i64: 1000, 128>}]} {
    %get3A = arith.constant 0 : index
    %get3A_0 = arith.constant 0 : index
    %get3A_1 = arith.constant 0 : index
    %get3A_2 = vector.load %arg1[%get3A, %get3A_0, %get3A_1] : memref<2x1000x128xf32, #tpu.memory_space<vmem>>, vector<1x1000x128xf32>
    %get3A_3 = vector.shape_cast %get3A_2 : vector<1x1000x128xf32> to vector<1000x128xf32>
    %get3A_4 = arith.constant 1 : index
    %get3A_5 = arith.constant 0 : index
    %get3A_6 = arith.constant 0 : index
    %get3A_7 = vector.load %arg1[%get3A_4, %get3A_5, %get3A_6] : memref<2x1000x128xf32, #tpu.memory_space<vmem>>, vector<1x1000x128xf32>
    %get3A_8 = vector.shape_cast %get3A_7 : vector<1x1000x128xf32> to vector<1000x128xf32>
    %add3A = arith.addf %get3A_3, %get3A_8 : vector<1000x128xf32>
    %get3A_9 = arith.constant 0 : index
    %get3A_10 = memref.load %arg3[%get3A_9] : memref<1xf32, #tpu.memory_space<smem>>
    %mul3A = vector.broadcast %get3A_10 : f32 to vector<1000x128xf32>
    %mul3A_11 = arith.mulf %add3A, %mul3A : vector<1000x128xf32>
    %get3A_12 = arith.constant 0 : index
    %get3A_13 = arith.constant 0 : index
    %get3A_14 = arith.constant 0 : index
    %get3A_15 = vector.load %arg4[%get3A_12, %get3A_13, %get3A_14] : memref<4x128x128xf32, #tpu.memory_space<vmem>>, vector<1x128x128xf32>
    %get3A_16 = vector.shape_cast %get3A_15 : vector<1x128x128xf32> to vector<128x128xf32>
    %get3A_17 = arith.constant 0 : index
    %get3A_18 = arith.constant 0 : index
    %get3A_19 = vector.load %arg5[%get3A_17, %get3A_18] : memref<4x128xf32, #tpu.memory_space<vmem>>, vector<1x128xf32>
    %get3A_20 = vector.shape_cast %get3A_19 : vector<1x128xf32> to vector<128xf32>
    %dot_general3A = arith.constant dense<0.000000e+00> : vector<1000x128xf32>
    %dot_general3A_21 = tpu.matmul %mul3A_11, %get3A_16, %dot_general3A {dimension_numbers = #tpu.dot_dimension_numbers<[1], [0], [0], [1], [0, 0, 1, 1], [], []>, transpose_lhs_hint = false} : vector<1000x128xf32>, vector<128x128xf32>, vector<1000x128xf32> -> vector<1000x128xf32>
    %broadcast_in_dim3A = vector.shape_cast %get3A_20 : vector<128xf32> to vector<1x128xf32>
    %add3A_22 = vector.broadcast %broadcast_in_dim3A : vector<1x128xf32> to vector<1000x128xf32>
    %add3A_23 = arith.addf %dot_general3A_21, %add3A_22 : vector<1000x128xf32>
    %logistic3A = arith.negf %add3A_23 : vector<1000x128xf32>
    %logistic3A_24 = math.exp %logistic3A : vector<1000x128xf32>
    %logistic3A_25 = arith.constant 1.000000e+00 : f32
    %logistic3A_26 = vector.broadcast %logistic3A_25 : f32 to vector<1000x128xf32>
    %logistic3A_27 = arith.addf %logistic3A_26, %logistic3A_24 : vector<1000x128xf32>
    %logistic3A_28 = arith.divf %logistic3A_26, %logistic3A_27 : vector<1000x128xf32>
    %mul3A_29 = arith.mulf %add3A_23, %logistic3A_28 : vector<1000x128xf32>
    %get3A_30 = arith.constant 1 : index
    %get3A_31 = arith.constant 0 : index
    %get3A_32 = arith.constant 0 : index
    %get3A_33 = vector.load %arg4[%get3A_30, %get3A_31, %get3A_32] : memref<4x128x128xf32, #tpu.memory_space<vmem>>, vector<1x128x128xf32>
    %get3A_34 = vector.shape_cast %get3A_33 : vector<1x128x128xf32> to vector<128x128xf32>
    %get3A_35 = arith.constant 1 : index
    %get3A_36 = arith.constant 0 : index
    %get3A_37 = vector.load %arg5[%get3A_35, %get3A_36] : memref<4x128xf32, #tpu.memory_space<vmem>>, vector<1x128xf32>
    %get3A_38 = vector.shape_cast %get3A_37 : vector<1x128xf32> to vector<128xf32>
    %dot_general3A_39 = arith.constant dense<0.000000e+00> : vector<1000x128xf32>
    %dot_general3A_40 = tpu.matmul %mul3A_29, %get3A_34, %dot_general3A_39 {dimension_numbers = #tpu.dot_dimension_numbers<[1], [0], [0], [1], [0, 0, 1, 1], [], []>, transpose_lhs_hint = false} : vector<1000x128xf32>, vector<128x128xf32>, vector<1000x128xf32> -> vector<1000x128xf32>
    %broadcast_in_dim3A_41 = vector.shape_cast %get3A_38 : vector<128xf32> to vector<1x128xf32>
    %add3A_42 = vector.broadcast %broadcast_in_dim3A_41 : vector<1x128xf32> to vector<1000x128xf32>
    %add3A_43 = arith.addf %dot_general3A_40, %add3A_42 : vector<1000x128xf32>
    %logistic3A_44 = arith.negf %add3A_43 : vector<1000x128xf32>
    %logistic3A_45 = math.exp %logistic3A_44 : vector<1000x128xf32>
    %logistic3A_46 = arith.constant 1.000000e+00 : f32
    %logistic3A_47 = vector.broadcast %logistic3A_46 : f32 to vector<1000x128xf32>
    %logistic3A_48 = arith.addf %logistic3A_47, %logistic3A_45 : vector<1000x128xf32>
    %logistic3A_49 = arith.divf %logistic3A_47, %logistic3A_48 : vector<1000x128xf32>
    %mul3A_50 = arith.mulf %add3A_43, %logistic3A_49 : vector<1000x128xf32>
    %add3A_51 = arith.addf %mul3A_11, %mul3A_50 : vector<1000x128xf32>
    %get3A_52 = arith.constant 2 : index
    %get3A_53 = arith.constant 0 : index
    %get3A_54 = arith.constant 0 : index
    %get3A_55 = vector.load %arg4[%get3A_52, %get3A_53, %get3A_54] : memref<4x128x128xf32, #tpu.memory_space<vmem>>, vector<1x128x128xf32>
    %get3A_56 = vector.shape_cast %get3A_55 : vector<1x128x128xf32> to vector<128x128xf32>
    %get3A_57 = arith.constant 2 : index
    %get3A_58 = arith.constant 0 : index
    %get3A_59 = vector.load %arg5[%get3A_57, %get3A_58] : memref<4x128xf32, #tpu.memory_space<vmem>>, vector<1x128xf32>
    %get3A_60 = vector.shape_cast %get3A_59 : vector<1x128xf32> to vector<128xf32>
    %dot_general3A_61 = arith.constant dense<0.000000e+00> : vector<1000x128xf32>
    %dot_general3A_62 = tpu.matmul %add3A_51, %get3A_56, %dot_general3A_61 {dimension_numbers = #tpu.dot_dimension_numbers<[1], [0], [0], [1], [0, 0, 1, 1], [], []>, transpose_lhs_hint = false} : vector<1000x128xf32>, vector<128x128xf32>, vector<1000x128xf32> -> vector<1000x128xf32>
    %broadcast_in_dim3A_63 = vector.shape_cast %get3A_60 : vector<128xf32> to vector<1x128xf32>
    %add3A_64 = vector.broadcast %broadcast_in_dim3A_63 : vector<1x128xf32> to vector<1000x128xf32>
    %add3A_65 = arith.addf %dot_general3A_62, %add3A_64 : vector<1000x128xf32>
    %logistic3A_66 = arith.negf %add3A_65 : vector<1000x128xf32>
    %logistic3A_67 = math.exp %logistic3A_66 : vector<1000x128xf32>
    %logistic3A_68 = arith.constant 1.000000e+00 : f32
    %logistic3A_69 = vector.broadcast %logistic3A_68 : f32 to vector<1000x128xf32>
    %logistic3A_70 = arith.addf %logistic3A_69, %logistic3A_67 : vector<1000x128xf32>
    %logistic3A_71 = arith.divf %logistic3A_69, %logistic3A_70 : vector<1000x128xf32>
    %mul3A_72 = arith.mulf %add3A_65, %logistic3A_71 : vector<1000x128xf32>
    %get3A_73 = arith.constant 3 : index
    %get3A_74 = arith.constant 0 : index
    %get3A_75 = arith.constant 0 : index
    %get3A_76 = vector.load %arg4[%get3A_73, %get3A_74, %get3A_75] : memref<4x128x128xf32, #tpu.memory_space<vmem>>, vector<1x128x128xf32>
    %get3A_77 = vector.shape_cast %get3A_76 : vector<1x128x128xf32> to vector<128x128xf32>
    %get3A_78 = arith.constant 3 : index
    %get3A_79 = arith.constant 0 : index
    %get3A_80 = vector.load %arg5[%get3A_78, %get3A_79] : memref<4x128xf32, #tpu.memory_space<vmem>>, vector<1x128xf32>
    %get3A_81 = vector.shape_cast %get3A_80 : vector<1x128xf32> to vector<128xf32>
    %dot_general3A_82 = arith.constant dense<0.000000e+00> : vector<1000x128xf32>
    %dot_general3A_83 = tpu.matmul %mul3A_72, %get3A_77, %dot_general3A_82 {dimension_numbers = #tpu.dot_dimension_numbers<[1], [0], [0], [1], [0, 0, 1, 1], [], []>, transpose_lhs_hint = false} : vector<1000x128xf32>, vector<128x128xf32>, vector<1000x128xf32> -> vector<1000x128xf32>
    %broadcast_in_dim3A_84 = vector.shape_cast %get3A_81 : vector<128xf32> to vector<1x128xf32>
    %add3A_85 = vector.broadcast %broadcast_in_dim3A_84 : vector<1x128xf32> to vector<1000x128xf32>
    %add3A_86 = arith.addf %dot_general3A_83, %add3A_85 : vector<1000x128xf32>
    %logistic3A_87 = arith.negf %add3A_86 : vector<1000x128xf32>
    %logistic3A_88 = math.exp %logistic3A_87 : vector<1000x128xf32>
    %logistic3A_89 = arith.constant 1.000000e+00 : f32
    %logistic3A_90 = vector.broadcast %logistic3A_89 : f32 to vector<1000x128xf32>
    %logistic3A_91 = arith.addf %logistic3A_90, %logistic3A_88 : vector<1000x128xf32>
    %logistic3A_92 = arith.divf %logistic3A_90, %logistic3A_91 : vector<1000x128xf32>
    %mul3A_93 = arith.mulf %add3A_86, %logistic3A_92 : vector<1000x128xf32>
    %add3A_94 = arith.addf %add3A_51, %mul3A_93 : vector<1000x128xf32>
    %get3A_95 = arith.constant 0 : index
    %get3A_96 = arith.constant 0 : index
    %get3A_97 = vector.load %arg2[%get3A_95, %get3A_96] : memref<1000x128xf32, #tpu.memory_space<vmem>>, vector<1000x128xf32>
    %mul3A_98 = arith.mulf %get3A_97, %add3A_94 : vector<1000x128xf32>
    %get3A_99 = arith.constant 0 : index
    %get3A_100 = arith.constant 0 : index
    %get3A_101 = arith.constant 0 : index
    %get3A_102 = vector.load %arg6[%get3A_99, %get3A_100, %get3A_101] : memref<2x128x128xf32, #tpu.memory_space<vmem>>, vector<1x128x128xf32>
    %get3A_103 = vector.shape_cast %get3A_102 : vector<1x128x128xf32> to vector<128x128xf32>
    %get3A_104 = arith.constant 0 : index
    %get3A_105 = arith.constant 0 : index
    %get3A_106 = vector.load %arg7[%get3A_104, %get3A_105] : memref<2x128xf32, #tpu.memory_space<vmem>>, vector<1x128xf32>
    %get3A_107 = vector.shape_cast %get3A_106 : vector<1x128xf32> to vector<128xf32>
    %dot_general3A_108 = arith.constant dense<0.000000e+00> : vector<1000x128xf32>
    %dot_general3A_109 = tpu.matmul %mul3A_98, %get3A_103, %dot_general3A_108 {dimension_numbers = #tpu.dot_dimension_numbers<[1], [0], [0], [1], [0, 0, 1, 1], [], []>, transpose_lhs_hint = false} : vector<1000x128xf32>, vector<128x128xf32>, vector<1000x128xf32> -> vector<1000x128xf32>
    %broadcast_in_dim3A_110 = vector.shape_cast %get3A_107 : vector<128xf32> to vector<1x128xf32>
    %add3A_111 = vector.broadcast %broadcast_in_dim3A_110 : vector<1x128xf32> to vector<1000x128xf32>
    %add3A_112 = arith.addf %dot_general3A_109, %add3A_111 : vector<1000x128xf32>
    %logistic3A_113 = arith.negf %add3A_112 : vector<1000x128xf32>
    %logistic3A_114 = math.exp %logistic3A_113 : vector<1000x128xf32>
    %logistic3A_115 = arith.constant 1.000000e+00 : f32
    %logistic3A_116 = vector.broadcast %logistic3A_115 : f32 to vector<1000x128xf32>
    %logistic3A_117 = arith.addf %logistic3A_116, %logistic3A_114 : vector<1000x128xf32>
    %logistic3A_118 = arith.divf %logistic3A_116, %logistic3A_117 : vector<1000x128xf32>
    %mul3A_119 = arith.mulf %add3A_112, %logistic3A_118 : vector<1000x128xf32>
    %get3A_120 = arith.constant 1 : index
    %get3A_121 = arith.constant 0 : index
    %get3A_122 = arith.constant 0 : index
    %get3A_123 = vector.load %arg6[%get3A_120, %get3A_121, %get3A_122] : memref<2x128x128xf32, #tpu.memory_space<vmem>>, vector<1x128x128xf32>
    %get3A_124 = vector.shape_cast %get3A_123 : vector<1x128x128xf32> to vector<128x128xf32>
    %get3A_125 = arith.constant 1 : index
    %get3A_126 = arith.constant 0 : index
    %get3A_127 = vector.load %arg7[%get3A_125, %get3A_126] : memref<2x128xf32, #tpu.memory_space<vmem>>, vector<1x128xf32>
    %get3A_128 = vector.shape_cast %get3A_127 : vector<1x128xf32> to vector<128xf32>
    %dot_general3A_129 = arith.constant dense<0.000000e+00> : vector<1000x128xf32>
    %dot_general3A_130 = tpu.matmul %mul3A_119, %get3A_124, %dot_general3A_129 {dimension_numbers = #tpu.dot_dimension_numbers<[1], [0], [0], [1], [0, 0, 1, 1], [], []>, transpose_lhs_hint = false} : vector<1000x128xf32>, vector<128x128xf32>, vector<1000x128xf32> -> vector<1000x128xf32>
    %broadcast_in_dim3A_131 = vector.shape_cast %get3A_128 : vector<128xf32> to vector<1x128xf32>
    %add3A_132 = vector.broadcast %broadcast_in_dim3A_131 : vector<1x128xf32> to vector<1000x128xf32>
    %add3A_133 = arith.addf %dot_general3A_130, %add3A_132 : vector<1000x128xf32>
    %logistic3A_134 = arith.negf %add3A_133 : vector<1000x128xf32>
    %logistic3A_135 = math.exp %logistic3A_134 : vector<1000x128xf32>
    %logistic3A_136 = arith.constant 1.000000e+00 : f32
    %logistic3A_137 = vector.broadcast %logistic3A_136 : f32 to vector<1000x128xf32>
    %logistic3A_138 = arith.addf %logistic3A_137, %logistic3A_135 : vector<1000x128xf32>
    %logistic3A_139 = arith.divf %logistic3A_137, %logistic3A_138 : vector<1000x128xf32>
    %mul3A_140 = arith.mulf %add3A_133, %logistic3A_139 : vector<1000x128xf32>
    %add3A_141 = arith.addf %mul3A_98, %mul3A_140 : vector<1000x128xf32>
    %swap3A = arith.constant 0 : index
    %swap3A_142 = arith.constant 0 : index
    %swap3A_143 = vector.load %arg8[%swap3A, %swap3A_142] : memref<1000x128xf32, #tpu.memory_space<vmem>>, vector<1000x128xf32>
    tpu.vector_store %arg8[%swap3A, %swap3A_142], %add3A_141 {strides = array<i32>} : memref<1000x128xf32, #tpu.memory_space<vmem>>, vector<1000x128xf32>,
    return
  }
  func.func @transform_0(%arg0: i32) -> (i32, i32, i32) {
    %c0_i32 = arith.constant 0 : i32
    %c0_i32_0 = arith.constant 0 : i32
    %c0_i32_1 = arith.constant 0 : i32
    return %c0_i32, %arg0, %c0_i32_0 : i32, i32, i32
  }
  func.func @transform_1(%arg0: i32) -> (i32, i32) {
    %c0_i32 = arith.constant 0 : i32
    %c0_i32_0 = arith.constant 0 : i32
    return %arg0, %c0_i32 : i32, i32
  }
  func.func @transform_2(%arg0: i32) -> i32 {
    %c0_i32 = arith.constant 0 : i32
    %c0_i32_0 = arith.constant 0 : i32
    return %c0_i32 : i32
  }
  func.func @transform_3(%arg0: i32) -> (i32, i32, i32) {
    %c0_i32 = arith.constant 0 : i32
    %c0_i32_0 = arith.constant 0 : i32
    %c0_i32_1 = arith.constant 0 : i32
    %c0_i32_2 = arith.constant 0 : i32
    return %c0_i32, %c0_i32_0, %c0_i32_1 : i32, i32, i32
  }
  func.func @transform_4(%arg0: i32) -> (i32, i32) {
    %c0_i32 = arith.constant 0 : i32
    %c0_i32_0 = arith.constant 0 : i32
    %c0_i32_1 = arith.constant 0 : i32
    return %c0_i32, %c0_i32_0 : i32, i32
  }
  func.func @transform_5(%arg0: i32) -> (i32, i32, i32) {
    %c0_i32 = arith.constant 0 : i32
    %c0_i32_0 = arith.constant 0 : i32
    %c0_i32_1 = arith.constant 0 : i32
    %c0_i32_2 = arith.constant 0 : i32
    return %c0_i32, %c0_i32_0, %c0_i32_1 : i32, i32, i32
  }
  func.func @transform_6(%arg0: i32) -> (i32, i32) {
    %c0_i32 = arith.constant 0 : i32
    %c0_i32_0 = arith.constant 0 : i32
    %c0_i32_1 = arith.constant 0 : i32
    return %c0_i32, %c0_i32_0 : i32, i32
  }
  func.func @transform_7(%arg0: i32) -> (i32, i32) {
    %c0_i32 = arith.constant 0 : i32
    %c0_i32_0 = arith.constant 0 : i32
    return %arg0, %c0_i32 : i32, i32
  }
}

</mosaic_0001>

<sc_bundles>
// kernel: kernel.6.cloned.1.call-start
scs
__scs_entry_jumppad:
0x0: {  	(pc) =	sbr.rel $0x88, $3  }
0x1: {  	(tag) =	ssettag $0x0;
	lr =	simm.s32 $0x1  }
0x2: {  	[smem:$0x3F96] =	sst lr;
	_ =	strace $0xD0000000  }
0x3: {  	_ = 	snop  }
0x4: {  	_ = 	snop  }
0x5: {  	_ = 	snop  }
0x6: {  	_ = 	snop  }
0x7: {  	_ = 	snop  }
__scs_overlays_trampoline_lowered:
0x8: {  	[smem:$0x3FA5] =	sst s0  }
0x9: {  	[smem:$0x3FA6] =	sst s1  }
0xa: {  	[smem:$0x3FA7] =	sst s2  }
0xb: {  	[smem:$0x3FA8] =	sst s3  }
0xc: {  	[smem:$0x3FA9] =	sst s4  }
0xd: {  	[smem:$0x3FAA] =	sst s5  }
0xe: {  	[smem:$0x3FAB] =	sst s6  }
0xf: {  	[smem:$0x3FAC] =	sst s7  }
0x10: {  	[smem:$0x3FAD] =	sst s8  }
0x11: {  	[smem:$0x3FAE] =	sst s9;
	s0 =	simm.s32 @!p0 $0x0  }
0x12: {  	s1 =	sld [smem:$0x3F94];
	s0 =	simm.s32 @p0 $0x1  }
0x13: {  	[smem:$0x3FAF] =	sst s0;
	s0 =	simm.s32 @!p1 $0x0  }
0x14: {  	s2 =	sld [smem:$0x3F93];
	s0 =	simm.s32 @p1 $0x1  }
0x15: {  	[smem:$0x3FB0] =	sst s0;
	s0 =	simm.s32 @!p2 $0x0  }
0x16: {  	s3 =	sld [smem:$0x3FDB];
	s0 =	simm.s32 @p2 $0x1  }
0x17: {  	s4 =	simm.s32 $0x1BF5;
	[smem:$0x3FB2] =	sst s0  }
0x18: {  	s0 =	sld [smem:$0x3F95];
	_ =	swait.ge [sflag:s4], $0x0  }
0x19: {  	s7 =	sld [smem:$0x3F96]  }
0x1a: {  	s8 =	sadd.s32 $0xFFFFE003, lr  }
0x1b: {  	s9 =	sadd.s32 $0xFFFFFEF7, lr;
	s5 =	simm.s32 $0xFFFFFFFF;
	p2 =	slt.u32 s8, $0xFFFFF086  }
0x1c: {  	p1 =	slt.u32 s9, $0xF7A;
	s5 =	simm.s32 @!p2 $0x0  }
0x1d: {  	s5 =	simm.s32 @p1 $0x1;
	p0 =	seq.s32 s7, s2  }
0x1e: {  	s7 =	smul.u32 @!p0 $0xF7A, s2;
	p2 =	seq.s32 @!p0 s5, $0x0  }
0x1f: {  	s9 =	smul.u32 $0xF7A, s1;
	s8 =	simm.s32 @!p0 $0x1BF5;
	p2 =	por !p2, p0  }
0x20: {  	[sflag:s8] =	ssyncset.s32 @!p0 $0xFFFFF086;
	s6 =	sadd.s32 @!p0 s3, s7;
	s7 =	simm.s32 @!p0 $0x108  }
0x21: {  	s3 =	sadd.s32 s3, s9;
	s6 =	sadd.s32 @!p0 $0x88, s6;
	s7 =	simm.s32 @p2 $0x1082  }
0x22: {  	[simem:s7], [sflag:s8] =	dma.local @!p0 [hbm:s6], $0xF7A  }
0x23: {  	s9 =	sor.u32 $0xD0000000, s2;
	s6 =	simm.s32 $0x108;
	_ =	swait.ge @!p0 [sflag:s8], $0x0  }
0x24: {  	s3 =	sadd.s32 $0x88, s3;
	s6 =	simm.s32 @!p1 $0x1082;
	[sflag:s4] =	ssyncset.s32 $0xFFFFF086  }
0x25: {  	[simem:s6], [sflag:s4] =	dma.local [hbm:s3], $0xF7A  }
0x26: {  	[smem:$0x3F96] =	sst s1;
	(tag) =	ssettag s2;
	_ =	strace s9  }
0x27: {  	s1 =	sld [smem:$0x3FA6]  }
0x28: {  	s2 =	sld [smem:$0x3FA7]  }
0x29: {  	s4 =	sld [smem:$0x3FA9]  }
0x2a: {  	p0 =	seq.s32 s5, $0x0;
	s5 =	sld [smem:$0x3FAA]  }
0x2b: {  	s6 =	sld [smem:$0x3FAB]  }
0x2c: {  	s7 =	sld [smem:$0x3FAC]  }
0x2d: {  	s3 =	simm.s32 $0x108;
	s8 =	sld [smem:$0x3FAD]  }
0x2e: {  	s3 =	simm.s32 @!p0 $0x1082;
	s9 =	sld [smem:$0x3FAE]  }
0x2f: {  	lr =	sadd.s32 s0, s3;
	s0 =	sld [smem:$0x3FA5]  }
0x30: {  	s3 =	sld [smem:$0x3FA8]  }
0x31: {  	[smem:$0x3FB1] =	sst s10  }
0x32: {  	s10 =	sld [smem:$0x3FAF];
	_ =	sdelay $0x3  }
0x33: {  	p0 =	seq.s32 s10, $0x1;
	s10 =	sld [smem:$0x3FB1];
	_ =	sdelay $0x3  }
0x34: {  	[smem:$0x3FB1] =	sst s10  }
0x35: {  	s10 =	sld [smem:$0x3FB0];
	_ =	sdelay $0x3  }
0x36: {  	p1 =	seq.s32 s10, $0x1;
	s10 =	sld [smem:$0x3FB1];
	_ =	sdelay $0x3  }
0x37: {  	[smem:$0x3FB1] =	sst s10  }
0x38: {  	s10 =	sld [smem:$0x3FB2]  }
0x39: {  	_ = 	snop;
	(pc) =	sbr.ind lr, $3  }
0x3a: {  	_ = 	snop  }
0x3b: {  	_ = 	snop  }
0x3c: {  	p2 =	seq.s32 s10, $0x1;
	s10 =	sld [smem:$0x3FB1]  }
0x3d: {  	_ =	shalt  }
0x3e: {  	_ =	shalt  }
0x3f: {  	_ =	shalt  }
0x40: {  	_ =	shalt  }
0x41: {  	_ =	shalt  }
0x42: {  	_ =	shalt  }
0x43: {  	_ =	shalt  }
0x44: {  	_ =	shalt  }
0x45: {  	_ =	shalt  }
0x46: {  	_ =	shalt  }
0x47: {  	_ =	shalt  }
0x48: {  	_ =	shalt  }
0x49: {  	_ =	shalt  }
0x4a: {  	_ =	shalt  }
0x4b: {  	_ =	shalt  }
0x4c: {  	_ =	shalt  }
0x4d: {  	_ =	shalt  }
0x4e: {  	_ =	shalt  }
0x4f: {  	_ =	shalt  }
0x50: {  	_ =	shalt  }
0x51: {  	_ =	shalt  }
0x52: {  	_ =	shalt  }
0x53: {  	_ =	shalt  }
0x54: {  	_ =	shalt  }
0x55: {  	_ =	shalt  }
0x56: {  	_ =	shalt  }
0x57: {  	_ =	shalt  }
0x58: {  	_ =	shalt  }
0x59: {  	_ =	shalt  }
0x5a: {  	_ =	shalt  }
0x5b: {  	_ =	shalt  }
0x5c: {  	_ =	shalt  }
0x5d: {  	_ =	shalt  }
0x5e: {  	_ =	shalt  }
0x5f: {  	_ =	shalt  }
0x60: {  	_ =	shalt  }
0x61: {  	_ =	shalt  }
0x62: {  	_ =	shalt  }
0x63: {  	_ =	shalt  }
0x64: {  	_ =	shalt  }
0x65: {  	_ =	shalt  }
0x66: {  	_ =	shalt  }
0x67: {  	_ =	shalt  }
0x68: {  	_ =	shalt  }
0x69: {  	_ =	shalt  }
0x6a: {  	_ =	shalt  }
0x6b: {  	_ =	shalt  }
0x6c: {  	_ =	shalt  }
0x6d: {  	_ =	shalt  }
0x6e: {  	_ =	shalt  }
0x6f: {  	_ =	shalt  }
0x70: {  	_ =	shalt  }
0x71: {  	_ =	shalt  }
0x72: {  	_ =	shalt  }
0x73: {  	_ =	shalt  }
0x74: {  	_ =	shalt  }
0x75: {  	_ =	shalt  }
0x76: {  	_ =	shalt  }
0x77: {  	_ =	shalt  }
0x78: {  	_ =	shalt  }
0x79: {  	_ =	shalt  }
0x7a: {  	_ =	shalt  }
0x7b: {  	_ =	shalt  }
0x7c: {  	_ =	shalt  }
0x7d: {  	_ =	shalt  }
0x7e: {  	_ =	shalt  }
0x7f: {  	_ =	shalt  }
0x80: {  	_ =	shalt  }
0x81: {  	_ =	shalt  }
0x82: {  	_ =	shalt  }
0x83: {  	_ =	shalt  }
0x84: {  	_ =	shalt  }
0x85: {  	_ =	shalt  }
0x86: {  	_ =	shalt  }
0x87: {  	_ =	shalt  }
.Lfunc_end0:
.L_simem_size_0:
called_computation_lowered:
.L_overlay_start_0:
0x88: {  	s2 =	sld [smem:$0x3FD9]  }
0x89: {  	s3 =	sld [smem:$0x3FFE];
	_ =	sdelay $0x1  }
0x8a: {  	s1 =	srdreg.scid  }
0x8b: {  	s0 =	sand.u32 $0x1, s1  }
0x8c: {  	s17 =	sshll.u32 s0, $0xA;
	s2 =	sadd.s32 s3, s2  }
0x8d: {  	s2 =	sadd.s32 s2, s17  }
0x8e: {  	[smem:$0x3FBD] =	sst s2  }
0x8f: {  	_ = 	snop  }
0x90: {  	s2 =	sld [smem:$0x3FD0];
	(tm) =	ssettm $0x1  }
0x91: {  	s18 =	sld [smem:$0x3FFB];
	_ =	sdelay $0x3  }
0x92: {  	_ =	strace s18  }
0x93: {  	s3 =	sld [smem:$0x3FFC];
	_ =	sdelay $0x3  }
0x94: {  	_ =	strace s3  }
0x95: {  	s3 =	sld [smem:$0x3FFD];
	_ =	sdelay $0x3  }
0x96: {  	_ =	strace s3  }
0x97: {  	_ =	strace $0x8FFFFFFF  }
0x98: {  	s19 =	sld [smem:$0x3FDB];
	_ =	sdelay $0x1  }
0x99: {  	s4 =	simm.s32 $_scs_section_size  }
0x9a: {  	s5 =	simm.s32 $_size__tile_overlayer_lowered;
	s6 =	simm.s32 $_tile_overlayer_lowered  }
0x9b: {  	s22 =	simm.s32 $0x1BFF;
	s21 =	sshll.u32 s6, $0x1;
	s3 =	sadd.s32 s4, s19  }
0x9c: {  	s7 =	simm.s32 $0x0;
	s20 =	sshll.u32 s5, $0x1;
	s5 =	sadd.s32 s21, s3  }
0x9d: {  	[timem:s7], [sflag:s22] =	dma.local [hbm:s5], s20  }
0x9e: {  	_ =	swait.ge [sflag:s22], s20  }
0x9f: {  	s4 =	ssub.s32 $0x0, s20;
	[sflag:s22] =	ssyncset.done $0x0  }
0xa0: {  	[sflag:s22] =	ssyncadd.s32 s4;
	_ =	sdelay $0x1  }
0xa1: {  	s23 =	simm.s32 $0x1B8B  }
0xa2: {  	_ =	swait.ge [sflag:s23], $0x1  }
0xa3: {  	[sflag:s23] =	ssyncset.done $0x0  }
0xa4: {  	s25 =	simm.s32 $0x1B8E;
	s24 =	sld [smem:$0x3FFE];
	[sflag:s23] =	ssyncadd.s32 $0xFFFFFFFF  }
0xa5: {  	s26 =	simm.s32 $execute0_lowered;
	[smem:$0x3FD2] =	sst s25  }
0xa6: {  	s5 =	sshll.u32 s26, $0x1;
	_ =	strace $0x80000046;
	[dreg:$0x1] =	wrdreg $0xFFFFFFFF  }
0xa7: {  	s28 =	simm.s32 $_size_execute0_lowered;
	s3 =	sadd.s32 s3, s5;
	[dreg:$0x0] =	wrdreg $0x0  }
0xa8: {  	s5 =	sshll.u32 s28, $0x1;
	[dreg:$0x2] =	wrdreg s3  }
0xa9: {  	[dreg:$0x3] =	wrdreg s5  }
0xaa: {  	[dreg:$0x4] =	wrdreg $0xC0  }
0xab: {  	_ =	task [dreg:s7], $0x5FFFF  }
0xac: {  	[dreg:$0x1] =	wrdreg $0xFFFFFFFF  }
0xad: {  	[dreg:$0x0] =	wrdreg $0x60  }
0xae: {  	[dreg:$0x2] =	wrdreg s2  }
0xaf: {  	[dreg:$0x3] =	wrdreg s24  }
0xb0: {  	[dreg:$0x4] =	wrdreg $0xA2000  }
0xb1: {  	[dreg:$0x5] =	wrdreg $0x9  }
0xb2: {  	_ =	task.clear_ibuf [dreg:s7], $0x6FFFF;
	_ =	strace $0x90000046  }
0xb3: {  	s29 =	simm.s32 $0x9;
	_ =	strace $0x80000048  }
0xb4: {  	_ =	swait.ge [sflag:s29], $0x1  }
0xb5: {  	[sflag:s29] =	ssyncadd.s32 $0xFFFFFFFF  }
0xb6: {  	_ =	strace $0x90000048  }
0xb7: {  	_ =	sfence  }
0xb8: {  	s30 =	sld [smem:$0x0];
	_ =	sdelay $0x2  }
0xb9: {  	s31 =	sshll.u32 s1, $0xD;
	s1 =	sshrl.u32 s1, $0x2  }
0xba: {  	s3 =	sand.u32 $0x4000, s31;
	s1 =	sadd.s32 s1, s30  }
0xbb: {  	s0 =	sor.u32 s3, s0;
	s1 =	sshll.u32 s1, $0x11  }
0xbc: {  	s0 =	sor.u32 s1, s0  }
0xbd: {  	s0 =	sadd.s32 $0x8F2B, s0  }
0xbe: {  	[sflag:s0] =	ssyncadd.remote.s32 $0x1  }
0xbf: {  	_ =	sfence.sel $0xFFFF  }
0xc0: {  	[dreg:$0x0] =	wrdreg $0xFFFFFFFF;
	(pc) =	sbr.abs _section_cstart, $3  }
0xc1: {  	[dreg:$0x1] =	wrdreg $0xFFFFFFFF  }
0xc2: {  	_ =	task.clear_ibuf [dreg:s7], $0x2FFFF;
	_ =	strace $0x9FFFFFFF  }
0xc3: {  	(tm) =	ssettm $0x7FFFFFFF  }
tec
execute0_lowered:
.L_overlay_start_1:
0x0: {  	(tag) =	ssettag $0x1  }
0x1: {  	s1 =	rddreg [dreg:$0x0]  }
0x2: {  	s3 =	rddreg [dreg:$0x1]  }
0x3: {  	s0 =	srdreg.scid;
	s25 =	stileid.u32  }
0x4: {  	s2 =	rddreg [dreg:$0x2];
	s6 =	sand.u32 $0x1, s0;
	s9 =	smul.u32 $0x2800, s25  }
0x5: {  	s4 =	simm.s32 $0x0;
	s8 =	sor.u32 $0x10, s25;
	s7 =	smul.u32 $0x138800, s6  }
0x6: {  	s28 =	simm.s32 $0x0;
	s10 =	sor.u32 $0x20, s25;
	s11 =	smul.u32 $0x2800, s8  }
0x7: {  	[smem:$0x7FF] =	sst s4;
	s12 =	sor.u32 $0x30, s25;
	s13 =	smul.u32 $0x2800, s10  }
0x8: {  	s5 =	sadd.s32 $0x4F7800, s3;
	s16 =	sor.u32 $0x40, s25;
	s15 =	smul.u32 $0x2800, s12  }
0x9: {  	s14 =	sadd.s32 $0x28E00, s3;
	s17 =	sor.u32 $0x50, s25;
	s18 =	smul.u32 $0x2800, s16  }
0xa: {  	s20 =	sor.u32 $0x60, s25;
	p0 =	sgt.u32 s25, $0xC;
	s21 =	smul.u32 $0x2800, s17  }
0xb: {  	_ =	strace $0x80000047;
	s0 =	ssub.s32 $0x2, s6;
	s22 =	smul.u32 $0x2800, s20  }
0xc: {  	s8 =	smul.u32 $0xA000, s8;
	s6 =	sshll.u32 s6, $0x4;
	s19 =	sshrl.u32 s0, $0x1  }
0xd: {  	s0 =	ssub.s32 s0, s19;
	s19 =	sor.u32 $0x70, s25;
	s9 =	sadd.s32 s9, s7  }
0xe: {  	s11 =	sadd.s32 s7, s11;
	s13 =	sadd.s32 s7, s13;
	s15 =	sadd.s32 s7, s15  }
0xf: {  	s18 =	sadd.s32 s7, s18;
	s21 =	sadd.s32 s7, s21;
	s22 =	sadd.s32 s7, s22  }
0x10: {  	s8 =	sshrl.u32 s8, $0x2;
	s23 =	smul.u32 $0x2800, s19;
	s9 =	sshrl.u32 s9, $0x3  }
0x11: {  	s11 =	sshrl.u32 s11, $0x3;
	s13 =	sshrl.u32 s13, $0x3;
	s24 =	sshrl.u32 s15, $0x3  }
0x12: {  	s26 =	sshrl.u32 s18, $0x3;
	s0 =	smax.u32 s0, $0x1;
	s9 =	sadd.s32 s14, s9  }
0x13: {  	s11 =	sadd.s32 s14, s11;
	s15 =	sadd.s32 s14, s24;
	s18 =	sadd.s32 s14, s26  }
0x14: {  	s24 =	sshrl.u32 s21, $0x3;
	s26 =	sshrl.u32 s22, $0x3;
	s22 =	sadd.s32 s8, s2  }
0x15: {  	[dreg:$0x17] =	wrdreg s0;
	s7 =	sadd.s32 s7, s23;
	s23 =	smul.u32 $0xA000, s25  }
0x16: {  	[dreg:$0x4] =	wrdreg s9;
	s9 =	sadd.s32 s14, s13;
	s13 =	smul.u32 $0xA000, s10  }
0x17: {  	s0 =	simm.s32 $0x200;
	[dreg:$0x8] =	wrdreg s18;
	s18 =	smul.u32 $0xA000, s12  }
0x18: {  	[dreg:$0x5] =	wrdreg s11;
	s11 =	sadd.s32 s14, s26;
	s26 =	smul.u32 $0xA000, s16  }
0x19: {  	[dreg:$0x7] =	wrdreg s15;
	s15 =	sadd.s32 $0x4E3C00, s3;
	s12 =	smul.u32 $0xA000, s20  }
0x1a: {  	s10 =	simm.s32 $0x50;
	[dreg:$0x6] =	wrdreg s9;
	s7 =	sshrl.u32 s7, $0x3  }
0x1b: {  	s9 =	sadd.s32 s14, s24;
	[dreg:$0xa] =	wrdreg s11;
	s11 =	smul.u32 $0xA000, s17  }
0x1c: {  	[dreg:$0x9] =	wrdreg s9;
	s7 =	sadd.s32 s14, s7;
	s14 =	sadd.s32 $0x4EDA00, s3  }
0x1d: {  	s3 =	sor.u32 s25, s6;
	s24 =	sshrl.u32 s23, $0x2;
	s6 =	sshrl.u32 s18, $0x2  }
0x1e: {  	s16 =	sshrl.u32 s26, $0x2;
	s18 =	sshrl.u32 s12, $0x2;
	s9 =	simm.s32 $0x5200  }
0x1f: {  	s12 =	simm.s32 $0x3;
	s25 =	simm.s32 $0x4;
	[dreg:$0xb] =	wrdreg s7  }
0x20: {  	s21 =	sadd.s32 s24, s2;
	s7 =	sshrl.u32 s13, $0x2;
	s13 =	smul.u32 $0xA000, s19  }
0x21: {  	s30 =	sadd.s32 s6, s2;
	s8 =	sshrl.u32 s11, $0x2;
	s20 =	smul.u32 $0x2710, s3  }
0x22: {  	s31 =	sadd.s32 s16, s2;
	s3 =	smul.u32 $0x27100, s3;
	[dreg:$0xd] =	wrdreg s30  }
0x23: {  	s11 =	simm.s32 $0x5;
	s17 =	sadd.s32 s8, s2;
	[dreg:$0xe] =	wrdreg s31  }
0x24: {  	s29 =	sadd.s32 s7, s2;
	s7 =	sadd.s32 s18, s2;
	[dreg:$0xf] =	wrdreg s17  }
0x25: {  	s8 =	simm.s32 $0x1;
	[dreg:$0x10] =	wrdreg s7;
	s6 =	sshrl.u32 s13, $0x2  }
0x26: {  	s19 =	sshrl.u32 s20, $0x3;
	s3 =	sadd.s32 s5, s3;
	[dreg:$0xc] =	wrdreg s29  }
0x27: {  	s13 =	simm.s32 $0x6;
	s6 =	sadd.s32 s6, s2;
	[dreg:$0x16] =	wrdreg s3  }
.Ltmp0:
0x28: {  	s24 =	sadd.s32 s14, s19;
	[dreg:$0x11] =	wrdreg s6;
	(pc) =	sbr.rel .LBB2_1-.Ltmp0, $4  }
0x29: {  	s23 =	sadd.s32 $0xA, s19;
	s7 =	sadd.s32 s15, s19;
	[dreg:$0x12] =	wrdreg s24  }
0x2a: {  	s3 =	simm.s32 $0x7;
	[dreg:$0x13] =	wrdreg s7;
	s26 =	sadd.s32 s14, s23  }
0x2b: {  	s6 =	sadd.s32 s15, s23;
	s7 =	simm.s32 $0x180;
	[dreg:$0x14] =	wrdreg s26  }
0x2c: {  	v0 =	vimm.f32 $0.0e+00;
	[dreg:$0x15] =	wrdreg s6;
	s6 =	simm.s32 $0x100;
	s26 =	simm.s32 $0x2A00  }
.LBB2_12:
0x2d: {  	[bflag:$0x0] =	sbarrier.arrive $0xFFFF  }
0x2e: {  	[tilespmem:s0], [sflag:$0x7] =	stream.linear.gather [spmem:s23], $0x2800, $0x38;
	[tilespmem:$0x1DA80] =	vst v63  }
0x2f: {  	_ =	swait.ge [sflag:s3], $0x2800  }
0x30: {  	[sflag:s3] =	ssyncset.done $0x0  }
0x31: {  	s16 =	rddreg [dreg:$0x4];
	[sflag:s3] =	ssyncadd.s32 $0xFFFFD800  }
0x32: {  	[hbm4b:s16+s4] =	stream.linear.scatter [tilespmem:s0], [sflag:$0x7], $0x2800, $0x38;
	[tilespmem:$0x1DA80] =	vst v63  }
0x33: {  	_ =	swait.ge [sflag:s3], $0x2800  }
0x34: {  	[sflag:s3] =	ssyncset.done $0x0  }
0x35: {  	[sflag:s3] =	ssyncadd.s32 $0xFFFFD800  }
0x36: {  	[tilespmem:s0], [sflag:$0x7] =	stream.linear.gather [spmem:s24], $0x2800, $0x38;
	[tilespmem:$0x1DA80] =	vst v63  }
0x37: {  	_ =	swait.ge [sflag:s3], $0x2800  }
0x38: {  	[sflag:s3] =	ssyncset.done $0x0  }
0x39: {  	s18 =	rddreg [dreg:$0x5];
	[sflag:s3] =	ssyncadd.s32 $0xFFFFD800  }
0x3a: {  	[hbm4b:s18+s4] =	stream.linear.scatter [tilespmem:s0], [sflag:$0x7], $0x2800, $0x38;
	[tilespmem:$0x1DA80] =	vst v63  }
0x3b: {  	_ =	swait.ge [sflag:s3], $0x2800  }
0x3c: {  	[sflag:s3] =	ssyncset.done $0x0  }
0x3d: {  	s29 =	rddreg [dreg:$0xc];
	[sflag:s3] =	ssyncadd.s32 $0xFFFFD800  }
0x3e: {  	[tilespmem:s0], [sflag:$0x7] =	stream.linear.gather [spmem:s29], $0x2800, $0x38;
	[tilespmem:$0x1DA80] =	vst v63  }
0x3f: {  	_ =	swait.ge [sflag:s3], $0x2800  }
0x40: {  	[sflag:s3] =	ssyncset.done $0x0  }
0x41: {  	s19 =	rddreg [dreg:$0x6];
	[sflag:s3] =	ssyncadd.s32 $0xFFFFD800  }
0x42: {  	[hbm4b:s19+s4] =	stream.linear.scatter [tilespmem:s0], [sflag:$0x7], $0x2800, $0x38;
	[tilespmem:$0x1DA80] =	vst v63  }
0x43: {  	_ =	swait.ge [sflag:s3], $0x2800  }
0x44: {  	[sflag:s3] =	ssyncset.done $0x0  }
0x45: {  	s30 =	rddreg [dreg:$0xd];
	[sflag:s3] =	ssyncadd.s32 $0xFFFFD800  }
0x46: {  	[tilespmem:s0], [sflag:$0x7] =	stream.linear.gather [spmem:s30], $0x2800, $0x38;
	[tilespmem:$0x1DA80] =	vst v63  }
0x47: {  	_ =	swait.ge [sflag:s3], $0x2800  }
0x48: {  	[sflag:s3] =	ssyncset.done $0x0  }
0x49: {  	s21 =	smov.u32 s23;
	s23 =	rddreg [dreg:$0x7];
	[sflag:s3] =	ssyncadd.s32 $0xFFFFD800  }
0x4a: {  	[hbm4b:s23+s4] =	stream.linear.scatter [tilespmem:s0], [sflag:$0x7], $0x2800, $0x38;
	[tilespmem:$0x1DA80] =	vst v63  }
0x4b: {  	_ =	swait.ge [sflag:s3], $0x2800  }
0x4c: {  	[sflag:s3] =	ssyncset.done $0x0  }
0x4d: {  	s31 =	rddreg [dreg:$0xe];
	[sflag:s3] =	ssyncadd.s32 $0xFFFFD800  }
0x4e: {  	[tilespmem:s0], [sflag:$0x7] =	stream.linear.gather [spmem:s31], $0x2800, $0x38;
	[tilespmem:$0x1DA80] =	vst v63  }
0x4f: {  	_ =	swait.ge [sflag:s3], $0x2800  }
0x50: {  	[sflag:s3] =	ssyncset.done $0x0  }
0x51: {  	s22 =	smov.u32 s24;
	s24 =	rddreg [dreg:$0x8];
	[sflag:s3] =	ssyncadd.s32 $0xFFFFD800  }
0x52: {  	[hbm4b:s24+s4] =	stream.linear.scatter [tilespmem:s0], [sflag:$0x7], $0x2800, $0x38;
	[tilespmem:$0x1DA80] =	vst v63  }
0x53: {  	_ =	swait.ge [sflag:s3], $0x2800  }
0x54: {  	[sflag:s3] =	ssyncset.done $0x0  }
0x55: {  	s17 =	rddreg [dreg:$0xf];
	[sflag:s3] =	ssyncadd.s32 $0xFFFFD800  }
0x56: {  	[tilespmem:s0], [sflag:$0x7] =	stream.linear.gather [spmem:s17], $0x2800, $0x38;
	[tilespmem:$0x1DA80] =	vst v63  }
0x57: {  	_ =	swait.ge [sflag:s3], $0x2800  }
0x58: {  	[sflag:s3] =	ssyncset.done $0x0  }
0x59: {  	s18 =	rddreg [dreg:$0x9];
	[sflag:s3] =	ssyncadd.s32 $0xFFFFD800  }
0x5a: {  	[hbm4b:s18+s4] =	stream.linear.scatter [tilespmem:s0], [sflag:$0x7], $0x2800, $0x38;
	[tilespmem:$0x1DA80] =	vst v63  }
0x5b: {  	_ =	swait.ge [sflag:s3], $0x2800  }
0x5c: {  	[sflag:s3] =	ssyncset.done $0x0  }
0x5d: {  	s19 =	rddreg [dreg:$0x10];
	[sflag:s3] =	ssyncadd.s32 $0xFFFFD800  }
0x5e: {  	[tilespmem:s0], [sflag:$0x7] =	stream.linear.gather [spmem:s19], $0x2800, $0x38;
	[tilespmem:$0x1DA80] =	vst v63  }
0x5f: {  	_ =	swait.ge [sflag:s3], $0x2800  }
0x60: {  	[sflag:s3] =	ssyncset.done $0x0  }
0x61: {  	s23 =	rddreg [dreg:$0xa];
	[sflag:s3] =	ssyncadd.s32 $0xFFFFD800  }
0x62: {  	[hbm4b:s23+s4] =	stream.linear.scatter [tilespmem:s0], [sflag:$0x7], $0x2800, $0x38;
	[tilespmem:$0x1DA80] =	vst v63  }
0x63: {  	_ =	swait.ge [sflag:s3], $0x2800  }
0x64: {  	[sflag:s3] =	ssyncset.done $0x0  }
0x65: {  	s16 =	simm.s32 @!p0 $0x200;
	s17 =	rddreg [dreg:$0x11];
	[sflag:s3] =	ssyncadd.s32 $0xFFFFD800  }
0x66: {  	[tilespmem:s16], [sflag:$0x7] =	stream.linear.gather @!p0 [spmem:s17], $0x2800, $0x38;
	[tilespmem:$0x1DA80] =	vst v63  }
0x67: {  	s17 =	simm.s32 @!p0 $0x7  }
0x68: {  	_ =	swait.ge @!p0 [sflag:s17], $0x2800  }
0x69: {  	[sflag:s17] =	ssyncset.done @!p0 $0x0  }
0x6a: {  	s18 =	simm.s32 @!p0 $0x0;
	s19 =	rddreg [dreg:$0xb];
	[sflag:s17] =	ssyncadd.s32 @!p0 $0xFFFFD800  }
0x6b: {  	[hbm4b:s19+s18] =	stream.linear.scatter @!p0 [tilespmem:s16], [sflag:$0x7], $0x2800, $0x38;
	[tilespmem:$0x1DA80] =	vst v63  }
0x6c: {  	_ =	swait.ge @!p0 [sflag:s17], $0x2800  }
0x6d: {  	s28 =	sadd.s32 $0x1, s28;
	s24 =	rddreg [dreg:$0x17]  }
0x6e: {  	p1 =	sne.s32 s28, s24  }
.Ltmp1:
0x6f: {  	_ = 	snop;
	(pc) =	sbr.rel @!p1 .LBB2_13-.Ltmp1, $3  }
0x70: {  	_ =	sdelay $0x1  }
0x71: {  	[sflag:s17] =	ssyncset.done @!p0 $0x0  }
0x72: {  	[sflag:s17] =	ssyncadd.s32 @!p0 $0xFFFFD800  }
.LBB2_1:
0x73: {  	s16 =	simm.s32 $0x0;
	s17 =	simm.s32 $0x200  }
.LBB2_2:
0x74: {  	p1 =	sne.s32 s17, $0x9E00;
	[tilespmem:s16+$0x270] =	vst v0  }
0x75: {  	[tilespmem:s16+$0x200] =	vst v0  }
0x76: {  	[tilespmem:s16+$0x210] =	vst v0  }
.Ltmp2:
0x77: {  	[tilespmem:s16+$0x220] =	vst v0;
	(pc) =	sbr.rel @p1 .LBB2_2-.Ltmp2, $4  }
0x78: {  	[tilespmem:s16+$0x230] =	vst v0  }
0x79: {  	[tilespmem:s16+$0x240] =	vst v0  }
0x7a: {  	[tilespmem:s16+$0x250] =	vst v0  }
0x7b: {  	[tilespmem:s16+$0x260] =	vst v0;
	s16 =	sshra.s32 s17, $0x2;
	s17 =	sadd.s32 $0x200, s17  }
0x7c: {  	[tilespmem:s16+$0x270] =	vst v0  }
0x7d: {  	[tilespmem:s16+$0x200] =	vst v0  }
0x7e: {  	[tilespmem:s16+$0x210] =	vst v0  }
0x7f: {  	[tilespmem:s16+$0x220] =	vst v0  }
0x80: {  	[tilespmem:s16+$0x230] =	vst v0  }
0x81: {  	[tilespmem:s16+$0x240] =	vst v0  }
0x82: {  	[tilespmem:s16+$0x250] =	vst v0  }
0x83: {  	[tilespmem:s16+$0x260] =	vst v0  }
0x84: {  	[spmem:s21] =	stream.linear.scatter [tilespmem:s0], [sflag:$0x7], $0x2800, $0x38;
	[tilespmem:$0x1DA80] =	vst v63  }
0x85: {  	_ =	swait.ge [sflag:s3], $0x2800  }
0x86: {  	[sflag:s3] =	ssyncset.done $0x0  }
0x87: {  	[sflag:s3] =	ssyncadd.s32 $0xFFFFD800  }
0x88: {  	[spmem:s22] =	stream.linear.scatter [tilespmem:s0], [sflag:$0x7], $0x2800, $0x38;
	[tilespmem:$0x1DA80] =	vst v63  }
0x89: {  	_ =	swait.ge [sflag:s3], $0x2800  }
0x8a: {  	[sflag:s3] =	ssyncset.done $0x0  }
0x8b: {  	[sflag:s3] =	ssyncadd.s32 $0xFFFFD800  }
0x8c: {  	[spmem:s29] =	stream.linear.scatter [tilespmem:s0], [sflag:$0x7], $0x2800, $0x38;
	[tilespmem:$0x1DA80] =	vst v63  }
0x8d: {  	_ =	swait.ge [sflag:s3], $0x2800  }
0x8e: {  	[sflag:s3] =	ssyncset.done $0x0  }
0x8f: {  	[sflag:s3] =	ssyncadd.s32 $0xFFFFD800  }
0x90: {  	[spmem:s30] =	stream.linear.scatter [tilespmem:s0], [sflag:$0x7], $0x2800, $0x38;
	[tilespmem:$0x1DA80] =	vst v63  }
0x91: {  	_ =	swait.ge [sflag:s3], $0x2800  }
0x92: {  	[sflag:s3] =	ssyncset.done $0x0  }
0x93: {  	[sflag:s3] =	ssyncadd.s32 $0xFFFFD800  }
0x94: {  	[spmem:s31] =	stream.linear.scatter [tilespmem:s0], [sflag:$0x7], $0x2800, $0x38;
	[tilespmem:$0x1DA80] =	vst v63  }
0x95: {  	_ =	swait.ge [sflag:s3], $0x2800  }
0x96: {  	[sflag:s3] =	ssyncset.done $0x0  }
0x97: {  	s31 =	rddreg [dreg:$0xf];
	[sflag:s3] =	ssyncadd.s32 $0xFFFFD800  }
0x98: {  	[spmem:s31] =	stream.linear.scatter [tilespmem:s0], [sflag:$0x7], $0x2800, $0x38;
	[tilespmem:$0x1DA80] =	vst v63  }
0x99: {  	_ =	swait.ge [sflag:s3], $0x2800  }
0x9a: {  	[sflag:s3] =	ssyncset.done $0x0  }
0x9b: {  	s17 =	rddreg [dreg:$0x10];
	[sflag:s3] =	ssyncadd.s32 $0xFFFFD800  }
0x9c: {  	[spmem:s17] =	stream.linear.scatter [tilespmem:s0], [sflag:$0x7], $0x2800, $0x38;
	[tilespmem:$0x1DA80] =	vst v63  }
0x9d: {  	_ =	swait.ge [sflag:s3], $0x2800  }
0x9e: {  	[sflag:s3] =	ssyncset.done $0x0  }
0x9f: {  	s16 =	simm.s32 @!p0 $0x200;
	s17 =	rddreg [dreg:$0x11];
	[sflag:s3] =	ssyncadd.s32 $0xFFFFD800  }
0xa0: {  	[spmem:s17] =	stream.linear.scatter @!p0 [tilespmem:s16], [sflag:$0x7], $0x2800, $0x38;
	[tilespmem:$0x1DA80] =	vst v63  }
0xa1: {  	s16 =	simm.s32 @!p0 $0x7  }
0xa2: {  	_ =	swait.ge @!p0 [sflag:s16], $0x2800  }
0xa3: {  	[sflag:s16] =	ssyncset.done @!p0 $0x0  }
0xa4: {  	[sflag:s16] =	ssyncadd.s32 @!p0 $0xFFFFD800  }
0xa5: {  	[bflag:$0x0] =	sbarrier.arrive $0xFFFF  }
0xa6: {  	s29 =	simm.s32 $0x0;
	s18 =	rddreg [dreg:$0x12]  }
0xa7: {  	[tilespmem:s29], [sflag:$0x1] =	stream.linear.gather [hbm4b:s18+s29], $0x50, $0x38;
	[tilespmem:$0x1DA80] =	vst v63  }
0xa8: {  	s23 =	smov.u32 s21;
	s19 =	rddreg [dreg:$0x13]  }
0xa9: {  	[tilespmem:s6], [sflag:$0x1] =	stream.linear.gather [hbm4b:s19+s29], $0x50, $0x38;
	[tilespmem:$0x1DA80] =	vst v63  }
0xaa: {  	s24 =	smov.u32 s22;
	s22 =	simm.s32 $0x80;
	s21 =	rddreg [dreg:$0x14]  }
0xab: {  	[tilespmem:s22], [sflag:$0x2] =	stream.linear.gather [hbm4b:s21+s29], $0x50, $0x38;
	[tilespmem:$0x1DA80] =	vst v63  }
0xac: {  	s30 =	rddreg [dreg:$0x15]  }
0xad: {  	[tilespmem:s7], [sflag:$0x2] =	stream.linear.gather [hbm4b:s30+s29], $0x50, $0x38;
	[tilespmem:$0x1DA80] =	vst v63  }
0xae: {  	_ =	swait.ge [sflag:s8], $0x50  }
0xaf: {  	[sflag:s8] =	ssyncset.done $0x0  }
0xb0: {  	[sflag:s8] =	ssyncadd.s32 $0xFFFFFFB0  }
0xb1: {  	_ =	swait.ge [sflag:s8], $0x50  }
.Ltmp3:
0xb2: {  	[sflag:s8] =	ssyncset.done $0x0;
	(pc) =	sbr.rel .LBB2_4-.Ltmp3, $4  }
0xb3: {  	s31 =	rddreg [dreg:$0x16];
	[sflag:s8] =	ssyncadd.s32 $0xFFFFFFB0  }
0xb4: {  	[tilespmem:s9], [sflag:$0x5] =	stream.linear.gather [hbm4b:s31+s29], $0x2800, $0x38;
	[tilespmem:$0x1DA80] =	vst v63  }
0xb5: {  	_ = 	snop  }
0xb6: {  	[tilespmem:s0], [sflag:$0x3] =	stream.indirect.gather [hbm4b:s1+s10], $0x80, s29, s10, $0xb8;
	[tilespmem:$0x1DA80] =	vst v63  }
.LBB2_11:
0xb7: {  	s29 =	sadd.s32 $0x1, s29  }
0xb8: {  	p1 =	sne.s32 s29, $0x3F  }
.Ltmp4:
0xb9: {  	_ = 	snop;
	(pc) =	sbr.rel @!p1 .LBB2_12-.Ltmp4, $1  }
0xba: {  	_ =	sdelay $0x3  }
.LBB2_4:
0xbb: {  	s16 =	sshllo.u32 s29, $0x1  }
0xbc: {  	p1 =	sgt.u32 s16, $0x7C  }
0xbd: {  	s17 =	simm.s32 @!p1 $0x2  }
0xbe: {  	_ =	swait.ge @!p1 [sflag:s17], $0x50  }
0xbf: {  	s16 =	smul.u32 @!p1 $0x50, s16;
	[sflag:s17] =	ssyncset.done @!p1 $0x0  }
0xc0: {  	[sflag:s17] =	ssyncadd.s32 @!p1 $0xFFFFFFB0  }
0xc1: {  	s30 =	sshll.u32 s29, $0x1;
	s16 =	sadd.s32 @!p1 s20, s16;
	_ =	swait.ge @!p1 [sflag:s17], $0x50  }
0xc2: {  	s18 =	simm.s32 @!p1 $0x7A00;
	s16 =	sshll.u32 @!p1 s16, $0x4;
	[sflag:s17] =	ssyncset.done @!p1 $0x0  }
0xc3: {  	s16 =	sadd.s32 @!p1 s5, s16;
	[sflag:s17] =	ssyncadd.s32 @!p1 $0xFFFFFFB0;
	s17 =	simm.s32 @!p1 $0x0  }
0xc4: {  	[tilespmem:s18], [sflag:$0x6] =	stream.linear.gather @!p1 [hbm4b:s16+s17], $0x2800, $0x38;
	[tilespmem:$0x1DA80] =	vst v63  }
0xc5: {  	s16 =	simm.s32 @!p1 $0x50;
	s17 =	simm.s32 @!p1 $0x80;
	s18 =	simm.s32 @!p1 $0x2A00  }
0xc6: {  	[tilespmem:s18], [sflag:$0x4] =	stream.indirect.gather @!p1 [hbm4b:s1+s16], $0x80, s17, s16, $0xb8;
	[tilespmem:$0x1DA80] =	vst v63  }
0xc7: {  	p2 =	seq.s32 s29, $0x3E;
	s31 =	sadd.s32 $0x2, s30;
	_ =	swait.ge [sflag:s11], $0x2800  }
0xc8: {  	s16 =	smul.u32 @!p2 $0x50, s31;
	[sflag:s11] =	ssyncset.done $0x0  }
0xc9: {  	[sflag:s11] =	ssyncadd.s32 $0xFFFFD800  }
0xca: {  	s16 =	sadd.s32 @!p2 s20, s16;
	_ =	swait.ge [sflag:s12], $0x2800  }
0xcb: {  	s19 =	simm.s32 $0x5280;
	s16 =	sshrl.u32 @!p2 s16, $0x3;
	[sflag:s12] =	ssyncset.done $0x0  }
0xcc: {  	s17 =	simm.s32 @!p2 $0x0;
	s16 =	sadd.s32 @!p2 s14, s16;
	[sflag:s12] =	ssyncadd.s32 $0xFFFFD800  }
0xcd: {  	[tilespmem:s17], [sflag:$0x1] =	stream.linear.gather @!p2 [hbm4b:s16+s17], $0x50, $0x38;
	[tilespmem:$0x1DA80] =	vst v63  }
0xce: {  	s16 =	simm.s32 $0x280;
	v1 =	vld [tilespmem:s19+$0x0]  }
0xcf: {  	v2 =	vld [tilespmem:s16+$0x0]  }
0xd0: {  	v3 =	vld [tilespmem:s16+$0x10];
	_ =	sdelay $0x2  }
0xd1: {  	v4 =	vld [tilespmem:s19+$0xFFFFFF80];
	v5 =	vshll.u32 v1, $0x10  }
0xd2: {  	v6 =	vld [tilespmem:s16+$0xFFFFFF80];
	v1 =	vand.u32 $0xFFFF0000, v1;
	v2 =	vmul.f32 v5, v2  }
0xd3: {  	v5 =	vld [tilespmem:s16+$0xFFFFFF90];
	v1 =	vmul.f32 v1, v3  }
0xd4: {  	[tilespmem:s16+$0x0] =	vst v2  }
0xd5: {  	v8 =	vld [tilespmem:s16+$0xFFFFFFC0];
	[tilespmem:s16+$0x10] =	vst v1  }
0xd6: {  	v1 =	vshll.u32 v4, $0x10;
	v7 =	vld [tilespmem:s19+$0x10]  }
0xd7: {  	v4 =	vand.u32 $0xFFFF0000, v4;
	v1 =	vmul.f32 v1, v6;
	v6 =	vld [tilespmem:s16+$0x20]  }
0xd8: {  	v4 =	vmul.f32 v4, v5;
	v5 =	vld [tilespmem:s16+$0x30]  }
0xd9: {  	v10 =	vld [tilespmem:s16+$0xFFFFFFE0]  }
0xda: {  	v12 =	vld [tilespmem:s16+$0xFFFFFFF0];
	[tilespmem:s16+$0xFFFFFF80] =	vst v1  }
0xdb: {  	v9 =	vld [tilespmem:s16+$0x40];
	[tilespmem:s16+$0xFFFFFF90] =	vst v4;
	v4 =	vshll.u32 v7, $0x10  }
0xdc: {  	v1 =	vld [tilespmem:s19+$0xFFFFFF90];
	v7 =	vand.u32 $0xFFFF0000, v7;
	v4 =	vmul.f32 v4, v6  }
0xdd: {  	v3 =	vld [tilespmem:s16+$0xFFFFFFA0];
	v5 =	vmul.f32 v7, v5  }
0xde: {  	s18 =	simm.s32 $0x380;
	v2 =	vld [tilespmem:s16+$0xFFFFFFB0];
	[tilespmem:s16+$0x20] =	vst v4  }
0xdf: {  	v11 =	vld [tilespmem:s18+$0x10];
	[tilespmem:s16+$0x30] =	vst v5  }
0xe0: {  	v4 =	vld [tilespmem:s19+$0x20]  }
0xe1: {  	v14 =	vld [tilespmem:s18+$0xFFFFFF90];
	v5 =	vshll.u32 v1, $0x10  }
0xe2: {  	s17 =	simm.s32 $0x5380;
	v1 =	vand.u32 $0xFFFF0000, v1;
	v3 =	vmul.f32 v5, v3;
	v5 =	vld [tilespmem:s16+$0x50]  }
0xe3: {  	v1 =	vmul.f32 v1, v2;
	v2 =	vld [tilespmem:s17+$0x0]  }
0xe4: {  	[tilespmem:s16+$0xFFFFFFA0] =	vst v3;
	v3 =	vld [tilespmem:s18+$0x0]  }
0xe5: {  	v58 =	vld [tilespmem:s18+$0x20];
	[tilespmem:s16+$0xFFFFFFB0] =	vst v1;
	v1 =	vshll.u32 v4, $0x10  }
0xe6: {  	v4 =	vand.u32 $0xFFFF0000, v4;
	v1 =	vmul.f32 v1, v9;
	v9 =	vld [tilespmem:s17+$0xFFFFFF80]  }
0xe7: {  	v4 =	vmul.f32 v4, v5;
	v5 =	vld [tilespmem:s18+$0xFFFFFF80]  }
0xe8: {  	v13 =	vld [tilespmem:s19+$0xFFFFFFA0];
	[tilespmem:s16+$0x40] =	vst v1;
	v1 =	vshll.u32 v2, $0x10  }
0xe9: {  	v6 =	vld [tilespmem:s16+$0xFFFFFFD0];
	v2 =	vand.u32 $0xFFFF0000, v2;
	v1 =	vmul.f32 v1, v3  }
0xea: {  	v7 =	vld [tilespmem:s16+$0x60];
	[tilespmem:s16+$0x50] =	vst v4;
	v2 =	vmul.f32 v2, v11  }
0xeb: {  	v15 =	vld [tilespmem:s19+$0x30];
	[tilespmem:s18+$0x0] =	vst v1;
	v1 =	vshll.u32 v9, $0x10  }
0xec: {  	v3 =	vld [tilespmem:s18+$0xFFFFFFA0];
	[tilespmem:s18+$0x10] =	vst v2;
	v2 =	vand.u32 $0xFFFF0000, v9;
	v1 =	vmul.f32 v1, v5  }
0xed: {  	v4 =	vshll.u32 v13, $0x10;
	v9 =	vld [tilespmem:s17+$0x10];
	v2 =	vmul.f32 v2, v14  }
0xee: {  	v4 =	vmul.f32 v4, v8;
	v8 =	vld [tilespmem:s16+$0x70];
	[tilespmem:s18+$0xFFFFFF80] =	vst v1  }
0xef: {  	v5 =	vand.u32 $0xFFFF0000, v13;
	v1 =	vld [tilespmem:s18+$0x30];
	[tilespmem:s18+$0xFFFFFF90] =	vst v2  }
0xf0: {  	v2 =	vmul.f32 v5, v6;
	v6 =	vld [tilespmem:s17+$0xFFFFFF90]  }
0xf1: {  	v11 =	vld [tilespmem:s18+$0xFFFFFFB0]  }
0xf2: {  	[tilespmem:s16+$0xFFFFFFC0] =	vst v4;
	v4 =	vld [tilespmem:s18+$0xFFFFFFC0];
	v59 =	vshll.u32 v9, $0x10  }
0xf3: {  	v5 =	vld [tilespmem:s18+$0xFFFFFFD0];
	[tilespmem:s16+$0xFFFFFFD0] =	vst v2;
	v2 =	vand.u32 $0xFFFF0000, v9;
	v9 =	vmul.f32 v59, v58  }
0xf4: {  	v60 =	vld [tilespmem:s19+$0xFFFFFFB0];
	v61 =	vmul.f32 v2, v1;
	v2 =	vand.u32 $0xFFFF0000, v15  }
0xf5: {  	v1 =	vld [tilespmem:s18+$0xFFFFFFE0];
	[tilespmem:s18+$0x20] =	vst v9;
	v8 =	vmul.f32 v2, v8;
	v9 =	vshll.u32 v6, $0x10  }
0xf6: {  	v2 =	vld [tilespmem:s18+$0xFFFFFFF0];
	v6 =	vand.u32 $0xFFFF0000, v6;
	[tilespmem:s18+$0x30] =	vst v61;
	v9 =	vmul.f32 v9, v3  }
0xf7: {  	v62 =	vshll.u32 v15, $0x10;
	v3 =	vld [tilespmem:s18+$0x60];
	[tilespmem:s16+$0x70] =	vst v8;
	v8 =	vmul.f32 v6, v11  }
0xf8: {  	v6 =	vld [tilespmem:s17+$0x20];
	v11 =	vmul.f32 v62, v7;
	[tilespmem:s18+$0xFFFFFFA0] =	vst v9  }
0xf9: {  	v7 =	vld [tilespmem:s18+$0x40];
	v63 =	vshll.u32 v60, $0x10;
	[tilespmem:s18+$0xFFFFFFB0] =	vst v8  }
0xfa: {  	v13 =	vand.u32 $0xFFFF0000, v60;
	v9 =	vld [tilespmem:s18+$0x50];
	[tilespmem:s16+$0x60] =	vst v11;
	v11 =	vmul.f32 v63, v10  }
0xfb: {  	s21 =	simm.s32 $0x2;
	s22 =	simm.s32 $0x5480;
	s19 =	simm.s32 $0x380;
	v8 =	vmul.f32 v13, v12;
	v10 =	vld [tilespmem:s17+$0xFFFFFFA0]  }
.LBB2_5:
0xfc: {  	v12 =	vld [tilespmem:s22+$0x0];
	s18 =	sadd.s32 $0x100, s18;
	[tilespmem:s16+$0xFFFFFFE0] =	vst v11  }
0xfd: {  	v11 =	vld [tilespmem:s18+$0x0];
	v13 =	vshll.u32 v6, $0x10;
	[tilespmem:s16+$0xFFFFFFF0] =	vst v8;
	s16 =	smov.u32 s19;
	s19 =	smov.u32 s18  }
0xfe: {  	v6 =	vand.u32 $0xFFFF0000, v6;
	v8 =	vld [tilespmem:s18+$0x10];
	v7 =	vmul.f32 v13, v7  }
0xff: {  	s21 =	sadd.s32 $0x2, s21;
	v13 =	vld [tilespmem:s22+$0xFFFFFF80];
	v6 =	vmul.f32 v6, v9  }
0x100: {  	p3 =	slt.u32 s21, $0x4E;
	v9 =	vld [tilespmem:s18+$0xFFFFFF80];
	v14 =	vshll.u32 v10, $0x10;
	v10 =	vand.u32 $0xFFFF0000, v10;
	[tilespmem:s16+$0x40] =	vst v7  }
0x101: {  	v7 =	vld [tilespmem:s18+$0xFFFFFF90];
	v15 =	vshll.u32 v12, $0x10;
	v4 =	vmul.f32 v14, v4;
	v5 =	vmul.f32 v10, v5;
	[tilespmem:s16+$0x50] =	vst v6  }
0x102: {  	v6 =	vand.u32 $0xFFFF0000, v12;
	v10 =	vmul.f32 v15, v11;
	v11 =	vld [tilespmem:s17+$0x30]  }
0x103: {  	v6 =	vmul.f32 v6, v8;
	[tilespmem:s16+$0xFFFFFFC0] =	vst v4;
	v4 =	vld [tilespmem:s16+$0x70]  }
0x104: {  	v8 =	vshll.u32 v13, $0x10;
	v12 =	vand.u32 $0xFFFF0000, v13;
	v13 =	vld [tilespmem:s18+$0xFFFFFFA0];
	[tilespmem:s18+$0x0] =	vst v10  }
0x105: {  	v8 =	vmul.f32 v8, v9;
	v9 =	vld [tilespmem:s18+$0xFFFFFFB0];
	[tilespmem:s18+$0x10] =	vst v6  }
0x106: {  	v6 =	vmul.f32 v12, v7;
	v7 =	vld [tilespmem:s22+$0x10];
	[tilespmem:s16+$0xFFFFFFD0] =	vst v5  }
0x107: {  	[tilespmem:s18+$0xFFFFFF80] =	vst v8;
	v8 =	vld [tilespmem:s18+$0x20];
	v5 =	vshll.u32 v11, $0x10;
	v10 =	vand.u32 $0xFFFF0000, v11  }
0x108: {  	[tilespmem:s18+$0xFFFFFF90] =	vst v6;
	v6 =	vld [tilespmem:s18+$0x30];
	v3 =	vmul.f32 v5, v3;
	v5 =	vmul.f32 v10, v4  }
0x109: {  	v10 =	vld [tilespmem:s22+$0xFFFFFF90]  }
0x10a: {  	v4 =	vld [tilespmem:s18+$0xFFFFFFC0];
	[tilespmem:s16+$0x70] =	vst v5  }
0x10b: {  	v5 =	vld [tilespmem:s18+$0xFFFFFFD0];
	v11 =	vshll.u32 v7, $0x10;
	[tilespmem:s16+$0x60] =	vst v3  }
0x10c: {  	v3 =	vand.u32 $0xFFFF0000, v7;
	v7 =	vmul.f32 v11, v8;
	v8 =	vld [tilespmem:s17+$0xFFFFFFB0];
	s17 =	smov.u32 s22  }
0x10d: {  	v12 =	vld [tilespmem:s18+$0xFFFFFFE0];
	v3 =	vmul.f32 v3, v6  }
0x10e: {  	v6 =	vshll.u32 v10, $0x10;
	v10 =	vand.u32 $0xFFFF0000, v10;
	v14 =	vld [tilespmem:s18+$0xFFFFFFF0];
	[tilespmem:s18+$0x20] =	vst v7  }
.Ltmp5:
0x10f: {  	v7 =	vmul.f32 v6, v13;
	v9 =	vmul.f32 v10, v9;
	[tilespmem:s18+$0x30] =	vst v3;
	v3 =	vld [tilespmem:s18+$0x60];
	(pc) =	sbr.rel @p3 .LBB2_5-.Ltmp5, $4  }
0x110: {  	v6 =	vld [tilespmem:s22+$0x20]  }
0x111: {  	[tilespmem:s18+$0xFFFFFFA0] =	vst v7;
	v7 =	vld [tilespmem:s18+$0x40];
	v10 =	vshll.u32 v8, $0x10;
	v8 =	vand.u32 $0xFFFF0000, v8  }
0x112: {  	[tilespmem:s18+$0xFFFFFFB0] =	vst v9;
	v9 =	vld [tilespmem:s18+$0x50];
	v11 =	vmul.f32 v10, v1;
	v8 =	vmul.f32 v8, v2;
	v1 =	vmov v12  }
0x113: {  	s22 =	sadd.s32 $0x100, s22;
	v10 =	vld [tilespmem:s17+$0xFFFFFFA0];
	v2 =	vmov v14  }
0x114: {  	_ =	sdelay $0x1  }
0x115: {  	v12 =	vshll.u32 v6, $0x10  }
0x116: {  	v57 =	vand.u32 $0xFFFF0000, v6;
	v7 =	vmul.f32 v12, v7  }
0x117: {  	v6 =	vmul.f32 v57, v9;
	v58 =	vshll.u32 v10, $0x10  }
0x118: {  	v59 =	vand.u32 $0xFFFF0000, v10;
	[tilespmem:s19+$0x40] =	vst v7;
	v4 =	vmul.f32 v58, v4  }
0x119: {  	v5 =	vmul.f32 v59, v5;
	[tilespmem:s19+$0x50] =	vst v6  }
0x11a: {  	v6 =	vld [tilespmem:s17+$0x30];
	[tilespmem:s19+$0xFFFFFFC0] =	vst v4  }
0x11b: {  	v60 =	vld [tilespmem:s19+$0x70];
	[tilespmem:s19+$0xFFFFFFD0] =	vst v5  }
0x11c: {  	v5 =	vld [tilespmem:s17+$0xFFFFFFB0];
	_ =	sdelay $0x2  }
0x11d: {  	v61 =	vand.u32 $0xFFFF0000, v6  }
0x11e: {  	[tilespmem:s16+$0xFFFFFFE0] =	vst v11;
	v6 =	vshll.u32 v6, $0x10;
	v4 =	vmul.f32 v61, v60  }
0x11f: {  	[tilespmem:s16+$0xFFFFFFF0] =	vst v8;
	v3 =	vmul.f32 v6, v3;
	v62 =	vshll.u32 v5, $0x10  }
0x120: {  	v63 =	vand.u32 $0xFFFF0000, v5;
	[tilespmem:s19+$0x70] =	vst v4;
	v1 =	vmul.f32 v62, v1  }
0x121: {  	[tilespmem:s19+$0x60] =	vst v3;
	v2 =	vmul.f32 v63, v2  }
0x122: {  	[tilespmem:s19+$0xFFFFFFE0] =	vst v1  }
.Ltmp6:
0x123: {  	[tilespmem:s19+$0xFFFFFFF0] =	vst v2;
	(pc) =	sbr.rel @p2 .LBB2_12-.Ltmp6, $4  }
0x124: {  	[spmem:s2] =	stream.indirect.scatter.add.f32 [tilespmem:s0], [sflag:$0x7], $0x80, s6, s10, $0xb8;
	[tilespmem:$0x1DA80] =	vst v63  }
0x125: {  	_ =	swait.ge [sflag:s3], $0x2800  }
0x126: {  	[sflag:s3] =	ssyncset.done $0x0  }
0x127: {  	[sflag:s3] =	ssyncadd.s32 $0xFFFFD800  }
0x128: {  	s16 =	smul.u32 $0x50, s31  }
.Ltmp7:
0x129: {  	_ = 	snop;
	(pc) =	sbr.rel @p1 .LBB2_11-.Ltmp7, $4  }
0x12a: {  	s16 =	sadd.s32 s20, s16  }
0x12b: {  	s17 =	sshrl.u32 s16, $0x3  }
0x12c: {  	s17 =	sadd.s32 s15, s17  }
0x12d: {  	[tilespmem:s6], [sflag:$0x1] =	stream.linear.gather [hbm4b:s17+s4], $0x50, $0x38;
	[tilespmem:$0x1DA80] =	vst v63  }
0x12e: {  	_ =	swait.ge [sflag:s8], $0x50  }
0x12f: {  	[sflag:s8] =	ssyncset.done $0x0  }
0x130: {  	[sflag:s8] =	ssyncadd.s32 $0xFFFFFFB0  }
0x131: {  	_ =	swait.ge [sflag:s8], $0x50  }
0x132: {  	s16 =	sshll.u32 s16, $0x4;
	[sflag:s8] =	ssyncset.done $0x0  }
0x133: {  	s16 =	sadd.s32 s5, s16;
	[sflag:s8] =	ssyncadd.s32 $0xFFFFFFB0  }
0x134: {  	[tilespmem:s9], [sflag:$0x5] =	stream.linear.gather [hbm4b:s16+s4], $0x2800, $0x38;
	[tilespmem:$0x1DA80] =	vst v63  }
0x135: {  	_ = 	snop  }
0x136: {  	[tilespmem:s0], [sflag:$0x3] =	stream.indirect.gather [hbm4b:s1+s10], $0x80, s4, s10, $0xb8;
	[tilespmem:$0x1DA80] =	vst v63  }
0x137: {  	p1 =	sgt.u32 s29, $0x3C;
	s16 =	sadd.s32 $0x3, s30;
	_ =	swait.ge [sflag:s13], $0x2800  }
0x138: {  	s16 =	smul.u32 @!p1 $0x50, s16;
	[sflag:s13] =	ssyncset.done $0x0  }
0x139: {  	[sflag:s13] =	ssyncadd.s32 $0xFFFFD800  }
0x13a: {  	s19 =	simm.s32 $0x7AB0;
	s16 =	sadd.s32 @!p1 s20, s16;
	_ =	swait.ge [sflag:s25], $0x2800  }
0x13b: {  	s17 =	simm.s32 @!p1 $0x0;
	s30 =	sshrl.u32 @!p1 s16, $0x3;
	[sflag:s25] =	ssyncset.done $0x0  }
0x13c: {  	s18 =	simm.s32 @!p1 $0x80;
	s16 =	sadd.s32 @!p1 s14, s30;
	[sflag:s25] =	ssyncadd.s32 $0xFFFFD800  }
0x13d: {  	[tilespmem:s18], [sflag:$0x2] =	stream.linear.gather @!p1 [hbm4b:s16+s17], $0x50, $0x38;
	[tilespmem:$0x1DA80] =	vst v63  }
0x13e: {  	s16 =	simm.s32 $0x2AF0;
	v1 =	vld [tilespmem:s19+$0xFFFFFFD0]  }
0x13f: {  	v2 =	vld [tilespmem:s16+$0xFFFFFF90]  }
0x140: {  	v3 =	vld [tilespmem:s16+$0xFFFFFFA0];
	_ =	sdelay $0x2  }
0x141: {  	v4 =	vld [tilespmem:s19+$0xFFFFFF50];
	v5 =	vshll.u32 v1, $0x10  }
0x142: {  	v6 =	vld [tilespmem:s16+$0xFFFFFF10];
	v1 =	vand.u32 $0xFFFF0000, v1;
	v2 =	vmul.f32 v5, v2  }
0x143: {  	v5 =	vld [tilespmem:s16+$0xFFFFFF20];
	v1 =	vmul.f32 v1, v3  }
0x144: {  	[tilespmem:s16+$0xFFFFFF90] =	vst v2  }
0x145: {  	v8 =	vld [tilespmem:s16+$0xFFFFFF50];
	[tilespmem:s16+$0xFFFFFFA0] =	vst v1  }
0x146: {  	v1 =	vshll.u32 v4, $0x10;
	v7 =	vld [tilespmem:s19+$0xFFFFFFE0]  }
0x147: {  	v4 =	vand.u32 $0xFFFF0000, v4;
	v1 =	vmul.f32 v1, v6;
	v6 =	vld [tilespmem:s16+$0xFFFFFFB0]  }
0x148: {  	v4 =	vmul.f32 v4, v5;
	v5 =	vld [tilespmem:s16+$0xFFFFFFC0]  }
0x149: {  	v10 =	vld [tilespmem:s16+$0xFFFFFF70]  }
0x14a: {  	v12 =	vld [tilespmem:s16+$0xFFFFFF80];
	[tilespmem:s16+$0xFFFFFF10] =	vst v1  }
0x14b: {  	v9 =	vld [tilespmem:s16+$0xFFFFFFD0];
	[tilespmem:s16+$0xFFFFFF20] =	vst v4;
	v4 =	vshll.u32 v7, $0x10  }
0x14c: {  	v1 =	vld [tilespmem:s19+$0xFFFFFF60];
	v7 =	vand.u32 $0xFFFF0000, v7;
	v4 =	vmul.f32 v4, v6  }
0x14d: {  	v3 =	vld [tilespmem:s16+$0xFFFFFF30];
	v5 =	vmul.f32 v7, v5  }
0x14e: {  	s18 =	simm.s32 $0x2BF0;
	v2 =	vld [tilespmem:s16+$0xFFFFFF40];
	[tilespmem:s16+$0xFFFFFFB0] =	vst v4  }
0x14f: {  	v11 =	vld [tilespmem:s18+$0xFFFFFFA0];
	[tilespmem:s16+$0xFFFFFFC0] =	vst v5  }
0x150: {  	v4 =	vld [tilespmem:s19+$0xFFFFFFF0]  }
0x151: {  	v14 =	vld [tilespmem:s18+$0xFFFFFF20];
	v5 =	vshll.u32 v1, $0x10  }
0x152: {  	s17 =	simm.s32 $0x7BB0;
	v1 =	vand.u32 $0xFFFF0000, v1;
	v3 =	vmul.f32 v5, v3;
	v5 =	vld [tilespmem:s16+$0xFFFFFFE0]  }
0x153: {  	v1 =	vmul.f32 v1, v2;
	v2 =	vld [tilespmem:s17+$0xFFFFFFD0]  }
0x154: {  	[tilespmem:s16+$0xFFFFFF30] =	vst v3;
	v3 =	vld [tilespmem:s18+$0xFFFFFF90]  }
0x155: {  	v58 =	vld [tilespmem:s18+$0xFFFFFFB0];
	[tilespmem:s16+$0xFFFFFF40] =	vst v1;
	v1 =	vshll.u32 v4, $0x10  }
0x156: {  	v4 =	vand.u32 $0xFFFF0000, v4;
	v1 =	vmul.f32 v1, v9;
	v9 =	vld [tilespmem:s17+$0xFFFFFF50]  }
0x157: {  	v4 =	vmul.f32 v4, v5;
	v5 =	vld [tilespmem:s18+$0xFFFFFF10]  }
0x158: {  	v13 =	vld [tilespmem:s19+$0xFFFFFF70];
	[tilespmem:s16+$0xFFFFFFD0] =	vst v1;
	v1 =	vshll.u32 v2, $0x10  }
0x159: {  	v6 =	vld [tilespmem:s16+$0xFFFFFF60];
	v2 =	vand.u32 $0xFFFF0000, v2;
	v1 =	vmul.f32 v1, v3  }
0x15a: {  	v7 =	vld [tilespmem:s16+$0xFFFFFFF0];
	[tilespmem:s16+$0xFFFFFFE0] =	vst v4;
	v2 =	vmul.f32 v2, v11  }
0x15b: {  	v15 =	vld [tilespmem:s19+$0x0];
	[tilespmem:s18+$0xFFFFFF90] =	vst v1;
	v1 =	vshll.u32 v9, $0x10  }
0x15c: {  	v3 =	vld [tilespmem:s18+$0xFFFFFF30];
	[tilespmem:s18+$0xFFFFFFA0] =	vst v2;
	v2 =	vand.u32 $0xFFFF0000, v9;
	v1 =	vmul.f32 v1, v5  }
0x15d: {  	v4 =	vshll.u32 v13, $0x10;
	v9 =	vld [tilespmem:s17+$0xFFFFFFE0];
	v2 =	vmul.f32 v2, v14  }
0x15e: {  	v4 =	vmul.f32 v4, v8;
	v8 =	vld [tilespmem:s16+$0x0];
	[tilespmem:s18+$0xFFFFFF10] =	vst v1  }
0x15f: {  	v5 =	vand.u32 $0xFFFF0000, v13;
	v1 =	vld [tilespmem:s18+$0xFFFFFFC0];
	[tilespmem:s18+$0xFFFFFF20] =	vst v2  }
0x160: {  	v2 =	vmul.f32 v5, v6;
	v6 =	vld [tilespmem:s17+$0xFFFFFF60]  }
0x161: {  	v11 =	vld [tilespmem:s18+$0xFFFFFF40]  }
0x162: {  	[tilespmem:s16+$0xFFFFFF50] =	vst v4;
	v4 =	vld [tilespmem:s18+$0xFFFFFF50];
	v59 =	vshll.u32 v9, $0x10  }
0x163: {  	v5 =	vld [tilespmem:s18+$0xFFFFFF60];
	[tilespmem:s16+$0xFFFFFF60] =	vst v2;
	v2 =	vand.u32 $0xFFFF0000, v9;
	v9 =	vmul.f32 v59, v58  }
0x164: {  	v60 =	vld [tilespmem:s19+$0xFFFFFF80];
	v61 =	vmul.f32 v2, v1;
	v2 =	vand.u32 $0xFFFF0000, v15  }
0x165: {  	v1 =	vld [tilespmem:s18+$0xFFFFFF70];
	[tilespmem:s18+$0xFFFFFFB0] =	vst v9;
	v8 =	vmul.f32 v2, v8;
	v9 =	vshll.u32 v6, $0x10  }
0x166: {  	v2 =	vld [tilespmem:s18+$0xFFFFFF80];
	v6 =	vand.u32 $0xFFFF0000, v6;
	[tilespmem:s18+$0xFFFFFFC0] =	vst v61;
	v9 =	vmul.f32 v9, v3  }
0x167: {  	v62 =	vshll.u32 v15, $0x10;
	v3 =	vld [tilespmem:s18+$0xFFFFFFF0];
	[tilespmem:s16+$0x0] =	vst v8;
	v8 =	vmul.f32 v6, v11  }
0x168: {  	v6 =	vld [tilespmem:s17+$0xFFFFFFF0];
	v11 =	vmul.f32 v62, v7;
	[tilespmem:s18+$0xFFFFFF30] =	vst v9  }
0x169: {  	v7 =	vld [tilespmem:s18+$0xFFFFFFD0];
	v63 =	vshll.u32 v60, $0x10;
	[tilespmem:s18+$0xFFFFFF40] =	vst v8  }
0x16a: {  	v13 =	vand.u32 $0xFFFF0000, v60;
	v9 =	vld [tilespmem:s18+$0xFFFFFFE0];
	[tilespmem:s16+$0xFFFFFFF0] =	vst v11;
	v11 =	vmul.f32 v63, v10  }
0x16b: {  	s21 =	simm.s32 $0x2;
	s22 =	simm.s32 $0x7CB0;
	s19 =	simm.s32 $0x2BF0;
	v8 =	vmul.f32 v13, v12;
	v10 =	vld [tilespmem:s17+$0xFFFFFF70]  }
.LBB2_9:
0x16c: {  	v12 =	vld [tilespmem:s22+$0xFFFFFFD0];
	s18 =	sadd.s32 $0x100, s18;
	[tilespmem:s16+$0xFFFFFF70] =	vst v11  }
0x16d: {  	v11 =	vld [tilespmem:s18+$0xFFFFFF90];
	v13 =	vshll.u32 v6, $0x10;
	[tilespmem:s16+$0xFFFFFF80] =	vst v8;
	s16 =	smov.u32 s19;
	s19 =	smov.u32 s18  }
0x16e: {  	v6 =	vand.u32 $0xFFFF0000, v6;
	v8 =	vld [tilespmem:s18+$0xFFFFFFA0];
	v7 =	vmul.f32 v13, v7  }
0x16f: {  	s21 =	sadd.s32 $0x2, s21;
	v13 =	vld [tilespmem:s22+$0xFFFFFF50];
	v6 =	vmul.f32 v6, v9  }
0x170: {  	p2 =	slt.u32 s21, $0x4E;
	v9 =	vld [tilespmem:s18+$0xFFFFFF10];
	v14 =	vshll.u32 v10, $0x10;
	v10 =	vand.u32 $0xFFFF0000, v10;
	[tilespmem:s16+$0xFFFFFFD0] =	vst v7  }
0x171: {  	v7 =	vld [tilespmem:s18+$0xFFFFFF20];
	v15 =	vshll.u32 v12, $0x10;
	v4 =	vmul.f32 v14, v4;
	v5 =	vmul.f32 v10, v5;
	[tilespmem:s16+$0xFFFFFFE0] =	vst v6  }
0x172: {  	v6 =	vand.u32 $0xFFFF0000, v12;
	v10 =	vmul.f32 v15, v11;
	v11 =	vld [tilespmem:s17+$0x0]  }
0x173: {  	v6 =	vmul.f32 v6, v8;
	[tilespmem:s16+$0xFFFFFF50] =	vst v4;
	v4 =	vld [tilespmem:s16+$0x0]  }
0x174: {  	v8 =	vshll.u32 v13, $0x10;
	v12 =	vand.u32 $0xFFFF0000, v13;
	v13 =	vld [tilespmem:s18+$0xFFFFFF30];
	[tilespmem:s18+$0xFFFFFF90] =	vst v10  }
0x175: {  	v8 =	vmul.f32 v8, v9;
	v9 =	vld [tilespmem:s18+$0xFFFFFF40];
	[tilespmem:s18+$0xFFFFFFA0] =	vst v6  }
0x176: {  	v6 =	vmul.f32 v12, v7;
	v7 =	vld [tilespmem:s22+$0xFFFFFFE0];
	[tilespmem:s16+$0xFFFFFF60] =	vst v5  }
0x177: {  	[tilespmem:s18+$0xFFFFFF10] =	vst v8;
	v8 =	vld [tilespmem:s18+$0xFFFFFFB0];
	v5 =	vshll.u32 v11, $0x10;
	v10 =	vand.u32 $0xFFFF0000, v11  }
0x178: {  	[tilespmem:s18+$0xFFFFFF20] =	vst v6;
	v6 =	vld [tilespmem:s18+$0xFFFFFFC0];
	v3 =	vmul.f32 v5, v3;
	v5 =	vmul.f32 v10, v4  }
0x179: {  	v10 =	vld [tilespmem:s22+$0xFFFFFF60]  }
0x17a: {  	v4 =	vld [tilespmem:s18+$0xFFFFFF50];
	[tilespmem:s16+$0x0] =	vst v5  }
0x17b: {  	v5 =	vld [tilespmem:s18+$0xFFFFFF60];
	v11 =	vshll.u32 v7, $0x10;
	[tilespmem:s16+$0xFFFFFFF0] =	vst v3  }
0x17c: {  	v3 =	vand.u32 $0xFFFF0000, v7;
	v7 =	vmul.f32 v11, v8;
	v8 =	vld [tilespmem:s17+$0xFFFFFF80];
	s17 =	smov.u32 s22  }
0x17d: {  	v12 =	vld [tilespmem:s18+$0xFFFFFF70];
	v3 =	vmul.f32 v3, v6  }
0x17e: {  	v6 =	vshll.u32 v10, $0x10;
	v10 =	vand.u32 $0xFFFF0000, v10;
	v14 =	vld [tilespmem:s18+$0xFFFFFF80];
	[tilespmem:s18+$0xFFFFFFB0] =	vst v7  }
.Ltmp8:
0x17f: {  	v7 =	vmul.f32 v6, v13;
	v9 =	vmul.f32 v10, v9;
	[tilespmem:s18+$0xFFFFFFC0] =	vst v3;
	v3 =	vld [tilespmem:s18+$0xFFFFFFF0];
	(pc) =	sbr.rel @p2 .LBB2_9-.Ltmp8, $4  }
0x180: {  	v6 =	vld [tilespmem:s22+$0xFFFFFFF0]  }
0x181: {  	[tilespmem:s18+$0xFFFFFF30] =	vst v7;
	v7 =	vld [tilespmem:s18+$0xFFFFFFD0];
	v10 =	vshll.u32 v8, $0x10;
	v8 =	vand.u32 $0xFFFF0000, v8  }
0x182: {  	[tilespmem:s18+$0xFFFFFF40] =	vst v9;
	v9 =	vld [tilespmem:s18+$0xFFFFFFE0];
	v11 =	vmul.f32 v10, v1;
	v8 =	vmul.f32 v8, v2;
	v1 =	vmov v12  }
0x183: {  	s22 =	sadd.s32 $0x100, s22;
	v10 =	vld [tilespmem:s17+$0xFFFFFF70];
	v2 =	vmov v14  }
0x184: {  	_ =	sdelay $0x1  }
0x185: {  	v12 =	vshll.u32 v6, $0x10  }
0x186: {  	v57 =	vand.u32 $0xFFFF0000, v6;
	v7 =	vmul.f32 v12, v7  }
0x187: {  	v6 =	vmul.f32 v57, v9;
	v58 =	vshll.u32 v10, $0x10  }
0x188: {  	v59 =	vand.u32 $0xFFFF0000, v10;
	[tilespmem:s19+$0xFFFFFFD0] =	vst v7;
	v4 =	vmul.f32 v58, v4  }
0x189: {  	v5 =	vmul.f32 v59, v5;
	[tilespmem:s19+$0xFFFFFFE0] =	vst v6  }
0x18a: {  	v6 =	vld [tilespmem:s17+$0x0];
	[tilespmem:s19+$0xFFFFFF50] =	vst v4  }
0x18b: {  	v60 =	vld [tilespmem:s19+$0x0];
	[tilespmem:s19+$0xFFFFFF60] =	vst v5  }
0x18c: {  	v5 =	vld [tilespmem:s17+$0xFFFFFF80];
	_ =	sdelay $0x2  }
0x18d: {  	v61 =	vand.u32 $0xFFFF0000, v6  }
0x18e: {  	[tilespmem:s16+$0xFFFFFF70] =	vst v11;
	v6 =	vshll.u32 v6, $0x10;
	v4 =	vmul.f32 v61, v60  }
0x18f: {  	[tilespmem:s16+$0xFFFFFF80] =	vst v8;
	v3 =	vmul.f32 v6, v3;
	v62 =	vshll.u32 v5, $0x10  }
0x190: {  	v63 =	vand.u32 $0xFFFF0000, v5;
	[tilespmem:s19+$0x0] =	vst v4;
	v1 =	vmul.f32 v62, v1  }
0x191: {  	[tilespmem:s19+$0xFFFFFFF0] =	vst v3;
	v2 =	vmul.f32 v63, v2  }
0x192: {  	[tilespmem:s19+$0xFFFFFF70] =	vst v1  }
0x193: {  	[tilespmem:s19+$0xFFFFFF80] =	vst v2  }
0x194: {  	[spmem:s2] =	stream.indirect.scatter.add.f32 [tilespmem:s26], [sflag:$0x7], $0x80, s7, s10, $0xb8;
	[tilespmem:$0x1DA80] =	vst v63  }
.Ltmp9:
0x195: {  	_ = 	snop;
	(pc) =	sbr.rel .LBB2_11-.Ltmp9, $4  }
0x196: {  	_ =	swait.ge [sflag:s3], $0x2800  }
0x197: {  	s16 =	sadd.s32 @!p1 s15, s30;
	[sflag:s3] =	ssyncset.done $0x0  }
0x198: {  	s18 =	simm.s32 @!p1 $0x180;
	s17 =	simm.s32 @!p1 $0x0;
	[sflag:s3] =	ssyncadd.s32 $0xFFFFD800  }
0x199: {  	[tilespmem:s18], [sflag:$0x2] =	stream.linear.gather @!p1 [hbm4b:s16+s17], $0x50, $0x38;
	[tilespmem:$0x1DA80] =	vst v63  }
.LBB2_13:
0x19a: {  	_ =	sfence.sel $0x180000  }
0x19b: {  	[bflag:$0x0] =	sbarrier.arrive $0xFFFF  }
0x19c: {  	_ =	strace $0x90000047  }
0x19d: {  	s0 =	stileid.u32;
	[bflag:$0x2] =	sbarrier.arrive $0xFFFF  }
0x19e: {  	p0 =	sne.s32 s0, $0x0;
	s0 =	rddreg [dreg:$0x3]  }
0x19f: {  	s0 =	sadd.s32 @!p0 $0x100000, s0  }
0x1a0: {  	[sflag:s0] =	ssyncadd.tile.s32 @!p0 $0x1;
	_ =	shalt  }
.Lfunc_end2:
_tile_overlayer_lowered:
.L_overlay_start_2:
0x1a1: {  	(tag) =	ssettag $0x2  }
0x1a2: {  	s0 =	rddreg [dreg:$0x0];
	s2 =	stileid.u32  }
0x1a3: {  	s1 =	rddreg [dreg:$0x1];
	p0 =	sne.s32 s2, $0x0  }
0x1a4: {  	s3 =	rddreg [dreg:$0x2];
	[bflag:$0x3] =	sbarrier.arrive $0xFFFF;
	s2 =	simm.s32 @!p0 $0x1C07  }
0x1a5: {  	[timem:s3], [sflag:s2] =	dma.local @!p0 [hbm:s0], s1  }
0x1a6: {  	s0 =	simm.s32 @!p0 $0x7  }
0x1a7: {  	_ =	swait.ge @!p0 [sflag:s0], s1  }
0x1a8: {  	s1 =	ssub.s32 @!p0 $0x0, s1;
	[sflag:s0] =	ssyncset.done @!p0 $0x0  }
0x1a9: {  	[sflag:s0] =	ssyncadd.s32 @!p0 s1  }
0x1aa: {  	[bflag:$0x3] =	sbarrier.arrive $0xFFFF  }
0x1ab: {  	_ =	shalt  }

</sc_bundles>
